<compile_context>
chip_gen: v7x
topology: tpu7x:2x2x1
jax: 0.10.2.dev20260603
libtpu: 0.0.44.dev20260713+nightly
codegen_flags: <defaults>
</compile_context>

<pallas_src>
import jax
import jax.numpy as jnp
from jax.experimental import pallas as pl
from jax.experimental.pallas import tpu as pltpu
from jax.experimental.pallas import tpu_sc as plsc

VOCAB = 100000
EMBED = 128
SEQ = 20
HIDDEN = 2048
OUT = 1000
BATCH = 16384

CHUNKS = (2048, 4096, 5120, 5120)

WINDOW = 128
BM = 512


def _sc_gather(table, idx_all, n_idx, idx_off):
    mesh = plsc.VectorSubcoreMesh(core_axis_name="core",
                                  subcore_axis_name="subcore")
    off_w = idx_off // WINDOW

    @pl.kernel(
        out_type=jax.ShapeDtypeStruct((n_idx, EMBED), table.dtype),
        mesh=mesh,
    )
    def gather_kernel(tab_hbm, i_hbm, o_hbm):
        def body(i_vmem, o_vmem):
            pltpu.sync_copy(tab_hbm.at[i_vmem.at[0]], o_vmem)

        pltpu.emit_pipeline(
            body,
            grid=(n_idx // WINDOW,),
            in_specs=[pl.BlockSpec((1, WINDOW),
                                   index_map=lambda i: (0, off_w + i))],
            out_specs=[pl.BlockSpec((WINDOW, EMBED),
                                    index_map=lambda i: (i, 0))],
            core_axis_name=("core", "subcore"),
            dimension_semantics=(pltpu.PARALLEL,),
        )(i_hbm, o_hbm)

    return gather_kernel(table, idx_all)


def _mlp_body(flat_ref, w1_ref, b1_ref, w2t_ref, b2_ref, out_ref):
    flat = flat_ref.reshape(BM, SEQ * EMBED)[...].astype(jnp.bfloat16)
    h = jnp.dot(flat, w1_ref[...], preferred_element_type=jnp.float32)
    h = jnp.maximum(h + b1_ref[...], 0.0).astype(jnp.bfloat16)
    out_t = jax.lax.dot_general(
        w2t_ref[...], h, (((1,), (1,)), ((), ())),
        preferred_element_type=jnp.float32,
    )
    out_ref[...] = out_t + b2_ref[...]


def _mlp_body_aliased(flat_ref, w1_ref, b1_ref, w2t_ref, b2_ref, prev_ref,
                      out_ref):
    del prev_ref
    _mlp_body(flat_ref, w1_ref, b1_ref, w2t_ref, b2_ref, out_ref)


def _mlp_chunk(flat, W1, b1, W2T, b2, prev, cb, row0):
    base = row0 // BM
    in_specs = [
        pl.BlockSpec((BM * SEQ, EMBED), lambda i: (i, 0)),
        pl.BlockSpec((SEQ * EMBED, HIDDEN), lambda i: (0, 0)),
        pl.BlockSpec((1, HIDDEN), lambda i: (0, 0)),
        pl.BlockSpec((OUT, HIDDEN), lambda i: (0, 0)),
        pl.BlockSpec((OUT, 1), lambda i: (0, 0)),
    ]
    args = [flat, W1, b1, W2T, b2]
    body = _mlp_body
    aliases = {}
    if prev is not None:
        in_specs.append(pl.BlockSpec(memory_space=pl.ANY))
        args.append(prev)
        body = _mlp_body_aliased
        aliases = {5: 0}
    return pl.pallas_call(
        body,
        grid=(cb // BM,),
        in_specs=in_specs,
        out_specs=pl.BlockSpec((OUT, BM), lambda i: (0, base + i)),
        out_shape=jax.ShapeDtypeStruct((OUT, BATCH), jnp.float32),
        input_output_aliases=aliases,
    )(*args)


def kernel(x, table, W1, b1, W2, b2):
    w1_h = W1.astype(jnp.bfloat16)
    w2t_h = W2.T.astype(jnp.bfloat16)
    b1r = b1.reshape(1, HIDDEN)
    b2r = b2.reshape(OUT, 1)
    starts = [sum(CHUNKS[:c]) for c in range(len(CHUNKS))]
    idx_all = x.reshape(1, BATCH * SEQ)
    flats = [_sc_gather(table, idx_all, cb * SEQ, r0 * SEQ)
             for r0, cb in zip(starts, CHUNKS)]
    out_t = None
    for c, (r0, cb) in enumerate(zip(starts, CHUNKS)):
        out_t = _mlp_chunk(flats[c], w1_h, b1r, w2t_h, b2r, out_t, cb, r0)
    return out_t.T

# --- scband reference (transcript-rebuilt; emitter-appended) ---
"""Pipeline reference for scband-name-classifier-14886356648281 (READ-ONLY COPY).

The authoritative reference and input builder live on the scoring server;
editing this copy changes nothing except your own understanding.
"""

import jax, jax.numpy as jnp
import numpy as np

VOCAB = 100000
EMBED_DIM = 128
SEQ = 20
HIDDEN = 2048
OUT = 1000
BATCH = 16384

def setup_inputs(seed: int = 0) -> dict:
    key = jax.random.key(seed)
    k1, k2, k3, k4, k5, k6 = jax.random.split(key, 6)
    x = jax.random.randint(k1, (BATCH, SEQ), 0, VOCAB, dtype=jnp.int64 if jax.config.jax_enable_x64 else jnp.int32)
    table = jax.random.normal(k2, (VOCAB, EMBED_DIM), dtype=jnp.float32)
    fan_in1 = EMBED_DIM * SEQ
    W1 = jax.random.uniform(k3, (fan_in1, HIDDEN), minval=-1.0, maxval=1.0, dtype=jnp.float32) / np.sqrt(fan_in1)
    b1 = jax.random.uniform(k4, (HIDDEN,), minval=-1.0, maxval=1.0, dtype=jnp.float32) / np.sqrt(fan_in1)
    W2 = jax.random.uniform(k5, (HIDDEN, OUT), minval=-1.0, maxval=1.0, dtype=jnp.float32) / np.sqrt(HIDDEN)
    b2 = jax.random.uniform(k6, (OUT,), minval=-1.0, maxval=1.0, dtype=jnp.float32) / np.sqrt(HIDDEN)
    return {"x": x, "table": table, "W1": W1, "b1": b1, "W2": W2, "b2": b2}

def reference(x, table, W1, b1, W2, b2):
    # embedding lookup (gather)
    embedded = jnp.take(table, x, axis=0)  # [B, SEQ, EMBED_DIM]
    flat = embedded.reshape(embedded.shape[0], -1)  # [B, SEQ*EMBED_DIM]
    hidden = flat @ W1 + b1
    hidden = jax.nn.relu(hidden)
    # dropout is identity in eval mode
    output = hidden @ W2 + b2
    return output

if __name__ == "__main__":
    import jax
    _d = setup_inputs()
    print(jax.jit(kernel)(*tuple(_d.values())))

</pallas_src>

<mosaic_0001>
#map = affine_map<(d0, d1) -> (0, 0)>
module attributes {stable_mosaic.version = 14 : i64} {
  func.func @gather_kernel(%arg0: i32, %arg1: i32, %arg2: memref<100000x128xf32, #tpu.memory_space<hbm>>, %arg3: memref<1x327680xi32, #tpu.memory_space<hbm>>, %arg4: memref<102400x128xf32, #tpu.memory_space<hbm>>) attributes {dimension_semantics = [#tpu.dimension_semantics<core_parallel>, #tpu.dimension_semantics<subcore_parallel>], iteration_bounds = array<i64: 2, 16>, scalar_prefetch = 0 : i64, scratch_operands = 0 : i64, tpu.core_type = #tpu.core_type<sc_vector_subcore>, window_params = [{transform_indices = #map}, {transform_indices = #map}, {transform_indices = #map}]} {
    %mul3A = arith.constant 1 : i32
    %mul3A_0 = arith.muli %arg1, %mul3A : i32
    %add3A = arith.constant 0 : i32
    %add3A_1 = arith.addi %add3A, %mul3A_0 : i32
    %mul3A_2 = arith.constant 16 : i32
    %mul3A_3 = arith.muli %arg0, %mul3A_2 : i32
    %add3A_4 = arith.addi %add3A_1, %mul3A_3 : i32
    %mul3A_5 = arith.constant 25 : i32
    %mul3A_6 = arith.muli %add3A_4, %mul3A_5 : i32
    "tpu.region"() ({
      %run_scoped3A = memref.alloca() : memref<2x1x128xi32, #tpu.memory_space<vmem>>
      %run_scoped3A_7 = tpu.sem_alloc : memref<2x!tpu.dma_semaphore, #tpu.memory_space<semaphore_mem>>
      %run_scoped3A_8 = memref.alloca() : memref<2x128x128xf32, #tpu.memory_space<vmem>>
      %run_scoped3A_9 = tpu.sem_alloc : memref<2x!tpu.dma_semaphore, #tpu.memory_space<semaphore_mem>>
      %add3A_10 = arith.constant 0 : i32
      %add3A_11 = arith.addi %add3A_10, %mul3A_6 : i32
      %select_n3A = arith.constant true
      %select_n3A_12 = arith.constant 0 : i32
      %select_n3A_13 = arith.constant -1 : i32
      %select_n3A_14 = arith.select %select_n3A, %select_n3A_13, %select_n3A_12 : i32
      %eq3A = arith.constant -1 : i32
      %eq3A_15 = arith.cmpi eq, %select_n3A_14, %eq3A : i32
      %select_n3A_16 = arith.constant 24 : i32
      %select_n3A_17 = arith.select %eq3A_15, %select_n3A_16, %select_n3A_14 : i32
      %add3A_18 = arith.addi %select_n3A_17, %mul3A_6 : i32
      %select_n3A_19 = arith.constant true
      %select_n3A_20 = arith.constant 0 : i32
      %select_n3A_21 = arith.constant 1 : i32
      %select_n3A_22 = arith.select %select_n3A_19, %select_n3A_21, %select_n3A_20 : i32
      %eq3A_23 = arith.constant 25 : i32
      %eq3A_24 = arith.cmpi eq, %select_n3A_22, %eq3A_23 : i32
      %select_n3A_25 = arith.constant 0 : i32
      %select_n3A_26 = arith.select %eq3A_24, %select_n3A_25, %select_n3A_22 : i32
      %add3A_27 = arith.addi %select_n3A_26, %mul3A_6 : i32
      %add3A_28 = arith.constant 1 : i32
      %add3A_29 = arith.addi %select_n3A_26, %add3A_28 : i32
      %select_n3A_30 = arith.constant true
      %select_n3A_31 = arith.select %select_n3A_30, %add3A_29, %select_n3A_26 : i32
      %eq3A_32 = arith.constant 25 : i32
      %eq3A_33 = arith.cmpi eq, %select_n3A_31, %eq3A_32 : i32
      %select_n3A_34 = arith.constant 0 : i32
      %select_n3A_35 = arith.select %eq3A_33, %select_n3A_34, %select_n3A_31 : i32
      %add3A_36 = arith.addi %select_n3A_35, %mul3A_6 : i32
      "tpu.trace_start"() <{level = 10 : i32, message = "ep_initialize_0"}> : () -> ()
      %rem3A = arith.constant 0 : i32
      %rem3A_37 = arith.constant 2 : i32
      %rem3A_38 = arith.remui %rem3A, %rem3A_37 : i32
      %add3A_39 = arith.constant 960 : i32
      %add3A_40 = arith.addi %add3A_39, %add3A_11 : i32
      %mul3A_41 = arith.constant 128 : i32
      %mul3A_42 = arith.muli %mul3A_41, %add3A_40 : i32
      %dma_start3A = arith.constant 0 : i32
      %dma_start3A_43 = arith.constant 0 : i32
      %dma_start3A_44 = tpu.memref_slice %run_scoped3A[%rem3A_38, %dma_start3A, %dma_start3A_43] : memref<2x1x128xi32, #tpu.memory_space<vmem>> -> memref<1x1x128xi32, #tpu.memory_space<vmem>>
      %dma_start3A_45 = tpu.memref_squeeze %dma_start3A_44 : memref<1x1x128xi32, #tpu.memory_space<vmem>> -> memref<1x128xi32, #tpu.memory_space<vmem>>
      %dma_start3A_46 = arith.constant 0 : i32
      %dma_start3A_47 = tpu.memref_slice %arg3[%dma_start3A_46, %mul3A_42] : memref<1x327680xi32, #tpu.memory_space<hbm>> -> memref<1x128xi32, #tpu.memory_space<hbm>>
      %dma_start3A_48 = tpu.memref_slice %run_scoped3A_7[%rem3A_38] : memref<2x!tpu.dma_semaphore, #tpu.memory_space<semaphore_mem>> -> memref<1x!tpu.dma_semaphore, #tpu.memory_space<semaphore_mem>>
      %dma_start3A_49 = tpu.memref_squeeze %dma_start3A_48 : memref<1x!tpu.dma_semaphore, #tpu.memory_space<semaphore_mem>> -> memref<!tpu.dma_semaphore, #tpu.memory_space<semaphore_mem>>
      %dma_start3A_50 = arith.constant 0 : i32
      %dma_start3A_51 = arith.constant 0 : i32
      %dma_start3A_52 = tpu.memref_slice %run_scoped3A[%rem3A_38, %dma_start3A_50, %dma_start3A_51] : memref<2x1x128xi32, #tpu.memory_space<vmem>> -> memref<1x1x128xi32, #tpu.memory_space<vmem>>
      %dma_start3A_53 = tpu.memref_squeeze %dma_start3A_52 : memref<1x1x128xi32, #tpu.memory_space<vmem>> -> memref<1x128xi32, #tpu.memory_space<vmem>>
      %dma_start3A_54 = arith.constant 0 : i32
      %dma_start3A_55 = tpu.memref_slice %arg3[%dma_start3A_54, %mul3A_42] : memref<1x327680xi32, #tpu.memory_space<hbm>> -> memref<1x128xi32, #tpu.memory_space<hbm>>
      tpu.enqueue_dma source(%dma_start3A_55 : memref<1x128xi32, #tpu.memory_space<hbm>>) target(%dma_start3A_53 : memref<1x128xi32, #tpu.memory_space<vmem>>) target_semaphore(%dma_start3A_49 : memref<!tpu.dma_semaphore, #tpu.memory_space<semaphore_mem>>)
      %add3A_56 = arith.constant 0 : i32
      %add3A_57 = arith.constant 1 : i32
      %add3A_58 = arith.addi %add3A_56, %add3A_57 : i32
      %select_n3A_59 = arith.constant true
      %select_n3A_60 = arith.constant 0 : i32
      %select_n3A_61 = arith.select %select_n3A_59, %add3A_58, %select_n3A_60 : i32
      "tpu.trace_stop"() : () -> ()
      %scan3A = arith.constant 0 : i32
      %scan3A_62 = arith.constant 0 : i32
      %scan3A_63 = arith.constant 0 : i32
      %scan3A_64 = arith.constant 0 : i32
      %scan3A_65 = arith.constant 0 : i32
      %scan3A_66 = arith.constant 25 : i32
      %scan3A_67 = arith.addi %scan3A_65, %scan3A_66 : i32
      %scan3A_68 = arith.constant 1 : i32
      %scan3A_69:5 = scf.for %scan3A_123 = %scan3A_65 to %scan3A_67 step %scan3A_68 iter_args(%scan3A_124 = %select_n3A_61, %scan3A_125 = %scan3A, %scan3A_126 = %scan3A_62, %scan3A_127 = %scan3A_63, %scan3A_128 = %scan3A_64) -> (i32, i32, i32, i32, i32)  : i32 {
        %eq3A_129 = arith.constant 0 : i32
        %eq3A_130 = arith.cmpi eq, %scan3A_123, %eq3A_129 : i32
        %eq3A_131 = arith.constant 24 : i32
        %eq3A_132 = arith.cmpi eq, %scan3A_123, %eq3A_131 : i32
        %add3A_133 = arith.addi %scan3A_128, %mul3A_6 : i32
        %sub3A_134 = arith.constant 1 : i32
        %sub3A_135 = arith.subi %scan3A_128, %sub3A_134 : i32
        %select_n3A_136 = arith.constant true
        %select_n3A_137 = arith.select %select_n3A_136, %sub3A_135, %scan3A_128 : i32
        %eq3A_138 = arith.constant -1 : i32
        %eq3A_139 = arith.cmpi eq, %select_n3A_137, %eq3A_138 : i32
        %select_n3A_140 = arith.constant 24 : i32
        %select_n3A_141 = arith.select %eq3A_139, %select_n3A_140, %select_n3A_137 : i32
        %add3A_142 = arith.addi %select_n3A_141, %mul3A_6 : i32
        %add3A_143 = arith.constant 1 : i32
        %add3A_144 = arith.addi %scan3A_128, %add3A_143 : i32
        %select_n3A_145 = arith.constant true
        %select_n3A_146 = arith.select %select_n3A_145, %add3A_144, %scan3A_128 : i32
        %eq3A_147 = arith.constant 25 : i32
        %eq3A_148 = arith.cmpi eq, %select_n3A_146, %eq3A_147 : i32
        %select_n3A_149 = arith.constant 0 : i32
        %select_n3A_150 = arith.select %eq3A_148, %select_n3A_149, %select_n3A_146 : i32
        %add3A_151 = arith.addi %select_n3A_150, %mul3A_6 : i32
        %add3A_152 = arith.constant 1 : i32
        %add3A_153 = arith.addi %select_n3A_150, %add3A_152 : i32
        %select_n3A_154 = arith.constant true
        %select_n3A_155 = arith.select %select_n3A_154, %add3A_153, %select_n3A_150 : i32
        %eq3A_156 = arith.constant 25 : i32
        %eq3A_157 = arith.cmpi eq, %select_n3A_155, %eq3A_156 : i32
        %select_n3A_158 = arith.constant 0 : i32
        %select_n3A_159 = arith.select %eq3A_157, %select_n3A_158, %select_n3A_155 : i32
        %add3A_160 = arith.addi %select_n3A_159, %mul3A_6 : i32
        %add3A_161 = arith.constant 960 : i32
        %add3A_162 = arith.addi %add3A_161, %add3A_133 : i32
        %add3A_163 = arith.constant 960 : i32
        %add3A_164 = arith.addi %add3A_163, %add3A_151 : i32
        %ne3A = arith.cmpi ne, %add3A_162, %add3A_164 : i32
        %or3A = arith.constant false
        %or3A_165 = arith.ori %or3A, %ne3A : i1
        %ge3A = arith.constant 24 : i32
        %ge3A_166 = arith.cmpi sge, %scan3A_123, %ge3A : i32
        %not3A = arith.constant true
        %not3A_167 = arith.xori %ge3A_166, %not3A : i1
        %and3A = arith.andi %or3A_165, %not3A_167 : i1
        %convert_element_type3A = arith.extui %and3A : i1 to i32
        %cond3A = arith.constant 0 : i32
        %cond3A_168 = arith.cmpi ne, %convert_element_type3A, %cond3A : i32
        scf.if %cond3A_168 {
          "tpu.trace_start"() <{level = 10 : i32, message = "ep_copy_in"}> : () -> ()
          %rem3A_286 = arith.constant 2 : i32
          %rem3A_287 = arith.remui %scan3A_124, %rem3A_286 : i32
          %add3A_288 = arith.constant 960 : i32
          %add3A_289 = arith.addi %add3A_288, %add3A_151 : i32
          %mul3A_290 = arith.constant 128 : i32
          %mul3A_291 = arith.muli %mul3A_290, %add3A_289 : i32
          %dma_start3A_292 = arith.constant 0 : i32
          %dma_start3A_293 = arith.constant 0 : i32
          %dma_start3A_294 = tpu.memref_slice %run_scoped3A[%rem3A_287, %dma_start3A_292, %dma_start3A_293] : memref<2x1x128xi32, #tpu.memory_space<vmem>> -> memref<1x1x128xi32, #tpu.memory_space<vmem>>
          %dma_start3A_295 = tpu.memref_squeeze %dma_start3A_294 : memref<1x1x128xi32, #tpu.memory_space<vmem>> -> memref<1x128xi32, #tpu.memory_space<vmem>>
          %dma_start3A_296 = arith.constant 0 : i32
          %dma_start3A_297 = tpu.memref_slice %arg3[%dma_start3A_296, %mul3A_291] : memref<1x327680xi32, #tpu.memory_space<hbm>> -> memref<1x128xi32, #tpu.memory_space<hbm>>
          %dma_start3A_298 = tpu.memref_slice %run_scoped3A_7[%rem3A_287] : memref<2x!tpu.dma_semaphore, #tpu.memory_space<semaphore_mem>> -> memref<1x!tpu.dma_semaphore, #tpu.memory_space<semaphore_mem>>
          %dma_start3A_299 = tpu.memref_squeeze %dma_start3A_298 : memref<1x!tpu.dma_semaphore, #tpu.memory_space<semaphore_mem>> -> memref<!tpu.dma_semaphore, #tpu.memory_space<semaphore_mem>>
          %dma_start3A_300 = arith.constant 0 : i32
          %dma_start3A_301 = arith.constant 0 : i32
          %dma_start3A_302 = tpu.memref_slice %run_scoped3A[%rem3A_287, %dma_start3A_300, %dma_start3A_301] : memref<2x1x128xi32, #tpu.memory_space<vmem>> -> memref<1x1x128xi32, #tpu.memory_space<vmem>>
          %dma_start3A_303 = tpu.memref_squeeze %dma_start3A_302 : memref<1x1x128xi32, #tpu.memory_space<vmem>> -> memref<1x128xi32, #tpu.memory_space<vmem>>
          %dma_start3A_304 = arith.constant 0 : i32
          %dma_start3A_305 = tpu.memref_slice %arg3[%dma_start3A_304, %mul3A_291] : memref<1x327680xi32, #tpu.memory_space<hbm>> -> memref<1x128xi32, #tpu.memory_space<hbm>>
          tpu.enqueue_dma source(%dma_start3A_305 : memref<1x128xi32, #tpu.memory_space<hbm>>) target(%dma_start3A_303 : memref<1x128xi32, #tpu.memory_space<vmem>>) target_semaphore(%dma_start3A_299 : memref<!tpu.dma_semaphore, #tpu.memory_space<semaphore_mem>>)
          "tpu.trace_stop"() : () -> ()
        } else {
        }
        %and3A_169 = arith.constant true
        %and3A_170 = arith.andi %and3A, %and3A_169 : i1
        %add3A_171 = arith.constant 1 : i32
        %add3A_172 = arith.addi %scan3A_124, %add3A_171 : i32
        %select_n3A_173 = arith.select %and3A_170, %add3A_172, %scan3A_124 : i32
        %ne3A_174 = arith.cmpi ne, %add3A_133, %add3A_151 : i32
        %or3A_175 = arith.constant false
        %or3A_176 = arith.ori %or3A_175, %ne3A_174 : i1
        %or3A_177 = arith.constant false
        %or3A_178 = arith.ori %or3A_176, %or3A_177 : i1
        %ge3A_179 = arith.constant 24 : i32
        %ge3A_180 = arith.cmpi sge, %scan3A_123, %ge3A_179 : i32
        %not3A_181 = arith.constant true
        %not3A_182 = arith.xori %ge3A_180, %not3A_181 : i1
        %and3A_183 = arith.andi %or3A_178, %not3A_182 : i1
        %add3A_184 = arith.constant 960 : i32
        %add3A_185 = arith.addi %add3A_184, %add3A_133 : i32
        %add3A_186 = arith.constant 960 : i32
        %add3A_187 = arith.addi %add3A_186, %add3A_142 : i32
        %ne3A_188 = arith.cmpi ne, %add3A_185, %add3A_187 : i32
        %or3A_189 = arith.constant false
        %or3A_190 = arith.ori %or3A_189, %ne3A_188 : i1
        %or3A_191 = arith.ori %or3A_190, %eq3A_130 : i1
        %convert_element_type3A_192 = arith.extui %or3A_191 : i1 to i32
        %cond3A_193 = arith.constant 0 : i32
        %cond3A_194 = arith.cmpi ne, %convert_element_type3A_192, %cond3A_193 : i32
        scf.if %cond3A_194 {
          "tpu.trace_start"() <{level = 10 : i32, message = "ep_wait_in"}> : () -> ()
          %add3A_286 = arith.constant 960 : i32
          %add3A_287 = arith.addi %add3A_286, %add3A_133 : i32
          %mul3A_288 = arith.constant 128 : i32
          %mul3A_289 = arith.muli %mul3A_288, %add3A_287 : i32
          %rem3A_290 = arith.constant 2 : i32
          %rem3A_291 = arith.remui %scan3A_125, %rem3A_290 : i32
          %dma_wait3A_292 = arith.constant 0 : i32
          %dma_wait3A_293 = arith.constant 0 : i32
          %dma_wait3A_294 = tpu.memref_slice %run_scoped3A[%rem3A_291, %dma_wait3A_292, %dma_wait3A_293] : memref<2x1x128xi32, #tpu.memory_space<vmem>> -> memref<1x1x128xi32, #tpu.memory_space<vmem>>
          %dma_wait3A_295 = tpu.memref_squeeze %dma_wait3A_294 : memref<1x1x128xi32, #tpu.memory_space<vmem>> -> memref<1x128xi32, #tpu.memory_space<vmem>>
          %dma_wait3A_296 = arith.constant 0 : i32
          %dma_wait3A_297 = tpu.memref_slice %arg3[%dma_wait3A_296, %mul3A_289] : memref<1x327680xi32, #tpu.memory_space<hbm>> -> memref<1x128xi32, #tpu.memory_space<hbm>>
          %dma_wait3A_298 = tpu.memref_slice %run_scoped3A_7[%rem3A_291] : memref<2x!tpu.dma_semaphore, #tpu.memory_space<semaphore_mem>> -> memref<1x!tpu.dma_semaphore, #tpu.memory_space<semaphore_mem>>
          %dma_wait3A_299 = tpu.memref_squeeze %dma_wait3A_298 : memref<1x!tpu.dma_semaphore, #tpu.memory_space<semaphore_mem>> -> memref<!tpu.dma_semaphore, #tpu.memory_space<semaphore_mem>>
          %dma_wait3A_300 = arith.constant 0 : i32
          %dma_wait3A_301 = arith.constant 0 : i32
          %dma_wait3A_302 = tpu.memref_slice %run_scoped3A[%rem3A_291, %dma_wait3A_300, %dma_wait3A_301] : memref<2x1x128xi32, #tpu.memory_space<vmem>> -> memref<1x1x128xi32, #tpu.memory_space<vmem>>
          %dma_wait3A_303 = tpu.memref_squeeze %dma_wait3A_302 : memref<1x1x128xi32, #tpu.memory_space<vmem>> -> memref<1x128xi32, #tpu.memory_space<vmem>>
          %dma_wait3A_304 = arith.constant 0 : i32
          %dma_wait3A_305 = tpu.memref_slice %arg3[%dma_wait3A_304, %mul3A_289] : memref<1x327680xi32, #tpu.memory_space<hbm>> -> memref<1x128xi32, #tpu.memory_space<hbm>>
          tpu.wait_dma2 semaphore(%dma_wait3A_299 : memref<!tpu.dma_semaphore, #tpu.memory_space<semaphore_mem>>) src(%dma_wait3A_305 : memref<1x128xi32, #tpu.memory_space<hbm>>) dst(%dma_wait3A_303 : memref<1x128xi32, #tpu.memory_space<vmem>>)
          "tpu.trace_stop"() : () -> ()
        } else {
        }
        %ne3A_195 = arith.cmpi ne, %add3A_133, %add3A_142 : i32
        %or3A_196 = arith.constant false
        %or3A_197 = arith.ori %or3A_196, %ne3A_195 : i1
        %or3A_198 = arith.constant false
        %or3A_199 = arith.ori %or3A_197, %or3A_198 : i1
        %or3A_200 = arith.ori %or3A_199, %eq3A_130 : i1
        %convert_element_type3A_201 = arith.extui %or3A_200 : i1 to i32
        %cond3A_202 = arith.constant 0 : i32
        %cond3A_203 = arith.cmpi ne, %convert_element_type3A_201, %cond3A_202 : i32
        scf.if %cond3A_203 {
        } else {
        }
        %rem3A_204 = arith.constant 2 : i32
        %rem3A_205 = arith.remui %scan3A_125, %rem3A_204 : i32
        %rem3A_206 = arith.constant 2 : i32
        %rem3A_207 = arith.remui %scan3A_126, %rem3A_206 : i32
        %run_scoped3A_208 = arith.constant 0 : i32
        "tpu.trace_start"() <{level = 10 : i32, message = "ep_run_kernel"}> : () -> ()
        "tpu.region"() ({
          %run_scoped3A_286 = tpu.sem_alloc : memref<!tpu.dma_semaphore, #tpu.memory_space<semaphore_mem>>
          %dma_start3A_287 = arith.constant 0 : i32
          %dma_start3A_288 = arith.constant 0 : i32
          %dma_start3A_289 = tpu.memref_slice %run_scoped3A_8[%rem3A_207, %dma_start3A_287, %dma_start3A_288] : memref<2x128x128xf32, #tpu.memory_space<vmem>> -> memref<1x128x128xf32, #tpu.memory_space<vmem>>
          %dma_start3A_290 = tpu.memref_squeeze %dma_start3A_289 : memref<1x128x128xf32, #tpu.memory_space<vmem>> -> memref<128x128xf32, #tpu.memory_space<vmem>>
          %dma_start3A_291 = arith.constant 0 : i32
          %dma_start3A_292 = arith.constant 0 : i32
          %dma_start3A_293 = tpu.memref_slice %run_scoped3A[%rem3A_205, %dma_start3A_291, %dma_start3A_292] : memref<2x1x128xi32, #tpu.memory_space<vmem>> -> memref<1x1x128xi32, #tpu.memory_space<vmem>>
          %dma_start3A_294 = tpu.memref_squeeze %dma_start3A_293 : memref<1x1x128xi32, #tpu.memory_space<vmem>> -> memref<1x128xi32, #tpu.memory_space<vmem>>
          %dma_start3A_295 = arith.constant 0 : i32
          %dma_start3A_296 = tpu.memref_slice %dma_start3A_294[%run_scoped3A_208, %dma_start3A_295] : memref<1x128xi32, #tpu.memory_space<vmem>> -> memref<1x128xi32, #tpu.memory_space<vmem>>
          %dma_start3A_297 = tpu.memref_squeeze %dma_start3A_296 : memref<1x128xi32, #tpu.memory_space<vmem>> -> memref<128xi32, #tpu.memory_space<vmem>>
          %dma_start3A_298 = arith.constant 0 : i32
          %dma_start3A_299 = arith.constant 0 : i32
          %dma_start3A_300 = tpu.memref_slice %arg2[%dma_start3A_298, %dma_start3A_299] : memref<100000x128xf32, #tpu.memory_space<hbm>> -> memref<100000x128xf32, #tpu.memory_space<hbm>>
          tpu.enqueue_indirect_dma source(%dma_start3A_300 : memref<100000x128xf32, #tpu.memory_space<hbm>>) target(%dma_start3A_290 : memref<128x128xf32, #tpu.memory_space<vmem>>) offsets(%dma_start3A_297 : memref<128xi32, #tpu.memory_space<vmem>>) semaphore(%run_scoped3A_286 : memref<!tpu.dma_semaphore, #tpu.memory_space<semaphore_mem>>)
          %dma_wait3A_301 = arith.constant 0 : i32
          %dma_wait3A_302 = arith.constant 0 : i32
          %dma_wait3A_303 = tpu.memref_slice %run_scoped3A_8[%rem3A_207, %dma_wait3A_301, %dma_wait3A_302] : memref<2x128x128xf32, #tpu.memory_space<vmem>> -> memref<1x128x128xf32, #tpu.memory_space<vmem>>
          %dma_wait3A_304 = tpu.memref_squeeze %dma_wait3A_303 : memref<1x128x128xf32, #tpu.memory_space<vmem>> -> memref<128x128xf32, #tpu.memory_space<vmem>>
          %dma_wait3A_305 = arith.constant 0 : i32
          %dma_wait3A_306 = arith.constant 0 : i32
          %dma_wait3A_307 = tpu.memref_slice %run_scoped3A[%rem3A_205, %dma_wait3A_305, %dma_wait3A_306] : memref<2x1x128xi32, #tpu.memory_space<vmem>> -> memref<1x1x128xi32, #tpu.memory_space<vmem>>
          %dma_wait3A_308 = tpu.memref_squeeze %dma_wait3A_307 : memref<1x1x128xi32, #tpu.memory_space<vmem>> -> memref<1x128xi32, #tpu.memory_space<vmem>>
          %dma_wait3A_309 = arith.constant 0 : i32
          %dma_wait3A_310 = tpu.memref_slice %dma_wait3A_308[%run_scoped3A_208, %dma_wait3A_309] : memref<1x128xi32, #tpu.memory_space<vmem>> -> memref<1x128xi32, #tpu.memory_space<vmem>>
          %dma_wait3A_311 = tpu.memref_squeeze %dma_wait3A_310 : memref<1x128xi32, #tpu.memory_space<vmem>> -> memref<128xi32, #tpu.memory_space<vmem>>
          %dma_wait3A_312 = arith.constant 0 : i32
          %dma_wait3A_313 = arith.constant 0 : i32
          %dma_wait3A_314 = tpu.memref_slice %arg2[%dma_wait3A_312, %dma_wait3A_313] : memref<100000x128xf32, #tpu.memory_space<hbm>> -> memref<100000x128xf32, #tpu.memory_space<hbm>>
          tpu.wait_indirect_dma semaphore(%run_scoped3A_286 : memref<!tpu.dma_semaphore, #tpu.memory_space<semaphore_mem>>) src(%dma_wait3A_314 : memref<100000x128xf32, #tpu.memory_space<hbm>>) dst(%dma_wait3A_304 : memref<128x128xf32, #tpu.memory_space<vmem>>)
          tpu.yield
        }) : () -> ()
        "tpu.trace_stop"() : () -> ()
        %add3A_209 = arith.constant 960 : i32
        %add3A_210 = arith.addi %add3A_209, %add3A_133 : i32
        %add3A_211 = arith.constant 960 : i32
        %add3A_212 = arith.addi %add3A_211, %add3A_151 : i32
        %ne3A_213 = arith.cmpi ne, %add3A_210, %add3A_212 : i32
        %or3A_214 = arith.constant false
        %or3A_215 = arith.ori %or3A_214, %ne3A_213 : i1
        %or3A_216 = arith.ori %or3A_215, %eq3A_132 : i1
        %convert_element_type3A_217 = arith.extui %or3A_216 : i1 to i32
        %cond3A_218 = arith.constant 0 : i32
        %cond3A_219 = arith.cmpi ne, %convert_element_type3A_217, %cond3A_218 : i32
        scf.if %cond3A_219 {
        } else {
        }
        %and3A_220 = arith.constant false
        %and3A_221 = arith.andi %or3A_216, %and3A_220 : i1
        %ne3A_222 = arith.cmpi ne, %add3A_133, %add3A_151 : i32
        %or3A_223 = arith.constant false
        %or3A_224 = arith.ori %or3A_223, %ne3A_222 : i1
        %or3A_225 = arith.constant false
        %or3A_226 = arith.ori %or3A_224, %or3A_225 : i1
        %or3A_227 = arith.ori %or3A_226, %eq3A_132 : i1
        %convert_element_type3A_228 = arith.extui %or3A_227 : i1 to i32
        %cond3A_229 = arith.constant 0 : i32
        %cond3A_230 = arith.cmpi ne, %convert_element_type3A_228, %cond3A_229 : i32
        scf.if %cond3A_230 {
          "tpu.trace_start"() <{level = 10 : i32, message = "ep_copy_out"}> : () -> ()
          %rem3A_286 = arith.constant 2 : i32
          %rem3A_287 = arith.remui %scan3A_126, %rem3A_286 : i32
          %mul3A_288 = arith.constant 128 : i32
          %mul3A_289 = arith.muli %mul3A_288, %add3A_133 : i32
          %dma_start3A_290 = arith.constant 0 : i32
          %dma_start3A_291 = arith.constant 0 : i32
          %dma_start3A_292 = tpu.memref_slice %run_scoped3A_8[%rem3A_287, %dma_start3A_290, %dma_start3A_291] : memref<2x128x128xf32, #tpu.memory_space<vmem>> -> memref<1x128x128xf32, #tpu.memory_space<vmem>>
          %dma_start3A_293 = tpu.memref_squeeze %dma_start3A_292 : memref<1x128x128xf32, #tpu.memory_space<vmem>> -> memref<128x128xf32, #tpu.memory_space<vmem>>
          %dma_start3A_294 = arith.constant 0 : i32
          %dma_start3A_295 = tpu.memref_slice %arg4[%mul3A_289, %dma_start3A_294] : memref<102400x128xf32, #tpu.memory_space<hbm>> -> memref<128x128xf32, #tpu.memory_space<hbm>>
          %dma_start3A_296 = tpu.memref_slice %run_scoped3A_9[%rem3A_287] : memref<2x!tpu.dma_semaphore, #tpu.memory_space<semaphore_mem>> -> memref<1x!tpu.dma_semaphore, #tpu.memory_space<semaphore_mem>>
          %dma_start3A_297 = tpu.memref_squeeze %dma_start3A_296 : memref<1x!tpu.dma_semaphore, #tpu.memory_space<semaphore_mem>> -> memref<!tpu.dma_semaphore, #tpu.memory_space<semaphore_mem>>
          %dma_start3A_298 = arith.constant 0 : i32
          %dma_start3A_299 = tpu.memref_slice %arg4[%mul3A_289, %dma_start3A_298] : memref<102400x128xf32, #tpu.memory_space<hbm>> -> memref<128x128xf32, #tpu.memory_space<hbm>>
          %dma_start3A_300 = arith.constant 0 : i32
          %dma_start3A_301 = arith.constant 0 : i32
          %dma_start3A_302 = tpu.memref_slice %run_scoped3A_8[%rem3A_287, %dma_start3A_300, %dma_start3A_301] : memref<2x128x128xf32, #tpu.memory_space<vmem>> -> memref<1x128x128xf32, #tpu.memory_space<vmem>>
          %dma_start3A_303 = tpu.memref_squeeze %dma_start3A_302 : memref<1x128x128xf32, #tpu.memory_space<vmem>> -> memref<128x128xf32, #tpu.memory_space<vmem>>
          tpu.enqueue_dma source(%dma_start3A_303 : memref<128x128xf32, #tpu.memory_space<vmem>>) target(%dma_start3A_299 : memref<128x128xf32, #tpu.memory_space<hbm>>) target_semaphore(%dma_start3A_297 : memref<!tpu.dma_semaphore, #tpu.memory_space<semaphore_mem>>)
          "tpu.trace_stop"() : () -> ()
        } else {
        }
        %and3A_231 = arith.constant true
        %and3A_232 = arith.andi %or3A_227, %and3A_231 : i1
        %add3A_233 = arith.constant 1 : i32
        %add3A_234 = arith.addi %scan3A_126, %add3A_233 : i32
        %select_n3A_235 = arith.select %and3A_232, %add3A_234, %scan3A_126 : i32
        %add3A_236 = arith.constant 960 : i32
        %add3A_237 = arith.addi %add3A_236, %add3A_133 : i32
        %add3A_238 = arith.constant 960 : i32
        %add3A_239 = arith.addi %add3A_238, %add3A_142 : i32
        %ne3A_240 = arith.cmpi ne, %add3A_237, %add3A_239 : i32
        %or3A_241 = arith.constant false
        %or3A_242 = arith.ori %or3A_241, %ne3A_240 : i1
        %not3A_243 = arith.constant true
        %not3A_244 = arith.xori %eq3A_130, %not3A_243 : i1
        %and3A_245 = arith.andi %or3A_242, %not3A_244 : i1
        %convert_element_type3A_246 = arith.extui %and3A_245 : i1 to i32
        %cond3A_247 = arith.constant 0 : i32
        %cond3A_248 = arith.cmpi ne, %convert_element_type3A_246, %cond3A_247 : i32
        scf.if %cond3A_248 {
        } else {
        }
        %and3A_249 = arith.constant false
        %and3A_250 = arith.andi %and3A_245, %and3A_249 : i1
        %ne3A_251 = arith.cmpi ne, %add3A_133, %add3A_142 : i32
        %or3A_252 = arith.constant false
        %or3A_253 = arith.ori %or3A_252, %ne3A_251 : i1
        %or3A_254 = arith.constant false
        %or3A_255 = arith.ori %or3A_253, %or3A_254 : i1
        %not3A_256 = arith.constant true
        %not3A_257 = arith.xori %eq3A_130, %not3A_256 : i1
        %and3A_258 = arith.andi %or3A_255, %not3A_257 : i1
        %convert_element_type3A_259 = arith.extui %and3A_258 : i1 to i32
        %cond3A_260 = arith.constant 0 : i32
        %cond3A_261 = arith.cmpi ne, %convert_element_type3A_259, %cond3A_260 : i32
        scf.if %cond3A_261 {
          "tpu.trace_start"() <{level = 10 : i32, message = "ep_wait_out"}> : () -> ()
          %rem3A_286 = arith.constant 2 : i32
          %rem3A_287 = arith.remui %scan3A_127, %rem3A_286 : i32
          %mul3A_288 = arith.constant 128 : i32
          %mul3A_289 = arith.muli %mul3A_288, %add3A_142 : i32
          %dma_wait3A_290 = arith.constant 0 : i32
          %dma_wait3A_291 = arith.constant 0 : i32
          %dma_wait3A_292 = tpu.memref_slice %run_scoped3A_8[%rem3A_287, %dma_wait3A_290, %dma_wait3A_291] : memref<2x128x128xf32, #tpu.memory_space<vmem>> -> memref<1x128x128xf32, #tpu.memory_space<vmem>>
          %dma_wait3A_293 = tpu.memref_squeeze %dma_wait3A_292 : memref<1x128x128xf32, #tpu.memory_space<vmem>> -> memref<128x128xf32, #tpu.memory_space<vmem>>
          %dma_wait3A_294 = arith.constant 0 : i32
          %dma_wait3A_295 = tpu.memref_slice %arg4[%mul3A_289, %dma_wait3A_294] : memref<102400x128xf32, #tpu.memory_space<hbm>> -> memref<128x128xf32, #tpu.memory_space<hbm>>
          %dma_wait3A_296 = tpu.memref_slice %run_scoped3A_9[%rem3A_287] : memref<2x!tpu.dma_semaphore, #tpu.memory_space<semaphore_mem>> -> memref<1x!tpu.dma_semaphore, #tpu.memory_space<semaphore_mem>>
          %dma_wait3A_297 = tpu.memref_squeeze %dma_wait3A_296 : memref<1x!tpu.dma_semaphore, #tpu.memory_space<semaphore_mem>> -> memref<!tpu.dma_semaphore, #tpu.memory_space<semaphore_mem>>
          %dma_wait3A_298 = arith.constant 0 : i32
          %dma_wait3A_299 = tpu.memref_slice %arg4[%mul3A_289, %dma_wait3A_298] : memref<102400x128xf32, #tpu.memory_space<hbm>> -> memref<128x128xf32, #tpu.memory_space<hbm>>
          %dma_wait3A_300 = arith.constant 0 : i32
          %dma_wait3A_301 = arith.constant 0 : i32
          %dma_wait3A_302 = tpu.memref_slice %run_scoped3A_8[%rem3A_287, %dma_wait3A_300, %dma_wait3A_301] : memref<2x128x128xf32, #tpu.memory_space<vmem>> -> memref<1x128x128xf32, #tpu.memory_space<vmem>>
          %dma_wait3A_303 = tpu.memref_squeeze %dma_wait3A_302 : memref<1x128x128xf32, #tpu.memory_space<vmem>> -> memref<128x128xf32, #tpu.memory_space<vmem>>
          tpu.wait_dma2 semaphore(%dma_wait3A_297 : memref<!tpu.dma_semaphore, #tpu.memory_space<semaphore_mem>>) src(%dma_wait3A_303 : memref<128x128xf32, #tpu.memory_space<vmem>>) dst(%dma_wait3A_299 : memref<128x128xf32, #tpu.memory_space<hbm>>)
          "tpu.trace_stop"() : () -> ()
        } else {
        }
        %and3A_262 = arith.constant true
        %and3A_263 = arith.andi %and3A_258, %and3A_262 : i1
        %add3A_264 = arith.constant 1 : i32
        %add3A_265 = arith.addi %scan3A_127, %add3A_264 : i32
        %select_n3A_266 = arith.select %and3A_263, %add3A_265, %scan3A_127 : i32
        %add3A_267 = arith.constant 960 : i32
        %add3A_268 = arith.addi %add3A_267, %add3A_133 : i32
        %add3A_269 = arith.constant 960 : i32
        %add3A_270 = arith.addi %add3A_269, %add3A_151 : i32
        %ne3A_271 = arith.cmpi ne, %add3A_268, %add3A_270 : i32
        %or3A_272 = arith.constant false
        %or3A_273 = arith.ori %or3A_272, %ne3A_271 : i1
        %or3A_274 = arith.ori %or3A_273, %eq3A_132 : i1
        %add3A_275 = arith.constant 1 : i32
        %add3A_276 = arith.addi %scan3A_125, %add3A_275 : i32
        %select_n3A_277 = arith.select %or3A_274, %add3A_276, %scan3A_125 : i32
        %add3A_278 = arith.constant 1 : i32
        %add3A_279 = arith.addi %scan3A_128, %add3A_278 : i32
        %select_n3A_280 = arith.constant true
        %select_n3A_281 = arith.select %select_n3A_280, %add3A_279, %scan3A_128 : i32
        %eq3A_282 = arith.constant 25 : i32
        %eq3A_283 = arith.cmpi eq, %select_n3A_281, %eq3A_282 : i32
        %select_n3A_284 = arith.constant 0 : i32
        %select_n3A_285 = arith.select %eq3A_283, %select_n3A_284, %select_n3A_281 : i32
        scf.yield %select_n3A_173, %select_n3A_277, %select_n3A_235, %select_n3A_266, %select_n3A_285 : i32, i32, i32, i32, i32
      }
      %scan3A_70 = arith.constant 25 : i32
      %sub3A = arith.constant 1 : i32
      %sub3A_71 = arith.subi %scan3A_69#4, %sub3A : i32
      %select_n3A_72 = arith.constant true
      %select_n3A_73 = arith.select %select_n3A_72, %sub3A_71, %scan3A_69#4 : i32
      %eq3A_74 = arith.constant -1 : i32
      %eq3A_75 = arith.cmpi eq, %select_n3A_73, %eq3A_74 : i32
      %select_n3A_76 = arith.constant 24 : i32
      %select_n3A_77 = arith.select %eq3A_75, %select_n3A_76, %select_n3A_73 : i32
      %add3A_78 = arith.addi %select_n3A_77, %mul3A_6 : i32
      %sub3A_79 = arith.constant 1 : i32
      %sub3A_80 = arith.subi %select_n3A_77, %sub3A_79 : i32
      %select_n3A_81 = arith.constant true
      %select_n3A_82 = arith.select %select_n3A_81, %sub3A_80, %select_n3A_77 : i32
      %eq3A_83 = arith.constant -1 : i32
      %eq3A_84 = arith.cmpi eq, %select_n3A_82, %eq3A_83 : i32
      %select_n3A_85 = arith.constant 24 : i32
      %select_n3A_86 = arith.select %eq3A_84, %select_n3A_85, %select_n3A_82 : i32
      %add3A_87 = arith.addi %select_n3A_86, %mul3A_6 : i32
      %add3A_88 = arith.constant 1 : i32
      %add3A_89 = arith.addi %select_n3A_77, %add3A_88 : i32
      %select_n3A_90 = arith.constant true
      %select_n3A_91 = arith.select %select_n3A_90, %add3A_89, %select_n3A_77 : i32
      %eq3A_92 = arith.constant 25 : i32
      %eq3A_93 = arith.cmpi eq, %select_n3A_91, %eq3A_92 : i32
      %select_n3A_94 = arith.constant 0 : i32
      %select_n3A_95 = arith.select %eq3A_93, %select_n3A_94, %select_n3A_91 : i32
      %add3A_96 = arith.addi %select_n3A_95, %mul3A_6 : i32
      %add3A_97 = arith.constant 1 : i32
      %add3A_98 = arith.addi %select_n3A_95, %add3A_97 : i32
      %select_n3A_99 = arith.constant true
      %select_n3A_100 = arith.select %select_n3A_99, %add3A_98, %select_n3A_95 : i32
      %eq3A_101 = arith.constant 25 : i32
      %eq3A_102 = arith.cmpi eq, %select_n3A_100, %eq3A_101 : i32
      %select_n3A_103 = arith.constant 0 : i32
      %select_n3A_104 = arith.select %eq3A_102, %select_n3A_103, %select_n3A_100 : i32
      %add3A_105 = arith.addi %select_n3A_104, %mul3A_6 : i32
      "tpu.trace_start"() <{level = 10 : i32, message = "ep_finalize"}> : () -> ()
      %rem3A_106 = arith.constant 2 : i32
      %rem3A_107 = arith.remui %scan3A_69#3, %rem3A_106 : i32
      %mul3A_108 = arith.constant 128 : i32
      %mul3A_109 = arith.muli %mul3A_108, %add3A_78 : i32
      %dma_wait3A = arith.constant 0 : i32
      %dma_wait3A_110 = arith.constant 0 : i32
      %dma_wait3A_111 = tpu.memref_slice %run_scoped3A_8[%rem3A_107, %dma_wait3A, %dma_wait3A_110] : memref<2x128x128xf32, #tpu.memory_space<vmem>> -> memref<1x128x128xf32, #tpu.memory_space<vmem>>
      %dma_wait3A_112 = tpu.memref_squeeze %dma_wait3A_111 : memref<1x128x128xf32, #tpu.memory_space<vmem>> -> memref<128x128xf32, #tpu.memory_space<vmem>>
      %dma_wait3A_113 = arith.constant 0 : i32
      %dma_wait3A_114 = tpu.memref_slice %arg4[%mul3A_109, %dma_wait3A_113] : memref<102400x128xf32, #tpu.memory_space<hbm>> -> memref<128x128xf32, #tpu.memory_space<hbm>>
      %dma_wait3A_115 = tpu.memref_slice %run_scoped3A_9[%rem3A_107] : memref<2x!tpu.dma_semaphore, #tpu.memory_space<semaphore_mem>> -> memref<1x!tpu.dma_semaphore, #tpu.memory_space<semaphore_mem>>
      %dma_wait3A_116 = tpu.memref_squeeze %dma_wait3A_115 : memref<1x!tpu.dma_semaphore, #tpu.memory_space<semaphore_mem>> -> memref<!tpu.dma_semaphore, #tpu.memory_space<semaphore_mem>>
      %dma_wait3A_117 = arith.constant 0 : i32
      %dma_wait3A_118 = tpu.memref_slice %arg4[%mul3A_109, %dma_wait3A_117] : memref<102400x128xf32, #tpu.memory_space<hbm>> -> memref<128x128xf32, #tpu.memory_space<hbm>>
      %dma_wait3A_119 = arith.constant 0 : i32
      %dma_wait3A_120 = arith.constant 0 : i32
      %dma_wait3A_121 = tpu.memref_slice %run_scoped3A_8[%rem3A_107, %dma_wait3A_119, %dma_wait3A_120] : memref<2x128x128xf32, #tpu.memory_space<vmem>> -> memref<1x128x128xf32, #tpu.memory_space<vmem>>
      %dma_wait3A_122 = tpu.memref_squeeze %dma_wait3A_121 : memref<1x128x128xf32, #tpu.memory_space<vmem>> -> memref<128x128xf32, #tpu.memory_space<vmem>>
      tpu.wait_dma2 semaphore(%dma_wait3A_116 : memref<!tpu.dma_semaphore, #tpu.memory_space<semaphore_mem>>) src(%dma_wait3A_122 : memref<128x128xf32, #tpu.memory_space<vmem>>) dst(%dma_wait3A_118 : memref<128x128xf32, #tpu.memory_space<hbm>>)
      "tpu.trace_stop"() : () -> ()
      tpu.yield
    }) : () -> ()
    return
  }
}

#map = affine_map<(d0, d1) -> (0, 0)>
module attributes {stable_mosaic.version = 14 : i64} {
  func.func @gather_kernel(%arg0: i32, %arg1: i32, %arg2: memref<100000x128xf32, #tpu.memory_space<hbm>>, %arg3: memref<1x327680xi32, #tpu.memory_space<hbm>>, %arg4: memref<81920x128xf32, #tpu.memory_space<hbm>>) attributes {dimension_semantics = [#tpu.dimension_semantics<core_parallel>, #tpu.dimension_semantics<subcore_parallel>], iteration_bounds = array<i64: 2, 16>, scalar_prefetch = 0 : i64, scratch_operands = 0 : i64, tpu.core_type = #tpu.core_type<sc_vector_subcore>, window_params = [{transform_indices = #map}, {transform_indices = #map}, {transform_indices = #map}]} {
    %mul3A = arith.constant 1 : i32
    %mul3A_0 = arith.muli %arg1, %mul3A : i32
    %add3A = arith.constant 0 : i32
    %add3A_1 = arith.addi %add3A, %mul3A_0 : i32
    %mul3A_2 = arith.constant 16 : i32
    %mul3A_3 = arith.muli %arg0, %mul3A_2 : i32
    %add3A_4 = arith.addi %add3A_1, %mul3A_3 : i32
    %mul3A_5 = arith.constant 20 : i32
    %mul3A_6 = arith.muli %add3A_4, %mul3A_5 : i32
    "tpu.region"() ({
      %run_scoped3A = memref.alloca() : memref<2x1x128xi32, #tpu.memory_space<vmem>>
      %run_scoped3A_7 = tpu.sem_alloc : memref<2x!tpu.dma_semaphore, #tpu.memory_space<semaphore_mem>>
      %run_scoped3A_8 = memref.alloca() : memref<2x128x128xf32, #tpu.memory_space<vmem>>
      %run_scoped3A_9 = tpu.sem_alloc : memref<2x!tpu.dma_semaphore, #tpu.memory_space<semaphore_mem>>
      %add3A_10 = arith.constant 0 : i32
      %add3A_11 = arith.addi %add3A_10, %mul3A_6 : i32
      %select_n3A = arith.constant true
      %select_n3A_12 = arith.constant 0 : i32
      %select_n3A_13 = arith.constant -1 : i32
      %select_n3A_14 = arith.select %select_n3A, %select_n3A_13, %select_n3A_12 : i32
      %eq3A = arith.constant -1 : i32
      %eq3A_15 = arith.cmpi eq, %select_n3A_14, %eq3A : i32
      %select_n3A_16 = arith.constant 19 : i32
      %select_n3A_17 = arith.select %eq3A_15, %select_n3A_16, %select_n3A_14 : i32
      %add3A_18 = arith.addi %select_n3A_17, %mul3A_6 : i32
      %select_n3A_19 = arith.constant true
      %select_n3A_20 = arith.constant 0 : i32
      %select_n3A_21 = arith.constant 1 : i32
      %select_n3A_22 = arith.select %select_n3A_19, %select_n3A_21, %select_n3A_20 : i32
      %eq3A_23 = arith.constant 20 : i32
      %eq3A_24 = arith.cmpi eq, %select_n3A_22, %eq3A_23 : i32
      %select_n3A_25 = arith.constant 0 : i32
      %select_n3A_26 = arith.select %eq3A_24, %select_n3A_25, %select_n3A_22 : i32
      %add3A_27 = arith.addi %select_n3A_26, %mul3A_6 : i32
      %add3A_28 = arith.constant 1 : i32
      %add3A_29 = arith.addi %select_n3A_26, %add3A_28 : i32
      %select_n3A_30 = arith.constant true
      %select_n3A_31 = arith.select %select_n3A_30, %add3A_29, %select_n3A_26 : i32
      %eq3A_32 = arith.constant 20 : i32
      %eq3A_33 = arith.cmpi eq, %select_n3A_31, %eq3A_32 : i32
      %select_n3A_34 = arith.constant 0 : i32
      %select_n3A_35 = arith.select %eq3A_33, %select_n3A_34, %select_n3A_31 : i32
      %add3A_36 = arith.addi %select_n3A_35, %mul3A_6 : i32
      "tpu.trace_start"() <{level = 10 : i32, message = "ep_initialize_0"}> : () -> ()
      %rem3A = arith.constant 0 : i32
      %rem3A_37 = arith.constant 2 : i32
      %rem3A_38 = arith.remui %rem3A, %rem3A_37 : i32
      %add3A_39 = arith.constant 320 : i32
      %add3A_40 = arith.addi %add3A_39, %add3A_11 : i32
      %mul3A_41 = arith.constant 128 : i32
      %mul3A_42 = arith.muli %mul3A_41, %add3A_40 : i32
      %dma_start3A = arith.constant 0 : i32
      %dma_start3A_43 = arith.constant 0 : i32
      %dma_start3A_44 = tpu.memref_slice %run_scoped3A[%rem3A_38, %dma_start3A, %dma_start3A_43] : memref<2x1x128xi32, #tpu.memory_space<vmem>> -> memref<1x1x128xi32, #tpu.memory_space<vmem>>
      %dma_start3A_45 = tpu.memref_squeeze %dma_start3A_44 : memref<1x1x128xi32, #tpu.memory_space<vmem>> -> memref<1x128xi32, #tpu.memory_space<vmem>>
      %dma_start3A_46 = arith.constant 0 : i32
      %dma_start3A_47 = tpu.memref_slice %arg3[%dma_start3A_46, %mul3A_42] : memref<1x327680xi32, #tpu.memory_space<hbm>> -> memref<1x128xi32, #tpu.memory_space<hbm>>
      %dma_start3A_48 = tpu.memref_slice %run_scoped3A_7[%rem3A_38] : memref<2x!tpu.dma_semaphore, #tpu.memory_space<semaphore_mem>> -> memref<1x!tpu.dma_semaphore, #tpu.memory_space<semaphore_mem>>
      %dma_start3A_49 = tpu.memref_squeeze %dma_start3A_48 : memref<1x!tpu.dma_semaphore, #tpu.memory_space<semaphore_mem>> -> memref<!tpu.dma_semaphore, #tpu.memory_space<semaphore_mem>>
      %dma_start3A_50 = arith.constant 0 : i32
      %dma_start3A_51 = arith.constant 0 : i32
      %dma_start3A_52 = tpu.memref_slice %run_scoped3A[%rem3A_38, %dma_start3A_50, %dma_start3A_51] : memref<2x1x128xi32, #tpu.memory_space<vmem>> -> memref<1x1x128xi32, #tpu.memory_space<vmem>>
      %dma_start3A_53 = tpu.memref_squeeze %dma_start3A_52 : memref<1x1x128xi32, #tpu.memory_space<vmem>> -> memref<1x128xi32, #tpu.memory_space<vmem>>
      %dma_start3A_54 = arith.constant 0 : i32
      %dma_start3A_55 = tpu.memref_slice %arg3[%dma_start3A_54, %mul3A_42] : memref<1x327680xi32, #tpu.memory_space<hbm>> -> memref<1x128xi32, #tpu.memory_space<hbm>>
      tpu.enqueue_dma source(%dma_start3A_55 : memref<1x128xi32, #tpu.memory_space<hbm>>) target(%dma_start3A_53 : memref<1x128xi32, #tpu.memory_space<vmem>>) target_semaphore(%dma_start3A_49 : memref<!tpu.dma_semaphore, #tpu.memory_space<semaphore_mem>>)
      %add3A_56 = arith.constant 0 : i32
      %add3A_57 = arith.constant 1 : i32
      %add3A_58 = arith.addi %add3A_56, %add3A_57 : i32
      %select_n3A_59 = arith.constant true
      %select_n3A_60 = arith.constant 0 : i32
      %select_n3A_61 = arith.select %select_n3A_59, %add3A_58, %select_n3A_60 : i32
      "tpu.trace_stop"() : () -> ()
      %scan3A = arith.constant 0 : i32
      %scan3A_62 = arith.constant 0 : i32
      %scan3A_63 = arith.constant 0 : i32
      %scan3A_64 = arith.constant 0 : i32
      %scan3A_65 = arith.constant 0 : i32
      %scan3A_66 = arith.constant 20 : i32
      %scan3A_67 = arith.addi %scan3A_65, %scan3A_66 : i32
      %scan3A_68 = arith.constant 1 : i32
      %scan3A_69:5 = scf.for %scan3A_123 = %scan3A_65 to %scan3A_67 step %scan3A_68 iter_args(%scan3A_124 = %select_n3A_61, %scan3A_125 = %scan3A, %scan3A_126 = %scan3A_62, %scan3A_127 = %scan3A_63, %scan3A_128 = %scan3A_64) -> (i32, i32, i32, i32, i32)  : i32 {
        %eq3A_129 = arith.constant 0 : i32
        %eq3A_130 = arith.cmpi eq, %scan3A_123, %eq3A_129 : i32
        %eq3A_131 = arith.constant 19 : i32
        %eq3A_132 = arith.cmpi eq, %scan3A_123, %eq3A_131 : i32
        %add3A_133 = arith.addi %scan3A_128, %mul3A_6 : i32
        %sub3A_134 = arith.constant 1 : i32
        %sub3A_135 = arith.subi %scan3A_128, %sub3A_134 : i32
        %select_n3A_136 = arith.constant true
        %select_n3A_137 = arith.select %select_n3A_136, %sub3A_135, %scan3A_128 : i32
        %eq3A_138 = arith.constant -1 : i32
        %eq3A_139 = arith.cmpi eq, %select_n3A_137, %eq3A_138 : i32
        %select_n3A_140 = arith.constant 19 : i32
        %select_n3A_141 = arith.select %eq3A_139, %select_n3A_140, %select_n3A_137 : i32
        %add3A_142 = arith.addi %select_n3A_141, %mul3A_6 : i32
        %add3A_143 = arith.constant 1 : i32
        %add3A_144 = arith.addi %scan3A_128, %add3A_143 : i32
        %select_n3A_145 = arith.constant true
        %select_n3A_146 = arith.select %select_n3A_145, %add3A_144, %scan3A_128 : i32
        %eq3A_147 = arith.constant 20 : i32
        %eq3A_148 = arith.cmpi eq, %select_n3A_146, %eq3A_147 : i32
        %select_n3A_149 = arith.constant 0 : i32
        %select_n3A_150 = arith.select %eq3A_148, %select_n3A_149, %select_n3A_146 : i32
        %add3A_151 = arith.addi %select_n3A_150, %mul3A_6 : i32
        %add3A_152 = arith.constant 1 : i32
        %add3A_153 = arith.addi %select_n3A_150, %add3A_152 : i32
        %select_n3A_154 = arith.constant true
        %select_n3A_155 = arith.select %select_n3A_154, %add3A_153, %select_n3A_150 : i32
        %eq3A_156 = arith.constant 20 : i32
        %eq3A_157 = arith.cmpi eq, %select_n3A_155, %eq3A_156 : i32
        %select_n3A_158 = arith.constant 0 : i32
        %select_n3A_159 = arith.select %eq3A_157, %select_n3A_158, %select_n3A_155 : i32
        %add3A_160 = arith.addi %select_n3A_159, %mul3A_6 : i32
        %add3A_161 = arith.constant 320 : i32
        %add3A_162 = arith.addi %add3A_161, %add3A_133 : i32
        %add3A_163 = arith.constant 320 : i32
        %add3A_164 = arith.addi %add3A_163, %add3A_151 : i32
        %ne3A = arith.cmpi ne, %add3A_162, %add3A_164 : i32
        %or3A = arith.constant false
        %or3A_165 = arith.ori %or3A, %ne3A : i1
        %ge3A = arith.constant 19 : i32
        %ge3A_166 = arith.cmpi sge, %scan3A_123, %ge3A : i32
        %not3A = arith.constant true
        %not3A_167 = arith.xori %ge3A_166, %not3A : i1
        %and3A = arith.andi %or3A_165, %not3A_167 : i1
        %convert_element_type3A = arith.extui %and3A : i1 to i32
        %cond3A = arith.constant 0 : i32
        %cond3A_168 = arith.cmpi ne, %convert_element_type3A, %cond3A : i32
        scf.if %cond3A_168 {
          "tpu.trace_start"() <{level = 10 : i32, message = "ep_copy_in"}> : () -> ()
          %rem3A_286 = arith.constant 2 : i32
          %rem3A_287 = arith.remui %scan3A_124, %rem3A_286 : i32
          %add3A_288 = arith.constant 320 : i32
          %add3A_289 = arith.addi %add3A_288, %add3A_151 : i32
          %mul3A_290 = arith.constant 128 : i32
          %mul3A_291 = arith.muli %mul3A_290, %add3A_289 : i32
          %dma_start3A_292 = arith.constant 0 : i32
          %dma_start3A_293 = arith.constant 0 : i32
          %dma_start3A_294 = tpu.memref_slice %run_scoped3A[%rem3A_287, %dma_start3A_292, %dma_start3A_293] : memref<2x1x128xi32, #tpu.memory_space<vmem>> -> memref<1x1x128xi32, #tpu.memory_space<vmem>>
          %dma_start3A_295 = tpu.memref_squeeze %dma_start3A_294 : memref<1x1x128xi32, #tpu.memory_space<vmem>> -> memref<1x128xi32, #tpu.memory_space<vmem>>
          %dma_start3A_296 = arith.constant 0 : i32
          %dma_start3A_297 = tpu.memref_slice %arg3[%dma_start3A_296, %mul3A_291] : memref<1x327680xi32, #tpu.memory_space<hbm>> -> memref<1x128xi32, #tpu.memory_space<hbm>>
          %dma_start3A_298 = tpu.memref_slice %run_scoped3A_7[%rem3A_287] : memref<2x!tpu.dma_semaphore, #tpu.memory_space<semaphore_mem>> -> memref<1x!tpu.dma_semaphore, #tpu.memory_space<semaphore_mem>>
          %dma_start3A_299 = tpu.memref_squeeze %dma_start3A_298 : memref<1x!tpu.dma_semaphore, #tpu.memory_space<semaphore_mem>> -> memref<!tpu.dma_semaphore, #tpu.memory_space<semaphore_mem>>
          %dma_start3A_300 = arith.constant 0 : i32
          %dma_start3A_301 = arith.constant 0 : i32
          %dma_start3A_302 = tpu.memref_slice %run_scoped3A[%rem3A_287, %dma_start3A_300, %dma_start3A_301] : memref<2x1x128xi32, #tpu.memory_space<vmem>> -> memref<1x1x128xi32, #tpu.memory_space<vmem>>
          %dma_start3A_303 = tpu.memref_squeeze %dma_start3A_302 : memref<1x1x128xi32, #tpu.memory_space<vmem>> -> memref<1x128xi32, #tpu.memory_space<vmem>>
          %dma_start3A_304 = arith.constant 0 : i32
          %dma_start3A_305 = tpu.memref_slice %arg3[%dma_start3A_304, %mul3A_291] : memref<1x327680xi32, #tpu.memory_space<hbm>> -> memref<1x128xi32, #tpu.memory_space<hbm>>
          tpu.enqueue_dma source(%dma_start3A_305 : memref<1x128xi32, #tpu.memory_space<hbm>>) target(%dma_start3A_303 : memref<1x128xi32, #tpu.memory_space<vmem>>) target_semaphore(%dma_start3A_299 : memref<!tpu.dma_semaphore, #tpu.memory_space<semaphore_mem>>)
          "tpu.trace_stop"() : () -> ()
        } else {
        }
        %and3A_169 = arith.constant true
        %and3A_170 = arith.andi %and3A, %and3A_169 : i1
        %add3A_171 = arith.constant 1 : i32
        %add3A_172 = arith.addi %scan3A_124, %add3A_171 : i32
        %select_n3A_173 = arith.select %and3A_170, %add3A_172, %scan3A_124 : i32
        %ne3A_174 = arith.cmpi ne, %add3A_133, %add3A_151 : i32
        %or3A_175 = arith.constant false
        %or3A_176 = arith.ori %or3A_175, %ne3A_174 : i1
        %or3A_177 = arith.constant false
        %or3A_178 = arith.ori %or3A_176, %or3A_177 : i1
        %ge3A_179 = arith.constant 19 : i32
        %ge3A_180 = arith.cmpi sge, %scan3A_123, %ge3A_179 : i32
        %not3A_181 = arith.constant true
        %not3A_182 = arith.xori %ge3A_180, %not3A_181 : i1
        %and3A_183 = arith.andi %or3A_178, %not3A_182 : i1
        %add3A_184 = arith.constant 320 : i32
        %add3A_185 = arith.addi %add3A_184, %add3A_133 : i32
        %add3A_186 = arith.constant 320 : i32
        %add3A_187 = arith.addi %add3A_186, %add3A_142 : i32
        %ne3A_188 = arith.cmpi ne, %add3A_185, %add3A_187 : i32
        %or3A_189 = arith.constant false
        %or3A_190 = arith.ori %or3A_189, %ne3A_188 : i1
        %or3A_191 = arith.ori %or3A_190, %eq3A_130 : i1
        %convert_element_type3A_192 = arith.extui %or3A_191 : i1 to i32
        %cond3A_193 = arith.constant 0 : i32
        %cond3A_194 = arith.cmpi ne, %convert_element_type3A_192, %cond3A_193 : i32
        scf.if %cond3A_194 {
          "tpu.trace_start"() <{level = 10 : i32, message = "ep_wait_in"}> : () -> ()
          %add3A_286 = arith.constant 320 : i32
          %add3A_287 = arith.addi %add3A_286, %add3A_133 : i32
          %mul3A_288 = arith.constant 128 : i32
          %mul3A_289 = arith.muli %mul3A_288, %add3A_287 : i32
          %rem3A_290 = arith.constant 2 : i32
          %rem3A_291 = arith.remui %scan3A_125, %rem3A_290 : i32
          %dma_wait3A_292 = arith.constant 0 : i32
          %dma_wait3A_293 = arith.constant 0 : i32
          %dma_wait3A_294 = tpu.memref_slice %run_scoped3A[%rem3A_291, %dma_wait3A_292, %dma_wait3A_293] : memref<2x1x128xi32, #tpu.memory_space<vmem>> -> memref<1x1x128xi32, #tpu.memory_space<vmem>>
          %dma_wait3A_295 = tpu.memref_squeeze %dma_wait3A_294 : memref<1x1x128xi32, #tpu.memory_space<vmem>> -> memref<1x128xi32, #tpu.memory_space<vmem>>
          %dma_wait3A_296 = arith.constant 0 : i32
          %dma_wait3A_297 = tpu.memref_slice %arg3[%dma_wait3A_296, %mul3A_289] : memref<1x327680xi32, #tpu.memory_space<hbm>> -> memref<1x128xi32, #tpu.memory_space<hbm>>
          %dma_wait3A_298 = tpu.memref_slice %run_scoped3A_7[%rem3A_291] : memref<2x!tpu.dma_semaphore, #tpu.memory_space<semaphore_mem>> -> memref<1x!tpu.dma_semaphore, #tpu.memory_space<semaphore_mem>>
          %dma_wait3A_299 = tpu.memref_squeeze %dma_wait3A_298 : memref<1x!tpu.dma_semaphore, #tpu.memory_space<semaphore_mem>> -> memref<!tpu.dma_semaphore, #tpu.memory_space<semaphore_mem>>
          %dma_wait3A_300 = arith.constant 0 : i32
          %dma_wait3A_301 = arith.constant 0 : i32
          %dma_wait3A_302 = tpu.memref_slice %run_scoped3A[%rem3A_291, %dma_wait3A_300, %dma_wait3A_301] : memref<2x1x128xi32, #tpu.memory_space<vmem>> -> memref<1x1x128xi32, #tpu.memory_space<vmem>>
          %dma_wait3A_303 = tpu.memref_squeeze %dma_wait3A_302 : memref<1x1x128xi32, #tpu.memory_space<vmem>> -> memref<1x128xi32, #tpu.memory_space<vmem>>
          %dma_wait3A_304 = arith.constant 0 : i32
          %dma_wait3A_305 = tpu.memref_slice %arg3[%dma_wait3A_304, %mul3A_289] : memref<1x327680xi32, #tpu.memory_space<hbm>> -> memref<1x128xi32, #tpu.memory_space<hbm>>
          tpu.wait_dma2 semaphore(%dma_wait3A_299 : memref<!tpu.dma_semaphore, #tpu.memory_space<semaphore_mem>>) src(%dma_wait3A_305 : memref<1x128xi32, #tpu.memory_space<hbm>>) dst(%dma_wait3A_303 : memref<1x128xi32, #tpu.memory_space<vmem>>)
          "tpu.trace_stop"() : () -> ()
        } else {
        }
        %ne3A_195 = arith.cmpi ne, %add3A_133, %add3A_142 : i32
        %or3A_196 = arith.constant false
        %or3A_197 = arith.ori %or3A_196, %ne3A_195 : i1
        %or3A_198 = arith.constant false
        %or3A_199 = arith.ori %or3A_197, %or3A_198 : i1
        %or3A_200 = arith.ori %or3A_199, %eq3A_130 : i1
        %convert_element_type3A_201 = arith.extui %or3A_200 : i1 to i32
        %cond3A_202 = arith.constant 0 : i32
        %cond3A_203 = arith.cmpi ne, %convert_element_type3A_201, %cond3A_202 : i32
        scf.if %cond3A_203 {
        } else {
        }
        %rem3A_204 = arith.constant 2 : i32
        %rem3A_205 = arith.remui %scan3A_125, %rem3A_204 : i32
        %rem3A_206 = arith.constant 2 : i32
        %rem3A_207 = arith.remui %scan3A_126, %rem3A_206 : i32
        %run_scoped3A_208 = arith.constant 0 : i32
        "tpu.trace_start"() <{level = 10 : i32, message = "ep_run_kernel"}> : () -> ()
        "tpu.region"() ({
          %run_scoped3A_286 = tpu.sem_alloc : memref<!tpu.dma_semaphore, #tpu.memory_space<semaphore_mem>>
          %dma_start3A_287 = arith.constant 0 : i32
          %dma_start3A_288 = arith.constant 0 : i32
          %dma_start3A_289 = tpu.memref_slice %run_scoped3A_8[%rem3A_207, %dma_start3A_287, %dma_start3A_288] : memref<2x128x128xf32, #tpu.memory_space<vmem>> -> memref<1x128x128xf32, #tpu.memory_space<vmem>>
          %dma_start3A_290 = tpu.memref_squeeze %dma_start3A_289 : memref<1x128x128xf32, #tpu.memory_space<vmem>> -> memref<128x128xf32, #tpu.memory_space<vmem>>
          %dma_start3A_291 = arith.constant 0 : i32
          %dma_start3A_292 = arith.constant 0 : i32
          %dma_start3A_293 = tpu.memref_slice %run_scoped3A[%rem3A_205, %dma_start3A_291, %dma_start3A_292] : memref<2x1x128xi32, #tpu.memory_space<vmem>> -> memref<1x1x128xi32, #tpu.memory_space<vmem>>
          %dma_start3A_294 = tpu.memref_squeeze %dma_start3A_293 : memref<1x1x128xi32, #tpu.memory_space<vmem>> -> memref<1x128xi32, #tpu.memory_space<vmem>>
          %dma_start3A_295 = arith.constant 0 : i32
          %dma_start3A_296 = tpu.memref_slice %dma_start3A_294[%run_scoped3A_208, %dma_start3A_295] : memref<1x128xi32, #tpu.memory_space<vmem>> -> memref<1x128xi32, #tpu.memory_space<vmem>>
          %dma_start3A_297 = tpu.memref_squeeze %dma_start3A_296 : memref<1x128xi32, #tpu.memory_space<vmem>> -> memref<128xi32, #tpu.memory_space<vmem>>
          %dma_start3A_298 = arith.constant 0 : i32
          %dma_start3A_299 = arith.constant 0 : i32
          %dma_start3A_300 = tpu.memref_slice %arg2[%dma_start3A_298, %dma_start3A_299] : memref<100000x128xf32, #tpu.memory_space<hbm>> -> memref<100000x128xf32, #tpu.memory_space<hbm>>
          tpu.enqueue_indirect_dma source(%dma_start3A_300 : memref<100000x128xf32, #tpu.memory_space<hbm>>) target(%dma_start3A_290 : memref<128x128xf32, #tpu.memory_space<vmem>>) offsets(%dma_start3A_297 : memref<128xi32, #tpu.memory_space<vmem>>) semaphore(%run_scoped3A_286 : memref<!tpu.dma_semaphore, #tpu.memory_space<semaphore_mem>>)
          %dma_wait3A_301 = arith.constant 0 : i32
          %dma_wait3A_302 = arith.constant 0 : i32
          %dma_wait3A_303 = tpu.memref_slice %run_scoped3A_8[%rem3A_207, %dma_wait3A_301, %dma_wait3A_302] : memref<2x128x128xf32, #tpu.memory_space<vmem>> -> memref<1x128x128xf32, #tpu.memory_space<vmem>>
          %dma_wait3A_304 = tpu.memref_squeeze %dma_wait3A_303 : memref<1x128x128xf32, #tpu.memory_space<vmem>> -> memref<128x128xf32, #tpu.memory_space<vmem>>
          %dma_wait3A_305 = arith.constant 0 : i32
          %dma_wait3A_306 = arith.constant 0 : i32
          %dma_wait3A_307 = tpu.memref_slice %run_scoped3A[%rem3A_205, %dma_wait3A_305, %dma_wait3A_306] : memref<2x1x128xi32, #tpu.memory_space<vmem>> -> memref<1x1x128xi32, #tpu.memory_space<vmem>>
          %dma_wait3A_308 = tpu.memref_squeeze %dma_wait3A_307 : memref<1x1x128xi32, #tpu.memory_space<vmem>> -> memref<1x128xi32, #tpu.memory_space<vmem>>
          %dma_wait3A_309 = arith.constant 0 : i32
          %dma_wait3A_310 = tpu.memref_slice %dma_wait3A_308[%run_scoped3A_208, %dma_wait3A_309] : memref<1x128xi32, #tpu.memory_space<vmem>> -> memref<1x128xi32, #tpu.memory_space<vmem>>
          %dma_wait3A_311 = tpu.memref_squeeze %dma_wait3A_310 : memref<1x128xi32, #tpu.memory_space<vmem>> -> memref<128xi32, #tpu.memory_space<vmem>>
          %dma_wait3A_312 = arith.constant 0 : i32
          %dma_wait3A_313 = arith.constant 0 : i32
          %dma_wait3A_314 = tpu.memref_slice %arg2[%dma_wait3A_312, %dma_wait3A_313] : memref<100000x128xf32, #tpu.memory_space<hbm>> -> memref<100000x128xf32, #tpu.memory_space<hbm>>
          tpu.wait_indirect_dma semaphore(%run_scoped3A_286 : memref<!tpu.dma_semaphore, #tpu.memory_space<semaphore_mem>>) src(%dma_wait3A_314 : memref<100000x128xf32, #tpu.memory_space<hbm>>) dst(%dma_wait3A_304 : memref<128x128xf32, #tpu.memory_space<vmem>>)
          tpu.yield
        }) : () -> ()
        "tpu.trace_stop"() : () -> ()
        %add3A_209 = arith.constant 320 : i32
        %add3A_210 = arith.addi %add3A_209, %add3A_133 : i32
        %add3A_211 = arith.constant 320 : i32
        %add3A_212 = arith.addi %add3A_211, %add3A_151 : i32
        %ne3A_213 = arith.cmpi ne, %add3A_210, %add3A_212 : i32
        %or3A_214 = arith.constant false
        %or3A_215 = arith.ori %or3A_214, %ne3A_213 : i1
        %or3A_216 = arith.ori %or3A_215, %eq3A_132 : i1
        %convert_element_type3A_217 = arith.extui %or3A_216 : i1 to i32
        %cond3A_218 = arith.constant 0 : i32
        %cond3A_219 = arith.cmpi ne, %convert_element_type3A_217, %cond3A_218 : i32
        scf.if %cond3A_219 {
        } else {
        }
        %and3A_220 = arith.constant false
        %and3A_221 = arith.andi %or3A_216, %and3A_220 : i1
        %ne3A_222 = arith.cmpi ne, %add3A_133, %add3A_151 : i32
        %or3A_223 = arith.constant false
        %or3A_224 = arith.ori %or3A_223, %ne3A_222 : i1
        %or3A_225 = arith.constant false
        %or3A_226 = arith.ori %or3A_224, %or3A_225 : i1
        %or3A_227 = arith.ori %or3A_226, %eq3A_132 : i1
        %convert_element_type3A_228 = arith.extui %or3A_227 : i1 to i32
        %cond3A_229 = arith.constant 0 : i32
        %cond3A_230 = arith.cmpi ne, %convert_element_type3A_228, %cond3A_229 : i32
        scf.if %cond3A_230 {
          "tpu.trace_start"() <{level = 10 : i32, message = "ep_copy_out"}> : () -> ()
          %rem3A_286 = arith.constant 2 : i32
          %rem3A_287 = arith.remui %scan3A_126, %rem3A_286 : i32
          %mul3A_288 = arith.constant 128 : i32
          %mul3A_289 = arith.muli %mul3A_288, %add3A_133 : i32
          %dma_start3A_290 = arith.constant 0 : i32
          %dma_start3A_291 = arith.constant 0 : i32
          %dma_start3A_292 = tpu.memref_slice %run_scoped3A_8[%rem3A_287, %dma_start3A_290, %dma_start3A_291] : memref<2x128x128xf32, #tpu.memory_space<vmem>> -> memref<1x128x128xf32, #tpu.memory_space<vmem>>
          %dma_start3A_293 = tpu.memref_squeeze %dma_start3A_292 : memref<1x128x128xf32, #tpu.memory_space<vmem>> -> memref<128x128xf32, #tpu.memory_space<vmem>>
          %dma_start3A_294 = arith.constant 0 : i32
          %dma_start3A_295 = tpu.memref_slice %arg4[%mul3A_289, %dma_start3A_294] : memref<81920x128xf32, #tpu.memory_space<hbm>> -> memref<128x128xf32, #tpu.memory_space<hbm>>
          %dma_start3A_296 = tpu.memref_slice %run_scoped3A_9[%rem3A_287] : memref<2x!tpu.dma_semaphore, #tpu.memory_space<semaphore_mem>> -> memref<1x!tpu.dma_semaphore, #tpu.memory_space<semaphore_mem>>
          %dma_start3A_297 = tpu.memref_squeeze %dma_start3A_296 : memref<1x!tpu.dma_semaphore, #tpu.memory_space<semaphore_mem>> -> memref<!tpu.dma_semaphore, #tpu.memory_space<semaphore_mem>>
          %dma_start3A_298 = arith.constant 0 : i32
          %dma_start3A_299 = tpu.memref_slice %arg4[%mul3A_289, %dma_start3A_298] : memref<81920x128xf32, #tpu.memory_space<hbm>> -> memref<128x128xf32, #tpu.memory_space<hbm>>
          %dma_start3A_300 = arith.constant 0 : i32
          %dma_start3A_301 = arith.constant 0 : i32
          %dma_start3A_302 = tpu.memref_slice %run_scoped3A_8[%rem3A_287, %dma_start3A_300, %dma_start3A_301] : memref<2x128x128xf32, #tpu.memory_space<vmem>> -> memref<1x128x128xf32, #tpu.memory_space<vmem>>
          %dma_start3A_303 = tpu.memref_squeeze %dma_start3A_302 : memref<1x128x128xf32, #tpu.memory_space<vmem>> -> memref<128x128xf32, #tpu.memory_space<vmem>>
          tpu.enqueue_dma source(%dma_start3A_303 : memref<128x128xf32, #tpu.memory_space<vmem>>) target(%dma_start3A_299 : memref<128x128xf32, #tpu.memory_space<hbm>>) target_semaphore(%dma_start3A_297 : memref<!tpu.dma_semaphore, #tpu.memory_space<semaphore_mem>>)
          "tpu.trace_stop"() : () -> ()
        } else {
        }
        %and3A_231 = arith.constant true
        %and3A_232 = arith.andi %or3A_227, %and3A_231 : i1
        %add3A_233 = arith.constant 1 : i32
        %add3A_234 = arith.addi %scan3A_126, %add3A_233 : i32
        %select_n3A_235 = arith.select %and3A_232, %add3A_234, %scan3A_126 : i32
        %add3A_236 = arith.constant 320 : i32
        %add3A_237 = arith.addi %add3A_236, %add3A_133 : i32
        %add3A_238 = arith.constant 320 : i32
        %add3A_239 = arith.addi %add3A_238, %add3A_142 : i32
        %ne3A_240 = arith.cmpi ne, %add3A_237, %add3A_239 : i32
        %or3A_241 = arith.constant false
        %or3A_242 = arith.ori %or3A_241, %ne3A_240 : i1
        %not3A_243 = arith.constant true
        %not3A_244 = arith.xori %eq3A_130, %not3A_243 : i1
        %and3A_245 = arith.andi %or3A_242, %not3A_244 : i1
        %convert_element_type3A_246 = arith.extui %and3A_245 : i1 to i32
        %cond3A_247 = arith.constant 0 : i32
        %cond3A_248 = arith.cmpi ne, %convert_element_type3A_246, %cond3A_247 : i32
        scf.if %cond3A_248 {
        } else {
        }
        %and3A_249 = arith.constant false
        %and3A_250 = arith.andi %and3A_245, %and3A_249 : i1
        %ne3A_251 = arith.cmpi ne, %add3A_133, %add3A_142 : i32
        %or3A_252 = arith.constant false
        %or3A_253 = arith.ori %or3A_252, %ne3A_251 : i1
        %or3A_254 = arith.constant false
        %or3A_255 = arith.ori %or3A_253, %or3A_254 : i1
        %not3A_256 = arith.constant true
        %not3A_257 = arith.xori %eq3A_130, %not3A_256 : i1
        %and3A_258 = arith.andi %or3A_255, %not3A_257 : i1
        %convert_element_type3A_259 = arith.extui %and3A_258 : i1 to i32
        %cond3A_260 = arith.constant 0 : i32
        %cond3A_261 = arith.cmpi ne, %convert_element_type3A_259, %cond3A_260 : i32
        scf.if %cond3A_261 {
          "tpu.trace_start"() <{level = 10 : i32, message = "ep_wait_out"}> : () -> ()
          %rem3A_286 = arith.constant 2 : i32
          %rem3A_287 = arith.remui %scan3A_127, %rem3A_286 : i32
          %mul3A_288 = arith.constant 128 : i32
          %mul3A_289 = arith.muli %mul3A_288, %add3A_142 : i32
          %dma_wait3A_290 = arith.constant 0 : i32
          %dma_wait3A_291 = arith.constant 0 : i32
          %dma_wait3A_292 = tpu.memref_slice %run_scoped3A_8[%rem3A_287, %dma_wait3A_290, %dma_wait3A_291] : memref<2x128x128xf32, #tpu.memory_space<vmem>> -> memref<1x128x128xf32, #tpu.memory_space<vmem>>
          %dma_wait3A_293 = tpu.memref_squeeze %dma_wait3A_292 : memref<1x128x128xf32, #tpu.memory_space<vmem>> -> memref<128x128xf32, #tpu.memory_space<vmem>>
          %dma_wait3A_294 = arith.constant 0 : i32
          %dma_wait3A_295 = tpu.memref_slice %arg4[%mul3A_289, %dma_wait3A_294] : memref<81920x128xf32, #tpu.memory_space<hbm>> -> memref<128x128xf32, #tpu.memory_space<hbm>>
          %dma_wait3A_296 = tpu.memref_slice %run_scoped3A_9[%rem3A_287] : memref<2x!tpu.dma_semaphore, #tpu.memory_space<semaphore_mem>> -> memref<1x!tpu.dma_semaphore, #tpu.memory_space<semaphore_mem>>
          %dma_wait3A_297 = tpu.memref_squeeze %dma_wait3A_296 : memref<1x!tpu.dma_semaphore, #tpu.memory_space<semaphore_mem>> -> memref<!tpu.dma_semaphore, #tpu.memory_space<semaphore_mem>>
          %dma_wait3A_298 = arith.constant 0 : i32
          %dma_wait3A_299 = tpu.memref_slice %arg4[%mul3A_289, %dma_wait3A_298] : memref<81920x128xf32, #tpu.memory_space<hbm>> -> memref<128x128xf32, #tpu.memory_space<hbm>>
          %dma_wait3A_300 = arith.constant 0 : i32
          %dma_wait3A_301 = arith.constant 0 : i32
          %dma_wait3A_302 = tpu.memref_slice %run_scoped3A_8[%rem3A_287, %dma_wait3A_300, %dma_wait3A_301] : memref<2x128x128xf32, #tpu.memory_space<vmem>> -> memref<1x128x128xf32, #tpu.memory_space<vmem>>
          %dma_wait3A_303 = tpu.memref_squeeze %dma_wait3A_302 : memref<1x128x128xf32, #tpu.memory_space<vmem>> -> memref<128x128xf32, #tpu.memory_space<vmem>>
          tpu.wait_dma2 semaphore(%dma_wait3A_297 : memref<!tpu.dma_semaphore, #tpu.memory_space<semaphore_mem>>) src(%dma_wait3A_303 : memref<128x128xf32, #tpu.memory_space<vmem>>) dst(%dma_wait3A_299 : memref<128x128xf32, #tpu.memory_space<hbm>>)
          "tpu.trace_stop"() : () -> ()
        } else {
        }
        %and3A_262 = arith.constant true
        %and3A_263 = arith.andi %and3A_258, %and3A_262 : i1
        %add3A_264 = arith.constant 1 : i32
        %add3A_265 = arith.addi %scan3A_127, %add3A_264 : i32
        %select_n3A_266 = arith.select %and3A_263, %add3A_265, %scan3A_127 : i32
        %add3A_267 = arith.constant 320 : i32
        %add3A_268 = arith.addi %add3A_267, %add3A_133 : i32
        %add3A_269 = arith.constant 320 : i32
        %add3A_270 = arith.addi %add3A_269, %add3A_151 : i32
        %ne3A_271 = arith.cmpi ne, %add3A_268, %add3A_270 : i32
        %or3A_272 = arith.constant false
        %or3A_273 = arith.ori %or3A_272, %ne3A_271 : i1
        %or3A_274 = arith.ori %or3A_273, %eq3A_132 : i1
        %add3A_275 = arith.constant 1 : i32
        %add3A_276 = arith.addi %scan3A_125, %add3A_275 : i32
        %select_n3A_277 = arith.select %or3A_274, %add3A_276, %scan3A_125 : i32
        %add3A_278 = arith.constant 1 : i32
        %add3A_279 = arith.addi %scan3A_128, %add3A_278 : i32
        %select_n3A_280 = arith.constant true
        %select_n3A_281 = arith.select %select_n3A_280, %add3A_279, %scan3A_128 : i32
        %eq3A_282 = arith.constant 20 : i32
        %eq3A_283 = arith.cmpi eq, %select_n3A_281, %eq3A_282 : i32
        %select_n3A_284 = arith.constant 0 : i32
        %select_n3A_285 = arith.select %eq3A_283, %select_n3A_284, %select_n3A_281 : i32
        scf.yield %select_n3A_173, %select_n3A_277, %select_n3A_235, %select_n3A_266, %select_n3A_285 : i32, i32, i32, i32, i32
      }
      %scan3A_70 = arith.constant 20 : i32
      %sub3A = arith.constant 1 : i32
      %sub3A_71 = arith.subi %scan3A_69#4, %sub3A : i32
      %select_n3A_72 = arith.constant true
      %select_n3A_73 = arith.select %select_n3A_72, %sub3A_71, %scan3A_69#4 : i32
      %eq3A_74 = arith.constant -1 : i32
      %eq3A_75 = arith.cmpi eq, %select_n3A_73, %eq3A_74 : i32
      %select_n3A_76 = arith.constant 19 : i32
      %select_n3A_77 = arith.select %eq3A_75, %select_n3A_76, %select_n3A_73 : i32
      %add3A_78 = arith.addi %select_n3A_77, %mul3A_6 : i32
      %sub3A_79 = arith.constant 1 : i32
      %sub3A_80 = arith.subi %select_n3A_77, %sub3A_79 : i32
      %select_n3A_81 = arith.constant true
      %select_n3A_82 = arith.select %select_n3A_81, %sub3A_80, %select_n3A_77 : i32
      %eq3A_83 = arith.constant -1 : i32
      %eq3A_84 = arith.cmpi eq, %select_n3A_82, %eq3A_83 : i32
      %select_n3A_85 = arith.constant 19 : i32
      %select_n3A_86 = arith.select %eq3A_84, %select_n3A_85, %select_n3A_82 : i32
      %add3A_87 = arith.addi %select_n3A_86, %mul3A_6 : i32
      %add3A_88 = arith.constant 1 : i32
      %add3A_89 = arith.addi %select_n3A_77, %add3A_88 : i32
      %select_n3A_90 = arith.constant true
      %select_n3A_91 = arith.select %select_n3A_90, %add3A_89, %select_n3A_77 : i32
      %eq3A_92 = arith.constant 20 : i32
      %eq3A_93 = arith.cmpi eq, %select_n3A_91, %eq3A_92 : i32
      %select_n3A_94 = arith.constant 0 : i32
      %select_n3A_95 = arith.select %eq3A_93, %select_n3A_94, %select_n3A_91 : i32
      %add3A_96 = arith.addi %select_n3A_95, %mul3A_6 : i32
      %add3A_97 = arith.constant 1 : i32
      %add3A_98 = arith.addi %select_n3A_95, %add3A_97 : i32
      %select_n3A_99 = arith.constant true
      %select_n3A_100 = arith.select %select_n3A_99, %add3A_98, %select_n3A_95 : i32
      %eq3A_101 = arith.constant 20 : i32
      %eq3A_102 = arith.cmpi eq, %select_n3A_100, %eq3A_101 : i32
      %select_n3A_103 = arith.constant 0 : i32
      %select_n3A_104 = arith.select %eq3A_102, %select_n3A_103, %select_n3A_100 : i32
      %add3A_105 = arith.addi %select_n3A_104, %mul3A_6 : i32
      "tpu.trace_start"() <{level = 10 : i32, message = "ep_finalize"}> : () -> ()
      %rem3A_106 = arith.constant 2 : i32
      %rem3A_107 = arith.remui %scan3A_69#3, %rem3A_106 : i32
      %mul3A_108 = arith.constant 128 : i32
      %mul3A_109 = arith.muli %mul3A_108, %add3A_78 : i32
      %dma_wait3A = arith.constant 0 : i32
      %dma_wait3A_110 = arith.constant 0 : i32
      %dma_wait3A_111 = tpu.memref_slice %run_scoped3A_8[%rem3A_107, %dma_wait3A, %dma_wait3A_110] : memref<2x128x128xf32, #tpu.memory_space<vmem>> -> memref<1x128x128xf32, #tpu.memory_space<vmem>>
      %dma_wait3A_112 = tpu.memref_squeeze %dma_wait3A_111 : memref<1x128x128xf32, #tpu.memory_space<vmem>> -> memref<128x128xf32, #tpu.memory_space<vmem>>
      %dma_wait3A_113 = arith.constant 0 : i32
      %dma_wait3A_114 = tpu.memref_slice %arg4[%mul3A_109, %dma_wait3A_113] : memref<81920x128xf32, #tpu.memory_space<hbm>> -> memref<128x128xf32, #tpu.memory_space<hbm>>
      %dma_wait3A_115 = tpu.memref_slice %run_scoped3A_9[%rem3A_107] : memref<2x!tpu.dma_semaphore, #tpu.memory_space<semaphore_mem>> -> memref<1x!tpu.dma_semaphore, #tpu.memory_space<semaphore_mem>>
      %dma_wait3A_116 = tpu.memref_squeeze %dma_wait3A_115 : memref<1x!tpu.dma_semaphore, #tpu.memory_space<semaphore_mem>> -> memref<!tpu.dma_semaphore, #tpu.memory_space<semaphore_mem>>
      %dma_wait3A_117 = arith.constant 0 : i32
      %dma_wait3A_118 = tpu.memref_slice %arg4[%mul3A_109, %dma_wait3A_117] : memref<81920x128xf32, #tpu.memory_space<hbm>> -> memref<128x128xf32, #tpu.memory_space<hbm>>
      %dma_wait3A_119 = arith.constant 0 : i32
      %dma_wait3A_120 = arith.constant 0 : i32
      %dma_wait3A_121 = tpu.memref_slice %run_scoped3A_8[%rem3A_107, %dma_wait3A_119, %dma_wait3A_120] : memref<2x128x128xf32, #tpu.memory_space<vmem>> -> memref<1x128x128xf32, #tpu.memory_space<vmem>>
      %dma_wait3A_122 = tpu.memref_squeeze %dma_wait3A_121 : memref<1x128x128xf32, #tpu.memory_space<vmem>> -> memref<128x128xf32, #tpu.memory_space<vmem>>
      tpu.wait_dma2 semaphore(%dma_wait3A_116 : memref<!tpu.dma_semaphore, #tpu.memory_space<semaphore_mem>>) src(%dma_wait3A_122 : memref<128x128xf32, #tpu.memory_space<vmem>>) dst(%dma_wait3A_118 : memref<128x128xf32, #tpu.memory_space<hbm>>)
      "tpu.trace_stop"() : () -> ()
      tpu.yield
    }) : () -> ()
    return
  }
}

#map = affine_map<(d0, d1) -> (0, 0)>
module attributes {stable_mosaic.version = 14 : i64} {
  func.func @gather_kernel(%arg0: i32, %arg1: i32, %arg2: memref<100000x128xf32, #tpu.memory_space<hbm>>, %arg3: memref<1x327680xi32, #tpu.memory_space<hbm>>, %arg4: memref<40960x128xf32, #tpu.memory_space<hbm>>) attributes {dimension_semantics = [#tpu.dimension_semantics<core_parallel>, #tpu.dimension_semantics<subcore_parallel>], iteration_bounds = array<i64: 2, 16>, scalar_prefetch = 0 : i64, scratch_operands = 0 : i64, tpu.core_type = #tpu.core_type<sc_vector_subcore>, window_params = [{transform_indices = #map}, {transform_indices = #map}, {transform_indices = #map}]} {
    %mul3A = arith.constant 1 : i32
    %mul3A_0 = arith.muli %arg1, %mul3A : i32
    %add3A = arith.constant 0 : i32
    %add3A_1 = arith.addi %add3A, %mul3A_0 : i32
    %mul3A_2 = arith.constant 16 : i32
    %mul3A_3 = arith.muli %arg0, %mul3A_2 : i32
    %add3A_4 = arith.addi %add3A_1, %mul3A_3 : i32
    %mul3A_5 = arith.constant 10 : i32
    %mul3A_6 = arith.muli %add3A_4, %mul3A_5 : i32
    "tpu.region"() ({
      %run_scoped3A = memref.alloca() : memref<2x1x128xi32, #tpu.memory_space<vmem>>
      %run_scoped3A_7 = tpu.sem_alloc : memref<2x!tpu.dma_semaphore, #tpu.memory_space<semaphore_mem>>
      %run_scoped3A_8 = memref.alloca() : memref<2x128x128xf32, #tpu.memory_space<vmem>>
      %run_scoped3A_9 = tpu.sem_alloc : memref<2x!tpu.dma_semaphore, #tpu.memory_space<semaphore_mem>>
      %add3A_10 = arith.constant 0 : i32
      %add3A_11 = arith.addi %add3A_10, %mul3A_6 : i32
      %select_n3A = arith.constant true
      %select_n3A_12 = arith.constant 0 : i32
      %select_n3A_13 = arith.constant -1 : i32
      %select_n3A_14 = arith.select %select_n3A, %select_n3A_13, %select_n3A_12 : i32
      %eq3A = arith.constant -1 : i32
      %eq3A_15 = arith.cmpi eq, %select_n3A_14, %eq3A : i32
      %select_n3A_16 = arith.constant 9 : i32
      %select_n3A_17 = arith.select %eq3A_15, %select_n3A_16, %select_n3A_14 : i32
      %add3A_18 = arith.addi %select_n3A_17, %mul3A_6 : i32
      %select_n3A_19 = arith.constant true
      %select_n3A_20 = arith.constant 0 : i32
      %select_n3A_21 = arith.constant 1 : i32
      %select_n3A_22 = arith.select %select_n3A_19, %select_n3A_21, %select_n3A_20 : i32
      %eq3A_23 = arith.constant 10 : i32
      %eq3A_24 = arith.cmpi eq, %select_n3A_22, %eq3A_23 : i32
      %select_n3A_25 = arith.constant 0 : i32
      %select_n3A_26 = arith.select %eq3A_24, %select_n3A_25, %select_n3A_22 : i32
      %add3A_27 = arith.addi %select_n3A_26, %mul3A_6 : i32
      %add3A_28 = arith.constant 1 : i32
      %add3A_29 = arith.addi %select_n3A_26, %add3A_28 : i32
      %select_n3A_30 = arith.constant true
      %select_n3A_31 = arith.select %select_n3A_30, %add3A_29, %select_n3A_26 : i32
      %eq3A_32 = arith.constant 10 : i32
      %eq3A_33 = arith.cmpi eq, %select_n3A_31, %eq3A_32 : i32
      %select_n3A_34 = arith.constant 0 : i32
      %select_n3A_35 = arith.select %eq3A_33, %select_n3A_34, %select_n3A_31 : i32
      %add3A_36 = arith.addi %select_n3A_35, %mul3A_6 : i32
      "tpu.trace_start"() <{level = 10 : i32, message = "ep_initialize_0"}> : () -> ()
      %rem3A = arith.constant 0 : i32
      %rem3A_37 = arith.constant 2 : i32
      %rem3A_38 = arith.remui %rem3A, %rem3A_37 : i32
      %add3A_39 = arith.constant 0 : i32
      %add3A_40 = arith.addi %add3A_39, %add3A_11 : i32
      %mul3A_41 = arith.constant 128 : i32
      %mul3A_42 = arith.muli %mul3A_41, %add3A_40 : i32
      %dma_start3A = arith.constant 0 : i32
      %dma_start3A_43 = arith.constant 0 : i32
      %dma_start3A_44 = tpu.memref_slice %run_scoped3A[%rem3A_38, %dma_start3A, %dma_start3A_43] : memref<2x1x128xi32, #tpu.memory_space<vmem>> -> memref<1x1x128xi32, #tpu.memory_space<vmem>>
      %dma_start3A_45 = tpu.memref_squeeze %dma_start3A_44 : memref<1x1x128xi32, #tpu.memory_space<vmem>> -> memref<1x128xi32, #tpu.memory_space<vmem>>
      %dma_start3A_46 = arith.constant 0 : i32
      %dma_start3A_47 = tpu.memref_slice %arg3[%dma_start3A_46, %mul3A_42] : memref<1x327680xi32, #tpu.memory_space<hbm>> -> memref<1x128xi32, #tpu.memory_space<hbm>>
      %dma_start3A_48 = tpu.memref_slice %run_scoped3A_7[%rem3A_38] : memref<2x!tpu.dma_semaphore, #tpu.memory_space<semaphore_mem>> -> memref<1x!tpu.dma_semaphore, #tpu.memory_space<semaphore_mem>>
      %dma_start3A_49 = tpu.memref_squeeze %dma_start3A_48 : memref<1x!tpu.dma_semaphore, #tpu.memory_space<semaphore_mem>> -> memref<!tpu.dma_semaphore, #tpu.memory_space<semaphore_mem>>
      %dma_start3A_50 = arith.constant 0 : i32
      %dma_start3A_51 = arith.constant 0 : i32
      %dma_start3A_52 = tpu.memref_slice %run_scoped3A[%rem3A_38, %dma_start3A_50, %dma_start3A_51] : memref<2x1x128xi32, #tpu.memory_space<vmem>> -> memref<1x1x128xi32, #tpu.memory_space<vmem>>
      %dma_start3A_53 = tpu.memref_squeeze %dma_start3A_52 : memref<1x1x128xi32, #tpu.memory_space<vmem>> -> memref<1x128xi32, #tpu.memory_space<vmem>>
      %dma_start3A_54 = arith.constant 0 : i32
      %dma_start3A_55 = tpu.memref_slice %arg3[%dma_start3A_54, %mul3A_42] : memref<1x327680xi32, #tpu.memory_space<hbm>> -> memref<1x128xi32, #tpu.memory_space<hbm>>
      tpu.enqueue_dma source(%dma_start3A_55 : memref<1x128xi32, #tpu.memory_space<hbm>>) target(%dma_start3A_53 : memref<1x128xi32, #tpu.memory_space<vmem>>) target_semaphore(%dma_start3A_49 : memref<!tpu.dma_semaphore, #tpu.memory_space<semaphore_mem>>)
      %add3A_56 = arith.constant 0 : i32
      %add3A_57 = arith.constant 1 : i32
      %add3A_58 = arith.addi %add3A_56, %add3A_57 : i32
      %select_n3A_59 = arith.constant true
      %select_n3A_60 = arith.constant 0 : i32
      %select_n3A_61 = arith.select %select_n3A_59, %add3A_58, %select_n3A_60 : i32
      "tpu.trace_stop"() : () -> ()
      %scan3A = arith.constant 0 : i32
      %scan3A_62 = arith.constant 0 : i32
      %scan3A_63 = arith.constant 0 : i32
      %scan3A_64 = arith.constant 0 : i32
      %scan3A_65 = arith.constant 0 : i32
      %scan3A_66 = arith.constant 10 : i32
      %scan3A_67 = arith.addi %scan3A_65, %scan3A_66 : i32
      %scan3A_68 = arith.constant 1 : i32
      %scan3A_69:5 = scf.for %scan3A_123 = %scan3A_65 to %scan3A_67 step %scan3A_68 iter_args(%scan3A_124 = %select_n3A_61, %scan3A_125 = %scan3A, %scan3A_126 = %scan3A_62, %scan3A_127 = %scan3A_63, %scan3A_128 = %scan3A_64) -> (i32, i32, i32, i32, i32)  : i32 {
        %eq3A_129 = arith.constant 0 : i32
        %eq3A_130 = arith.cmpi eq, %scan3A_123, %eq3A_129 : i32
        %eq3A_131 = arith.constant 9 : i32
        %eq3A_132 = arith.cmpi eq, %scan3A_123, %eq3A_131 : i32
        %add3A_133 = arith.addi %scan3A_128, %mul3A_6 : i32
        %sub3A_134 = arith.constant 1 : i32
        %sub3A_135 = arith.subi %scan3A_128, %sub3A_134 : i32
        %select_n3A_136 = arith.constant true
        %select_n3A_137 = arith.select %select_n3A_136, %sub3A_135, %scan3A_128 : i32
        %eq3A_138 = arith.constant -1 : i32
        %eq3A_139 = arith.cmpi eq, %select_n3A_137, %eq3A_138 : i32
        %select_n3A_140 = arith.constant 9 : i32
        %select_n3A_141 = arith.select %eq3A_139, %select_n3A_140, %select_n3A_137 : i32
        %add3A_142 = arith.addi %select_n3A_141, %mul3A_6 : i32
        %add3A_143 = arith.constant 1 : i32
        %add3A_144 = arith.addi %scan3A_128, %add3A_143 : i32
        %select_n3A_145 = arith.constant true
        %select_n3A_146 = arith.select %select_n3A_145, %add3A_144, %scan3A_128 : i32
        %eq3A_147 = arith.constant 10 : i32
        %eq3A_148 = arith.cmpi eq, %select_n3A_146, %eq3A_147 : i32
        %select_n3A_149 = arith.constant 0 : i32
        %select_n3A_150 = arith.select %eq3A_148, %select_n3A_149, %select_n3A_146 : i32
        %add3A_151 = arith.addi %select_n3A_150, %mul3A_6 : i32
        %add3A_152 = arith.constant 1 : i32
        %add3A_153 = arith.addi %select_n3A_150, %add3A_152 : i32
        %select_n3A_154 = arith.constant true
        %select_n3A_155 = arith.select %select_n3A_154, %add3A_153, %select_n3A_150 : i32
        %eq3A_156 = arith.constant 10 : i32
        %eq3A_157 = arith.cmpi eq, %select_n3A_155, %eq3A_156 : i32
        %select_n3A_158 = arith.constant 0 : i32
        %select_n3A_159 = arith.select %eq3A_157, %select_n3A_158, %select_n3A_155 : i32
        %add3A_160 = arith.addi %select_n3A_159, %mul3A_6 : i32
        %add3A_161 = arith.constant 0 : i32
        %add3A_162 = arith.addi %add3A_161, %add3A_133 : i32
        %add3A_163 = arith.constant 0 : i32
        %add3A_164 = arith.addi %add3A_163, %add3A_151 : i32
        %ne3A = arith.cmpi ne, %add3A_162, %add3A_164 : i32
        %or3A = arith.constant false
        %or3A_165 = arith.ori %or3A, %ne3A : i1
        %ge3A = arith.constant 9 : i32
        %ge3A_166 = arith.cmpi sge, %scan3A_123, %ge3A : i32
        %not3A = arith.constant true
        %not3A_167 = arith.xori %ge3A_166, %not3A : i1
        %and3A = arith.andi %or3A_165, %not3A_167 : i1
        %convert_element_type3A = arith.extui %and3A : i1 to i32
        %cond3A = arith.constant 0 : i32
        %cond3A_168 = arith.cmpi ne, %convert_element_type3A, %cond3A : i32
        scf.if %cond3A_168 {
          "tpu.trace_start"() <{level = 10 : i32, message = "ep_copy_in"}> : () -> ()
          %rem3A_286 = arith.constant 2 : i32
          %rem3A_287 = arith.remui %scan3A_124, %rem3A_286 : i32
          %add3A_288 = arith.constant 0 : i32
          %add3A_289 = arith.addi %add3A_288, %add3A_151 : i32
          %mul3A_290 = arith.constant 128 : i32
          %mul3A_291 = arith.muli %mul3A_290, %add3A_289 : i32
          %dma_start3A_292 = arith.constant 0 : i32
          %dma_start3A_293 = arith.constant 0 : i32
          %dma_start3A_294 = tpu.memref_slice %run_scoped3A[%rem3A_287, %dma_start3A_292, %dma_start3A_293] : memref<2x1x128xi32, #tpu.memory_space<vmem>> -> memref<1x1x128xi32, #tpu.memory_space<vmem>>
          %dma_start3A_295 = tpu.memref_squeeze %dma_start3A_294 : memref<1x1x128xi32, #tpu.memory_space<vmem>> -> memref<1x128xi32, #tpu.memory_space<vmem>>
          %dma_start3A_296 = arith.constant 0 : i32
          %dma_start3A_297 = tpu.memref_slice %arg3[%dma_start3A_296, %mul3A_291] : memref<1x327680xi32, #tpu.memory_space<hbm>> -> memref<1x128xi32, #tpu.memory_space<hbm>>
          %dma_start3A_298 = tpu.memref_slice %run_scoped3A_7[%rem3A_287] : memref<2x!tpu.dma_semaphore, #tpu.memory_space<semaphore_mem>> -> memref<1x!tpu.dma_semaphore, #tpu.memory_space<semaphore_mem>>
          %dma_start3A_299 = tpu.memref_squeeze %dma_start3A_298 : memref<1x!tpu.dma_semaphore, #tpu.memory_space<semaphore_mem>> -> memref<!tpu.dma_semaphore, #tpu.memory_space<semaphore_mem>>
          %dma_start3A_300 = arith.constant 0 : i32
          %dma_start3A_301 = arith.constant 0 : i32
          %dma_start3A_302 = tpu.memref_slice %run_scoped3A[%rem3A_287, %dma_start3A_300, %dma_start3A_301] : memref<2x1x128xi32, #tpu.memory_space<vmem>> -> memref<1x1x128xi32, #tpu.memory_space<vmem>>
          %dma_start3A_303 = tpu.memref_squeeze %dma_start3A_302 : memref<1x1x128xi32, #tpu.memory_space<vmem>> -> memref<1x128xi32, #tpu.memory_space<vmem>>
          %dma_start3A_304 = arith.constant 0 : i32
          %dma_start3A_305 = tpu.memref_slice %arg3[%dma_start3A_304, %mul3A_291] : memref<1x327680xi32, #tpu.memory_space<hbm>> -> memref<1x128xi32, #tpu.memory_space<hbm>>
          tpu.enqueue_dma source(%dma_start3A_305 : memref<1x128xi32, #tpu.memory_space<hbm>>) target(%dma_start3A_303 : memref<1x128xi32, #tpu.memory_space<vmem>>) target_semaphore(%dma_start3A_299 : memref<!tpu.dma_semaphore, #tpu.memory_space<semaphore_mem>>)
          "tpu.trace_stop"() : () -> ()
        } else {
        }
        %and3A_169 = arith.constant true
        %and3A_170 = arith.andi %and3A, %and3A_169 : i1
        %add3A_171 = arith.constant 1 : i32
        %add3A_172 = arith.addi %scan3A_124, %add3A_171 : i32
        %select_n3A_173 = arith.select %and3A_170, %add3A_172, %scan3A_124 : i32
        %ne3A_174 = arith.cmpi ne, %add3A_133, %add3A_151 : i32
        %or3A_175 = arith.constant false
        %or3A_176 = arith.ori %or3A_175, %ne3A_174 : i1
        %or3A_177 = arith.constant false
        %or3A_178 = arith.ori %or3A_176, %or3A_177 : i1
        %ge3A_179 = arith.constant 9 : i32
        %ge3A_180 = arith.cmpi sge, %scan3A_123, %ge3A_179 : i32
        %not3A_181 = arith.constant true
        %not3A_182 = arith.xori %ge3A_180, %not3A_181 : i1
        %and3A_183 = arith.andi %or3A_178, %not3A_182 : i1
        %add3A_184 = arith.constant 0 : i32
        %add3A_185 = arith.addi %add3A_184, %add3A_133 : i32
        %add3A_186 = arith.constant 0 : i32
        %add3A_187 = arith.addi %add3A_186, %add3A_142 : i32
        %ne3A_188 = arith.cmpi ne, %add3A_185, %add3A_187 : i32
        %or3A_189 = arith.constant false
        %or3A_190 = arith.ori %or3A_189, %ne3A_188 : i1
        %or3A_191 = arith.ori %or3A_190, %eq3A_130 : i1
        %convert_element_type3A_192 = arith.extui %or3A_191 : i1 to i32
        %cond3A_193 = arith.constant 0 : i32
        %cond3A_194 = arith.cmpi ne, %convert_element_type3A_192, %cond3A_193 : i32
        scf.if %cond3A_194 {
          "tpu.trace_start"() <{level = 10 : i32, message = "ep_wait_in"}> : () -> ()
          %add3A_286 = arith.constant 0 : i32
          %add3A_287 = arith.addi %add3A_286, %add3A_133 : i32
          %mul3A_288 = arith.constant 128 : i32
          %mul3A_289 = arith.muli %mul3A_288, %add3A_287 : i32
          %rem3A_290 = arith.constant 2 : i32
          %rem3A_291 = arith.remui %scan3A_125, %rem3A_290 : i32
          %dma_wait3A_292 = arith.constant 0 : i32
          %dma_wait3A_293 = arith.constant 0 : i32
          %dma_wait3A_294 = tpu.memref_slice %run_scoped3A[%rem3A_291, %dma_wait3A_292, %dma_wait3A_293] : memref<2x1x128xi32, #tpu.memory_space<vmem>> -> memref<1x1x128xi32, #tpu.memory_space<vmem>>
          %dma_wait3A_295 = tpu.memref_squeeze %dma_wait3A_294 : memref<1x1x128xi32, #tpu.memory_space<vmem>> -> memref<1x128xi32, #tpu.memory_space<vmem>>
          %dma_wait3A_296 = arith.constant 0 : i32
          %dma_wait3A_297 = tpu.memref_slice %arg3[%dma_wait3A_296, %mul3A_289] : memref<1x327680xi32, #tpu.memory_space<hbm>> -> memref<1x128xi32, #tpu.memory_space<hbm>>
          %dma_wait3A_298 = tpu.memref_slice %run_scoped3A_7[%rem3A_291] : memref<2x!tpu.dma_semaphore, #tpu.memory_space<semaphore_mem>> -> memref<1x!tpu.dma_semaphore, #tpu.memory_space<semaphore_mem>>
          %dma_wait3A_299 = tpu.memref_squeeze %dma_wait3A_298 : memref<1x!tpu.dma_semaphore, #tpu.memory_space<semaphore_mem>> -> memref<!tpu.dma_semaphore, #tpu.memory_space<semaphore_mem>>
          %dma_wait3A_300 = arith.constant 0 : i32
          %dma_wait3A_301 = arith.constant 0 : i32
          %dma_wait3A_302 = tpu.memref_slice %run_scoped3A[%rem3A_291, %dma_wait3A_300, %dma_wait3A_301] : memref<2x1x128xi32, #tpu.memory_space<vmem>> -> memref<1x1x128xi32, #tpu.memory_space<vmem>>
          %dma_wait3A_303 = tpu.memref_squeeze %dma_wait3A_302 : memref<1x1x128xi32, #tpu.memory_space<vmem>> -> memref<1x128xi32, #tpu.memory_space<vmem>>
          %dma_wait3A_304 = arith.constant 0 : i32
          %dma_wait3A_305 = tpu.memref_slice %arg3[%dma_wait3A_304, %mul3A_289] : memref<1x327680xi32, #tpu.memory_space<hbm>> -> memref<1x128xi32, #tpu.memory_space<hbm>>
          tpu.wait_dma2 semaphore(%dma_wait3A_299 : memref<!tpu.dma_semaphore, #tpu.memory_space<semaphore_mem>>) src(%dma_wait3A_305 : memref<1x128xi32, #tpu.memory_space<hbm>>) dst(%dma_wait3A_303 : memref<1x128xi32, #tpu.memory_space<vmem>>)
          "tpu.trace_stop"() : () -> ()
        } else {
        }
        %ne3A_195 = arith.cmpi ne, %add3A_133, %add3A_142 : i32
        %or3A_196 = arith.constant false
        %or3A_197 = arith.ori %or3A_196, %ne3A_195 : i1
        %or3A_198 = arith.constant false
        %or3A_199 = arith.ori %or3A_197, %or3A_198 : i1
        %or3A_200 = arith.ori %or3A_199, %eq3A_130 : i1
        %convert_element_type3A_201 = arith.extui %or3A_200 : i1 to i32
        %cond3A_202 = arith.constant 0 : i32
        %cond3A_203 = arith.cmpi ne, %convert_element_type3A_201, %cond3A_202 : i32
        scf.if %cond3A_203 {
        } else {
        }
        %rem3A_204 = arith.constant 2 : i32
        %rem3A_205 = arith.remui %scan3A_125, %rem3A_204 : i32
        %rem3A_206 = arith.constant 2 : i32
        %rem3A_207 = arith.remui %scan3A_126, %rem3A_206 : i32
        %run_scoped3A_208 = arith.constant 0 : i32
        "tpu.trace_start"() <{level = 10 : i32, message = "ep_run_kernel"}> : () -> ()
        "tpu.region"() ({
          %run_scoped3A_286 = tpu.sem_alloc : memref<!tpu.dma_semaphore, #tpu.memory_space<semaphore_mem>>
          %dma_start3A_287 = arith.constant 0 : i32
          %dma_start3A_288 = arith.constant 0 : i32
          %dma_start3A_289 = tpu.memref_slice %run_scoped3A_8[%rem3A_207, %dma_start3A_287, %dma_start3A_288] : memref<2x128x128xf32, #tpu.memory_space<vmem>> -> memref<1x128x128xf32, #tpu.memory_space<vmem>>
          %dma_start3A_290 = tpu.memref_squeeze %dma_start3A_289 : memref<1x128x128xf32, #tpu.memory_space<vmem>> -> memref<128x128xf32, #tpu.memory_space<vmem>>
          %dma_start3A_291 = arith.constant 0 : i32
          %dma_start3A_292 = arith.constant 0 : i32
          %dma_start3A_293 = tpu.memref_slice %run_scoped3A[%rem3A_205, %dma_start3A_291, %dma_start3A_292] : memref<2x1x128xi32, #tpu.memory_space<vmem>> -> memref<1x1x128xi32, #tpu.memory_space<vmem>>
          %dma_start3A_294 = tpu.memref_squeeze %dma_start3A_293 : memref<1x1x128xi32, #tpu.memory_space<vmem>> -> memref<1x128xi32, #tpu.memory_space<vmem>>
          %dma_start3A_295 = arith.constant 0 : i32
          %dma_start3A_296 = tpu.memref_slice %dma_start3A_294[%run_scoped3A_208, %dma_start3A_295] : memref<1x128xi32, #tpu.memory_space<vmem>> -> memref<1x128xi32, #tpu.memory_space<vmem>>
          %dma_start3A_297 = tpu.memref_squeeze %dma_start3A_296 : memref<1x128xi32, #tpu.memory_space<vmem>> -> memref<128xi32, #tpu.memory_space<vmem>>
          %dma_start3A_298 = arith.constant 0 : i32
          %dma_start3A_299 = arith.constant 0 : i32
          %dma_start3A_300 = tpu.memref_slice %arg2[%dma_start3A_298, %dma_start3A_299] : memref<100000x128xf32, #tpu.memory_space<hbm>> -> memref<100000x128xf32, #tpu.memory_space<hbm>>
          tpu.enqueue_indirect_dma source(%dma_start3A_300 : memref<100000x128xf32, #tpu.memory_space<hbm>>) target(%dma_start3A_290 : memref<128x128xf32, #tpu.memory_space<vmem>>) offsets(%dma_start3A_297 : memref<128xi32, #tpu.memory_space<vmem>>) semaphore(%run_scoped3A_286 : memref<!tpu.dma_semaphore, #tpu.memory_space<semaphore_mem>>)
          %dma_wait3A_301 = arith.constant 0 : i32
          %dma_wait3A_302 = arith.constant 0 : i32
          %dma_wait3A_303 = tpu.memref_slice %run_scoped3A_8[%rem3A_207, %dma_wait3A_301, %dma_wait3A_302] : memref<2x128x128xf32, #tpu.memory_space<vmem>> -> memref<1x128x128xf32, #tpu.memory_space<vmem>>
          %dma_wait3A_304 = tpu.memref_squeeze %dma_wait3A_303 : memref<1x128x128xf32, #tpu.memory_space<vmem>> -> memref<128x128xf32, #tpu.memory_space<vmem>>
          %dma_wait3A_305 = arith.constant 0 : i32
          %dma_wait3A_306 = arith.constant 0 : i32
          %dma_wait3A_307 = tpu.memref_slice %run_scoped3A[%rem3A_205, %dma_wait3A_305, %dma_wait3A_306] : memref<2x1x128xi32, #tpu.memory_space<vmem>> -> memref<1x1x128xi32, #tpu.memory_space<vmem>>
          %dma_wait3A_308 = tpu.memref_squeeze %dma_wait3A_307 : memref<1x1x128xi32, #tpu.memory_space<vmem>> -> memref<1x128xi32, #tpu.memory_space<vmem>>
          %dma_wait3A_309 = arith.constant 0 : i32
          %dma_wait3A_310 = tpu.memref_slice %dma_wait3A_308[%run_scoped3A_208, %dma_wait3A_309] : memref<1x128xi32, #tpu.memory_space<vmem>> -> memref<1x128xi32, #tpu.memory_space<vmem>>
          %dma_wait3A_311 = tpu.memref_squeeze %dma_wait3A_310 : memref<1x128xi32, #tpu.memory_space<vmem>> -> memref<128xi32, #tpu.memory_space<vmem>>
          %dma_wait3A_312 = arith.constant 0 : i32
          %dma_wait3A_313 = arith.constant 0 : i32
          %dma_wait3A_314 = tpu.memref_slice %arg2[%dma_wait3A_312, %dma_wait3A_313] : memref<100000x128xf32, #tpu.memory_space<hbm>> -> memref<100000x128xf32, #tpu.memory_space<hbm>>
          tpu.wait_indirect_dma semaphore(%run_scoped3A_286 : memref<!tpu.dma_semaphore, #tpu.memory_space<semaphore_mem>>) src(%dma_wait3A_314 : memref<100000x128xf32, #tpu.memory_space<hbm>>) dst(%dma_wait3A_304 : memref<128x128xf32, #tpu.memory_space<vmem>>)
          tpu.yield
        }) : () -> ()
        "tpu.trace_stop"() : () -> ()
        %add3A_209 = arith.constant 0 : i32
        %add3A_210 = arith.addi %add3A_209, %add3A_133 : i32
        %add3A_211 = arith.constant 0 : i32
        %add3A_212 = arith.addi %add3A_211, %add3A_151 : i32
        %ne3A_213 = arith.cmpi ne, %add3A_210, %add3A_212 : i32
        %or3A_214 = arith.constant false
        %or3A_215 = arith.ori %or3A_214, %ne3A_213 : i1
        %or3A_216 = arith.ori %or3A_215, %eq3A_132 : i1
        %convert_element_type3A_217 = arith.extui %or3A_216 : i1 to i32
        %cond3A_218 = arith.constant 0 : i32
        %cond3A_219 = arith.cmpi ne, %convert_element_type3A_217, %cond3A_218 : i32
        scf.if %cond3A_219 {
        } else {
        }
        %and3A_220 = arith.constant false
        %and3A_221 = arith.andi %or3A_216, %and3A_220 : i1
        %ne3A_222 = arith.cmpi ne, %add3A_133, %add3A_151 : i32
        %or3A_223 = arith.constant false
        %or3A_224 = arith.ori %or3A_223, %ne3A_222 : i1
        %or3A_225 = arith.constant false
        %or3A_226 = arith.ori %or3A_224, %or3A_225 : i1
        %or3A_227 = arith.ori %or3A_226, %eq3A_132 : i1
        %convert_element_type3A_228 = arith.extui %or3A_227 : i1 to i32
        %cond3A_229 = arith.constant 0 : i32
        %cond3A_230 = arith.cmpi ne, %convert_element_type3A_228, %cond3A_229 : i32
        scf.if %cond3A_230 {
          "tpu.trace_start"() <{level = 10 : i32, message = "ep_copy_out"}> : () -> ()
          %rem3A_286 = arith.constant 2 : i32
          %rem3A_287 = arith.remui %scan3A_126, %rem3A_286 : i32
          %mul3A_288 = arith.constant 128 : i32
          %mul3A_289 = arith.muli %mul3A_288, %add3A_133 : i32
          %dma_start3A_290 = arith.constant 0 : i32
          %dma_start3A_291 = arith.constant 0 : i32
          %dma_start3A_292 = tpu.memref_slice %run_scoped3A_8[%rem3A_287, %dma_start3A_290, %dma_start3A_291] : memref<2x128x128xf32, #tpu.memory_space<vmem>> -> memref<1x128x128xf32, #tpu.memory_space<vmem>>
          %dma_start3A_293 = tpu.memref_squeeze %dma_start3A_292 : memref<1x128x128xf32, #tpu.memory_space<vmem>> -> memref<128x128xf32, #tpu.memory_space<vmem>>
          %dma_start3A_294 = arith.constant 0 : i32
          %dma_start3A_295 = tpu.memref_slice %arg4[%mul3A_289, %dma_start3A_294] : memref<40960x128xf32, #tpu.memory_space<hbm>> -> memref<128x128xf32, #tpu.memory_space<hbm>>
          %dma_start3A_296 = tpu.memref_slice %run_scoped3A_9[%rem3A_287] : memref<2x!tpu.dma_semaphore, #tpu.memory_space<semaphore_mem>> -> memref<1x!tpu.dma_semaphore, #tpu.memory_space<semaphore_mem>>
          %dma_start3A_297 = tpu.memref_squeeze %dma_start3A_296 : memref<1x!tpu.dma_semaphore, #tpu.memory_space<semaphore_mem>> -> memref<!tpu.dma_semaphore, #tpu.memory_space<semaphore_mem>>
          %dma_start3A_298 = arith.constant 0 : i32
          %dma_start3A_299 = tpu.memref_slice %arg4[%mul3A_289, %dma_start3A_298] : memref<40960x128xf32, #tpu.memory_space<hbm>> -> memref<128x128xf32, #tpu.memory_space<hbm>>
          %dma_start3A_300 = arith.constant 0 : i32
          %dma_start3A_301 = arith.constant 0 : i32
          %dma_start3A_302 = tpu.memref_slice %run_scoped3A_8[%rem3A_287, %dma_start3A_300, %dma_start3A_301] : memref<2x128x128xf32, #tpu.memory_space<vmem>> -> memref<1x128x128xf32, #tpu.memory_space<vmem>>
          %dma_start3A_303 = tpu.memref_squeeze %dma_start3A_302 : memref<1x128x128xf32, #tpu.memory_space<vmem>> -> memref<128x128xf32, #tpu.memory_space<vmem>>
          tpu.enqueue_dma source(%dma_start3A_303 : memref<128x128xf32, #tpu.memory_space<vmem>>) target(%dma_start3A_299 : memref<128x128xf32, #tpu.memory_space<hbm>>) target_semaphore(%dma_start3A_297 : memref<!tpu.dma_semaphore, #tpu.memory_space<semaphore_mem>>)
          "tpu.trace_stop"() : () -> ()
        } else {
        }
        %and3A_231 = arith.constant true
        %and3A_232 = arith.andi %or3A_227, %and3A_231 : i1
        %add3A_233 = arith.constant 1 : i32
        %add3A_234 = arith.addi %scan3A_126, %add3A_233 : i32
        %select_n3A_235 = arith.select %and3A_232, %add3A_234, %scan3A_126 : i32
        %add3A_236 = arith.constant 0 : i32
        %add3A_237 = arith.addi %add3A_236, %add3A_133 : i32
        %add3A_238 = arith.constant 0 : i32
        %add3A_239 = arith.addi %add3A_238, %add3A_142 : i32
        %ne3A_240 = arith.cmpi ne, %add3A_237, %add3A_239 : i32
        %or3A_241 = arith.constant false
        %or3A_242 = arith.ori %or3A_241, %ne3A_240 : i1
        %not3A_243 = arith.constant true
        %not3A_244 = arith.xori %eq3A_130, %not3A_243 : i1
        %and3A_245 = arith.andi %or3A_242, %not3A_244 : i1
        %convert_element_type3A_246 = arith.extui %and3A_245 : i1 to i32
        %cond3A_247 = arith.constant 0 : i32
        %cond3A_248 = arith.cmpi ne, %convert_element_type3A_246, %cond3A_247 : i32
        scf.if %cond3A_248 {
        } else {
        }
        %and3A_249 = arith.constant false
        %and3A_250 = arith.andi %and3A_245, %and3A_249 : i1
        %ne3A_251 = arith.cmpi ne, %add3A_133, %add3A_142 : i32
        %or3A_252 = arith.constant false
        %or3A_253 = arith.ori %or3A_252, %ne3A_251 : i1
        %or3A_254 = arith.constant false
        %or3A_255 = arith.ori %or3A_253, %or3A_254 : i1
        %not3A_256 = arith.constant true
        %not3A_257 = arith.xori %eq3A_130, %not3A_256 : i1
        %and3A_258 = arith.andi %or3A_255, %not3A_257 : i1
        %convert_element_type3A_259 = arith.extui %and3A_258 : i1 to i32
        %cond3A_260 = arith.constant 0 : i32
        %cond3A_261 = arith.cmpi ne, %convert_element_type3A_259, %cond3A_260 : i32
        scf.if %cond3A_261 {
          "tpu.trace_start"() <{level = 10 : i32, message = "ep_wait_out"}> : () -> ()
          %rem3A_286 = arith.constant 2 : i32
          %rem3A_287 = arith.remui %scan3A_127, %rem3A_286 : i32
          %mul3A_288 = arith.constant 128 : i32
          %mul3A_289 = arith.muli %mul3A_288, %add3A_142 : i32
          %dma_wait3A_290 = arith.constant 0 : i32
          %dma_wait3A_291 = arith.constant 0 : i32
          %dma_wait3A_292 = tpu.memref_slice %run_scoped3A_8[%rem3A_287, %dma_wait3A_290, %dma_wait3A_291] : memref<2x128x128xf32, #tpu.memory_space<vmem>> -> memref<1x128x128xf32, #tpu.memory_space<vmem>>
          %dma_wait3A_293 = tpu.memref_squeeze %dma_wait3A_292 : memref<1x128x128xf32, #tpu.memory_space<vmem>> -> memref<128x128xf32, #tpu.memory_space<vmem>>
          %dma_wait3A_294 = arith.constant 0 : i32
          %dma_wait3A_295 = tpu.memref_slice %arg4[%mul3A_289, %dma_wait3A_294] : memref<40960x128xf32, #tpu.memory_space<hbm>> -> memref<128x128xf32, #tpu.memory_space<hbm>>
          %dma_wait3A_296 = tpu.memref_slice %run_scoped3A_9[%rem3A_287] : memref<2x!tpu.dma_semaphore, #tpu.memory_space<semaphore_mem>> -> memref<1x!tpu.dma_semaphore, #tpu.memory_space<semaphore_mem>>
          %dma_wait3A_297 = tpu.memref_squeeze %dma_wait3A_296 : memref<1x!tpu.dma_semaphore, #tpu.memory_space<semaphore_mem>> -> memref<!tpu.dma_semaphore, #tpu.memory_space<semaphore_mem>>
          %dma_wait3A_298 = arith.constant 0 : i32
          %dma_wait3A_299 = tpu.memref_slice %arg4[%mul3A_289, %dma_wait3A_298] : memref<40960x128xf32, #tpu.memory_space<hbm>> -> memref<128x128xf32, #tpu.memory_space<hbm>>
          %dma_wait3A_300 = arith.constant 0 : i32
          %dma_wait3A_301 = arith.constant 0 : i32
          %dma_wait3A_302 = tpu.memref_slice %run_scoped3A_8[%rem3A_287, %dma_wait3A_300, %dma_wait3A_301] : memref<2x128x128xf32, #tpu.memory_space<vmem>> -> memref<1x128x128xf32, #tpu.memory_space<vmem>>
          %dma_wait3A_303 = tpu.memref_squeeze %dma_wait3A_302 : memref<1x128x128xf32, #tpu.memory_space<vmem>> -> memref<128x128xf32, #tpu.memory_space<vmem>>
          tpu.wait_dma2 semaphore(%dma_wait3A_297 : memref<!tpu.dma_semaphore, #tpu.memory_space<semaphore_mem>>) src(%dma_wait3A_303 : memref<128x128xf32, #tpu.memory_space<vmem>>) dst(%dma_wait3A_299 : memref<128x128xf32, #tpu.memory_space<hbm>>)
          "tpu.trace_stop"() : () -> ()
        } else {
        }
        %and3A_262 = arith.constant true
        %and3A_263 = arith.andi %and3A_258, %and3A_262 : i1
        %add3A_264 = arith.constant 1 : i32
        %add3A_265 = arith.addi %scan3A_127, %add3A_264 : i32
        %select_n3A_266 = arith.select %and3A_263, %add3A_265, %scan3A_127 : i32
        %add3A_267 = arith.constant 0 : i32
        %add3A_268 = arith.addi %add3A_267, %add3A_133 : i32
        %add3A_269 = arith.constant 0 : i32
        %add3A_270 = arith.addi %add3A_269, %add3A_151 : i32
        %ne3A_271 = arith.cmpi ne, %add3A_268, %add3A_270 : i32
        %or3A_272 = arith.constant false
        %or3A_273 = arith.ori %or3A_272, %ne3A_271 : i1
        %or3A_274 = arith.ori %or3A_273, %eq3A_132 : i1
        %add3A_275 = arith.constant 1 : i32
        %add3A_276 = arith.addi %scan3A_125, %add3A_275 : i32
        %select_n3A_277 = arith.select %or3A_274, %add3A_276, %scan3A_125 : i32
        %add3A_278 = arith.constant 1 : i32
        %add3A_279 = arith.addi %scan3A_128, %add3A_278 : i32
        %select_n3A_280 = arith.constant true
        %select_n3A_281 = arith.select %select_n3A_280, %add3A_279, %scan3A_128 : i32
        %eq3A_282 = arith.constant 10 : i32
        %eq3A_283 = arith.cmpi eq, %select_n3A_281, %eq3A_282 : i32
        %select_n3A_284 = arith.constant 0 : i32
        %select_n3A_285 = arith.select %eq3A_283, %select_n3A_284, %select_n3A_281 : i32
        scf.yield %select_n3A_173, %select_n3A_277, %select_n3A_235, %select_n3A_266, %select_n3A_285 : i32, i32, i32, i32, i32
      }
      %scan3A_70 = arith.constant 10 : i32
      %sub3A = arith.constant 1 : i32
      %sub3A_71 = arith.subi %scan3A_69#4, %sub3A : i32
      %select_n3A_72 = arith.constant true
      %select_n3A_73 = arith.select %select_n3A_72, %sub3A_71, %scan3A_69#4 : i32
      %eq3A_74 = arith.constant -1 : i32
      %eq3A_75 = arith.cmpi eq, %select_n3A_73, %eq3A_74 : i32
      %select_n3A_76 = arith.constant 9 : i32
      %select_n3A_77 = arith.select %eq3A_75, %select_n3A_76, %select_n3A_73 : i32
      %add3A_78 = arith.addi %select_n3A_77, %mul3A_6 : i32
      %sub3A_79 = arith.constant 1 : i32
      %sub3A_80 = arith.subi %select_n3A_77, %sub3A_79 : i32
      %select_n3A_81 = arith.constant true
      %select_n3A_82 = arith.select %select_n3A_81, %sub3A_80, %select_n3A_77 : i32
      %eq3A_83 = arith.constant -1 : i32
      %eq3A_84 = arith.cmpi eq, %select_n3A_82, %eq3A_83 : i32
      %select_n3A_85 = arith.constant 9 : i32
      %select_n3A_86 = arith.select %eq3A_84, %select_n3A_85, %select_n3A_82 : i32
      %add3A_87 = arith.addi %select_n3A_86, %mul3A_6 : i32
      %add3A_88 = arith.constant 1 : i32
      %add3A_89 = arith.addi %select_n3A_77, %add3A_88 : i32
      %select_n3A_90 = arith.constant true
      %select_n3A_91 = arith.select %select_n3A_90, %add3A_89, %select_n3A_77 : i32
      %eq3A_92 = arith.constant 10 : i32
      %eq3A_93 = arith.cmpi eq, %select_n3A_91, %eq3A_92 : i32
      %select_n3A_94 = arith.constant 0 : i32
      %select_n3A_95 = arith.select %eq3A_93, %select_n3A_94, %select_n3A_91 : i32
      %add3A_96 = arith.addi %select_n3A_95, %mul3A_6 : i32
      %add3A_97 = arith.constant 1 : i32
      %add3A_98 = arith.addi %select_n3A_95, %add3A_97 : i32
      %select_n3A_99 = arith.constant true
      %select_n3A_100 = arith.select %select_n3A_99, %add3A_98, %select_n3A_95 : i32
      %eq3A_101 = arith.constant 10 : i32
      %eq3A_102 = arith.cmpi eq, %select_n3A_100, %eq3A_101 : i32
      %select_n3A_103 = arith.constant 0 : i32
      %select_n3A_104 = arith.select %eq3A_102, %select_n3A_103, %select_n3A_100 : i32
      %add3A_105 = arith.addi %select_n3A_104, %mul3A_6 : i32
      "tpu.trace_start"() <{level = 10 : i32, message = "ep_finalize"}> : () -> ()
      %rem3A_106 = arith.constant 2 : i32
      %rem3A_107 = arith.remui %scan3A_69#3, %rem3A_106 : i32
      %mul3A_108 = arith.constant 128 : i32
      %mul3A_109 = arith.muli %mul3A_108, %add3A_78 : i32
      %dma_wait3A = arith.constant 0 : i32
      %dma_wait3A_110 = arith.constant 0 : i32
      %dma_wait3A_111 = tpu.memref_slice %run_scoped3A_8[%rem3A_107, %dma_wait3A, %dma_wait3A_110] : memref<2x128x128xf32, #tpu.memory_space<vmem>> -> memref<1x128x128xf32, #tpu.memory_space<vmem>>
      %dma_wait3A_112 = tpu.memref_squeeze %dma_wait3A_111 : memref<1x128x128xf32, #tpu.memory_space<vmem>> -> memref<128x128xf32, #tpu.memory_space<vmem>>
      %dma_wait3A_113 = arith.constant 0 : i32
      %dma_wait3A_114 = tpu.memref_slice %arg4[%mul3A_109, %dma_wait3A_113] : memref<40960x128xf32, #tpu.memory_space<hbm>> -> memref<128x128xf32, #tpu.memory_space<hbm>>
      %dma_wait3A_115 = tpu.memref_slice %run_scoped3A_9[%rem3A_107] : memref<2x!tpu.dma_semaphore, #tpu.memory_space<semaphore_mem>> -> memref<1x!tpu.dma_semaphore, #tpu.memory_space<semaphore_mem>>
      %dma_wait3A_116 = tpu.memref_squeeze %dma_wait3A_115 : memref<1x!tpu.dma_semaphore, #tpu.memory_space<semaphore_mem>> -> memref<!tpu.dma_semaphore, #tpu.memory_space<semaphore_mem>>
      %dma_wait3A_117 = arith.constant 0 : i32
      %dma_wait3A_118 = tpu.memref_slice %arg4[%mul3A_109, %dma_wait3A_117] : memref<40960x128xf32, #tpu.memory_space<hbm>> -> memref<128x128xf32, #tpu.memory_space<hbm>>
      %dma_wait3A_119 = arith.constant 0 : i32
      %dma_wait3A_120 = arith.constant 0 : i32
      %dma_wait3A_121 = tpu.memref_slice %run_scoped3A_8[%rem3A_107, %dma_wait3A_119, %dma_wait3A_120] : memref<2x128x128xf32, #tpu.memory_space<vmem>> -> memref<1x128x128xf32, #tpu.memory_space<vmem>>
      %dma_wait3A_122 = tpu.memref_squeeze %dma_wait3A_121 : memref<1x128x128xf32, #tpu.memory_space<vmem>> -> memref<128x128xf32, #tpu.memory_space<vmem>>
      tpu.wait_dma2 semaphore(%dma_wait3A_116 : memref<!tpu.dma_semaphore, #tpu.memory_space<semaphore_mem>>) src(%dma_wait3A_122 : memref<128x128xf32, #tpu.memory_space<vmem>>) dst(%dma_wait3A_118 : memref<128x128xf32, #tpu.memory_space<hbm>>)
      "tpu.trace_stop"() : () -> ()
      tpu.yield
    }) : () -> ()
    return
  }
}

#map = affine_map<(d0, d1) -> (0, 0)>
module attributes {stable_mosaic.version = 14 : i64} {
  func.func @gather_kernel(%arg0: i32, %arg1: i32, %arg2: memref<100000x128xf32, #tpu.memory_space<hbm>>, %arg3: memref<1x327680xi32, #tpu.memory_space<hbm>>, %arg4: memref<102400x128xf32, #tpu.memory_space<hbm>>) attributes {dimension_semantics = [#tpu.dimension_semantics<core_parallel>, #tpu.dimension_semantics<subcore_parallel>], iteration_bounds = array<i64: 2, 16>, scalar_prefetch = 0 : i64, scratch_operands = 0 : i64, tpu.core_type = #tpu.core_type<sc_vector_subcore>, window_params = [{transform_indices = #map}, {transform_indices = #map}, {transform_indices = #map}]} {
    %mul3A = arith.constant 1 : i32
    %mul3A_0 = arith.muli %arg1, %mul3A : i32
    %add3A = arith.constant 0 : i32
    %add3A_1 = arith.addi %add3A, %mul3A_0 : i32
    %mul3A_2 = arith.constant 16 : i32
    %mul3A_3 = arith.muli %arg0, %mul3A_2 : i32
    %add3A_4 = arith.addi %add3A_1, %mul3A_3 : i32
    %mul3A_5 = arith.constant 25 : i32
    %mul3A_6 = arith.muli %add3A_4, %mul3A_5 : i32
    "tpu.region"() ({
      %run_scoped3A = memref.alloca() : memref<2x1x128xi32, #tpu.memory_space<vmem>>
      %run_scoped3A_7 = tpu.sem_alloc : memref<2x!tpu.dma_semaphore, #tpu.memory_space<semaphore_mem>>
      %run_scoped3A_8 = memref.alloca() : memref<2x128x128xf32, #tpu.memory_space<vmem>>
      %run_scoped3A_9 = tpu.sem_alloc : memref<2x!tpu.dma_semaphore, #tpu.memory_space<semaphore_mem>>
      %add3A_10 = arith.constant 0 : i32
      %add3A_11 = arith.addi %add3A_10, %mul3A_6 : i32
      %select_n3A = arith.constant true
      %select_n3A_12 = arith.constant 0 : i32
      %select_n3A_13 = arith.constant -1 : i32
      %select_n3A_14 = arith.select %select_n3A, %select_n3A_13, %select_n3A_12 : i32
      %eq3A = arith.constant -1 : i32
      %eq3A_15 = arith.cmpi eq, %select_n3A_14, %eq3A : i32
      %select_n3A_16 = arith.constant 24 : i32
      %select_n3A_17 = arith.select %eq3A_15, %select_n3A_16, %select_n3A_14 : i32
      %add3A_18 = arith.addi %select_n3A_17, %mul3A_6 : i32
      %select_n3A_19 = arith.constant true
      %select_n3A_20 = arith.constant 0 : i32
      %select_n3A_21 = arith.constant 1 : i32
      %select_n3A_22 = arith.select %select_n3A_19, %select_n3A_21, %select_n3A_20 : i32
      %eq3A_23 = arith.constant 25 : i32
      %eq3A_24 = arith.cmpi eq, %select_n3A_22, %eq3A_23 : i32
      %select_n3A_25 = arith.constant 0 : i32
      %select_n3A_26 = arith.select %eq3A_24, %select_n3A_25, %select_n3A_22 : i32
      %add3A_27 = arith.addi %select_n3A_26, %mul3A_6 : i32
      %add3A_28 = arith.constant 1 : i32
      %add3A_29 = arith.addi %select_n3A_26, %add3A_28 : i32
      %select_n3A_30 = arith.constant true
      %select_n3A_31 = arith.select %select_n3A_30, %add3A_29, %select_n3A_26 : i32
      %eq3A_32 = arith.constant 25 : i32
      %eq3A_33 = arith.cmpi eq, %select_n3A_31, %eq3A_32 : i32
      %select_n3A_34 = arith.constant 0 : i32
      %select_n3A_35 = arith.select %eq3A_33, %select_n3A_34, %select_n3A_31 : i32
      %add3A_36 = arith.addi %select_n3A_35, %mul3A_6 : i32
      "tpu.trace_start"() <{level = 10 : i32, message = "ep_initialize_0"}> : () -> ()
      %rem3A = arith.constant 0 : i32
      %rem3A_37 = arith.constant 2 : i32
      %rem3A_38 = arith.remui %rem3A, %rem3A_37 : i32
      %add3A_39 = arith.constant 1760 : i32
      %add3A_40 = arith.addi %add3A_39, %add3A_11 : i32
      %mul3A_41 = arith.constant 128 : i32
      %mul3A_42 = arith.muli %mul3A_41, %add3A_40 : i32
      %dma_start3A = arith.constant 0 : i32
      %dma_start3A_43 = arith.constant 0 : i32
      %dma_start3A_44 = tpu.memref_slice %run_scoped3A[%rem3A_38, %dma_start3A, %dma_start3A_43] : memref<2x1x128xi32, #tpu.memory_space<vmem>> -> memref<1x1x128xi32, #tpu.memory_space<vmem>>
      %dma_start3A_45 = tpu.memref_squeeze %dma_start3A_44 : memref<1x1x128xi32, #tpu.memory_space<vmem>> -> memref<1x128xi32, #tpu.memory_space<vmem>>
      %dma_start3A_46 = arith.constant 0 : i32
      %dma_start3A_47 = tpu.memref_slice %arg3[%dma_start3A_46, %mul3A_42] : memref<1x327680xi32, #tpu.memory_space<hbm>> -> memref<1x128xi32, #tpu.memory_space<hbm>>
      %dma_start3A_48 = tpu.memref_slice %run_scoped3A_7[%rem3A_38] : memref<2x!tpu.dma_semaphore, #tpu.memory_space<semaphore_mem>> -> memref<1x!tpu.dma_semaphore, #tpu.memory_space<semaphore_mem>>
      %dma_start3A_49 = tpu.memref_squeeze %dma_start3A_48 : memref<1x!tpu.dma_semaphore, #tpu.memory_space<semaphore_mem>> -> memref<!tpu.dma_semaphore, #tpu.memory_space<semaphore_mem>>
      %dma_start3A_50 = arith.constant 0 : i32
      %dma_start3A_51 = arith.constant 0 : i32
      %dma_start3A_52 = tpu.memref_slice %run_scoped3A[%rem3A_38, %dma_start3A_50, %dma_start3A_51] : memref<2x1x128xi32, #tpu.memory_space<vmem>> -> memref<1x1x128xi32, #tpu.memory_space<vmem>>
      %dma_start3A_53 = tpu.memref_squeeze %dma_start3A_52 : memref<1x1x128xi32, #tpu.memory_space<vmem>> -> memref<1x128xi32, #tpu.memory_space<vmem>>
      %dma_start3A_54 = arith.constant 0 : i32
      %dma_start3A_55 = tpu.memref_slice %arg3[%dma_start3A_54, %mul3A_42] : memref<1x327680xi32, #tpu.memory_space<hbm>> -> memref<1x128xi32, #tpu.memory_space<hbm>>
      tpu.enqueue_dma source(%dma_start3A_55 : memref<1x128xi32, #tpu.memory_space<hbm>>) target(%dma_start3A_53 : memref<1x128xi32, #tpu.memory_space<vmem>>) target_semaphore(%dma_start3A_49 : memref<!tpu.dma_semaphore, #tpu.memory_space<semaphore_mem>>)
      %add3A_56 = arith.constant 0 : i32
      %add3A_57 = arith.constant 1 : i32
      %add3A_58 = arith.addi %add3A_56, %add3A_57 : i32
      %select_n3A_59 = arith.constant true
      %select_n3A_60 = arith.constant 0 : i32
      %select_n3A_61 = arith.select %select_n3A_59, %add3A_58, %select_n3A_60 : i32
      "tpu.trace_stop"() : () -> ()
      %scan3A = arith.constant 0 : i32
      %scan3A_62 = arith.constant 0 : i32
      %scan3A_63 = arith.constant 0 : i32
      %scan3A_64 = arith.constant 0 : i32
      %scan3A_65 = arith.constant 0 : i32
      %scan3A_66 = arith.constant 25 : i32
      %scan3A_67 = arith.addi %scan3A_65, %scan3A_66 : i32
      %scan3A_68 = arith.constant 1 : i32
      %scan3A_69:5 = scf.for %scan3A_123 = %scan3A_65 to %scan3A_67 step %scan3A_68 iter_args(%scan3A_124 = %select_n3A_61, %scan3A_125 = %scan3A, %scan3A_126 = %scan3A_62, %scan3A_127 = %scan3A_63, %scan3A_128 = %scan3A_64) -> (i32, i32, i32, i32, i32)  : i32 {
        %eq3A_129 = arith.constant 0 : i32
        %eq3A_130 = arith.cmpi eq, %scan3A_123, %eq3A_129 : i32
        %eq3A_131 = arith.constant 24 : i32
        %eq3A_132 = arith.cmpi eq, %scan3A_123, %eq3A_131 : i32
        %add3A_133 = arith.addi %scan3A_128, %mul3A_6 : i32
        %sub3A_134 = arith.constant 1 : i32
        %sub3A_135 = arith.subi %scan3A_128, %sub3A_134 : i32
        %select_n3A_136 = arith.constant true
        %select_n3A_137 = arith.select %select_n3A_136, %sub3A_135, %scan3A_128 : i32
        %eq3A_138 = arith.constant -1 : i32
        %eq3A_139 = arith.cmpi eq, %select_n3A_137, %eq3A_138 : i32
        %select_n3A_140 = arith.constant 24 : i32
        %select_n3A_141 = arith.select %eq3A_139, %select_n3A_140, %select_n3A_137 : i32
        %add3A_142 = arith.addi %select_n3A_141, %mul3A_6 : i32
        %add3A_143 = arith.constant 1 : i32
        %add3A_144 = arith.addi %scan3A_128, %add3A_143 : i32
        %select_n3A_145 = arith.constant true
        %select_n3A_146 = arith.select %select_n3A_145, %add3A_144, %scan3A_128 : i32
        %eq3A_147 = arith.constant 25 : i32
        %eq3A_148 = arith.cmpi eq, %select_n3A_146, %eq3A_147 : i32
        %select_n3A_149 = arith.constant 0 : i32
        %select_n3A_150 = arith.select %eq3A_148, %select_n3A_149, %select_n3A_146 : i32
        %add3A_151 = arith.addi %select_n3A_150, %mul3A_6 : i32
        %add3A_152 = arith.constant 1 : i32
        %add3A_153 = arith.addi %select_n3A_150, %add3A_152 : i32
        %select_n3A_154 = arith.constant true
        %select_n3A_155 = arith.select %select_n3A_154, %add3A_153, %select_n3A_150 : i32
        %eq3A_156 = arith.constant 25 : i32
        %eq3A_157 = arith.cmpi eq, %select_n3A_155, %eq3A_156 : i32
        %select_n3A_158 = arith.constant 0 : i32
        %select_n3A_159 = arith.select %eq3A_157, %select_n3A_158, %select_n3A_155 : i32
        %add3A_160 = arith.addi %select_n3A_159, %mul3A_6 : i32
        %add3A_161 = arith.constant 1760 : i32
        %add3A_162 = arith.addi %add3A_161, %add3A_133 : i32
        %add3A_163 = arith.constant 1760 : i32
        %add3A_164 = arith.addi %add3A_163, %add3A_151 : i32
        %ne3A = arith.cmpi ne, %add3A_162, %add3A_164 : i32
        %or3A = arith.constant false
        %or3A_165 = arith.ori %or3A, %ne3A : i1
        %ge3A = arith.constant 24 : i32
        %ge3A_166 = arith.cmpi sge, %scan3A_123, %ge3A : i32
        %not3A = arith.constant true
        %not3A_167 = arith.xori %ge3A_166, %not3A : i1
        %and3A = arith.andi %or3A_165, %not3A_167 : i1
        %convert_element_type3A = arith.extui %and3A : i1 to i32
        %cond3A = arith.constant 0 : i32
        %cond3A_168 = arith.cmpi ne, %convert_element_type3A, %cond3A : i32
        scf.if %cond3A_168 {
          "tpu.trace_start"() <{level = 10 : i32, message = "ep_copy_in"}> : () -> ()
          %rem3A_286 = arith.constant 2 : i32
          %rem3A_287 = arith.remui %scan3A_124, %rem3A_286 : i32
          %add3A_288 = arith.constant 1760 : i32
          %add3A_289 = arith.addi %add3A_288, %add3A_151 : i32
          %mul3A_290 = arith.constant 128 : i32
          %mul3A_291 = arith.muli %mul3A_290, %add3A_289 : i32
          %dma_start3A_292 = arith.constant 0 : i32
          %dma_start3A_293 = arith.constant 0 : i32
          %dma_start3A_294 = tpu.memref_slice %run_scoped3A[%rem3A_287, %dma_start3A_292, %dma_start3A_293] : memref<2x1x128xi32, #tpu.memory_space<vmem>> -> memref<1x1x128xi32, #tpu.memory_space<vmem>>
          %dma_start3A_295 = tpu.memref_squeeze %dma_start3A_294 : memref<1x1x128xi32, #tpu.memory_space<vmem>> -> memref<1x128xi32, #tpu.memory_space<vmem>>
          %dma_start3A_296 = arith.constant 0 : i32
          %dma_start3A_297 = tpu.memref_slice %arg3[%dma_start3A_296, %mul3A_291] : memref<1x327680xi32, #tpu.memory_space<hbm>> -> memref<1x128xi32, #tpu.memory_space<hbm>>
          %dma_start3A_298 = tpu.memref_slice %run_scoped3A_7[%rem3A_287] : memref<2x!tpu.dma_semaphore, #tpu.memory_space<semaphore_mem>> -> memref<1x!tpu.dma_semaphore, #tpu.memory_space<semaphore_mem>>
          %dma_start3A_299 = tpu.memref_squeeze %dma_start3A_298 : memref<1x!tpu.dma_semaphore, #tpu.memory_space<semaphore_mem>> -> memref<!tpu.dma_semaphore, #tpu.memory_space<semaphore_mem>>
          %dma_start3A_300 = arith.constant 0 : i32
          %dma_start3A_301 = arith.constant 0 : i32
          %dma_start3A_302 = tpu.memref_slice %run_scoped3A[%rem3A_287, %dma_start3A_300, %dma_start3A_301] : memref<2x1x128xi32, #tpu.memory_space<vmem>> -> memref<1x1x128xi32, #tpu.memory_space<vmem>>
          %dma_start3A_303 = tpu.memref_squeeze %dma_start3A_302 : memref<1x1x128xi32, #tpu.memory_space<vmem>> -> memref<1x128xi32, #tpu.memory_space<vmem>>
          %dma_start3A_304 = arith.constant 0 : i32
          %dma_start3A_305 = tpu.memref_slice %arg3[%dma_start3A_304, %mul3A_291] : memref<1x327680xi32, #tpu.memory_space<hbm>> -> memref<1x128xi32, #tpu.memory_space<hbm>>
          tpu.enqueue_dma source(%dma_start3A_305 : memref<1x128xi32, #tpu.memory_space<hbm>>) target(%dma_start3A_303 : memref<1x128xi32, #tpu.memory_space<vmem>>) target_semaphore(%dma_start3A_299 : memref<!tpu.dma_semaphore, #tpu.memory_space<semaphore_mem>>)
          "tpu.trace_stop"() : () -> ()
        } else {
        }
        %and3A_169 = arith.constant true
        %and3A_170 = arith.andi %and3A, %and3A_169 : i1
        %add3A_171 = arith.constant 1 : i32
        %add3A_172 = arith.addi %scan3A_124, %add3A_171 : i32
        %select_n3A_173 = arith.select %and3A_170, %add3A_172, %scan3A_124 : i32
        %ne3A_174 = arith.cmpi ne, %add3A_133, %add3A_151 : i32
        %or3A_175 = arith.constant false
        %or3A_176 = arith.ori %or3A_175, %ne3A_174 : i1
        %or3A_177 = arith.constant false
        %or3A_178 = arith.ori %or3A_176, %or3A_177 : i1
        %ge3A_179 = arith.constant 24 : i32
        %ge3A_180 = arith.cmpi sge, %scan3A_123, %ge3A_179 : i32
        %not3A_181 = arith.constant true
        %not3A_182 = arith.xori %ge3A_180, %not3A_181 : i1
        %and3A_183 = arith.andi %or3A_178, %not3A_182 : i1
        %add3A_184 = arith.constant 1760 : i32
        %add3A_185 = arith.addi %add3A_184, %add3A_133 : i32
        %add3A_186 = arith.constant 1760 : i32
        %add3A_187 = arith.addi %add3A_186, %add3A_142 : i32
        %ne3A_188 = arith.cmpi ne, %add3A_185, %add3A_187 : i32
        %or3A_189 = arith.constant false
        %or3A_190 = arith.ori %or3A_189, %ne3A_188 : i1
        %or3A_191 = arith.ori %or3A_190, %eq3A_130 : i1
        %convert_element_type3A_192 = arith.extui %or3A_191 : i1 to i32
        %cond3A_193 = arith.constant 0 : i32
        %cond3A_194 = arith.cmpi ne, %convert_element_type3A_192, %cond3A_193 : i32
        scf.if %cond3A_194 {
          "tpu.trace_start"() <{level = 10 : i32, message = "ep_wait_in"}> : () -> ()
          %add3A_286 = arith.constant 1760 : i32
          %add3A_287 = arith.addi %add3A_286, %add3A_133 : i32
          %mul3A_288 = arith.constant 128 : i32
          %mul3A_289 = arith.muli %mul3A_288, %add3A_287 : i32
          %rem3A_290 = arith.constant 2 : i32
          %rem3A_291 = arith.remui %scan3A_125, %rem3A_290 : i32
          %dma_wait3A_292 = arith.constant 0 : i32
          %dma_wait3A_293 = arith.constant 0 : i32
          %dma_wait3A_294 = tpu.memref_slice %run_scoped3A[%rem3A_291, %dma_wait3A_292, %dma_wait3A_293] : memref<2x1x128xi32, #tpu.memory_space<vmem>> -> memref<1x1x128xi32, #tpu.memory_space<vmem>>
          %dma_wait3A_295 = tpu.memref_squeeze %dma_wait3A_294 : memref<1x1x128xi32, #tpu.memory_space<vmem>> -> memref<1x128xi32, #tpu.memory_space<vmem>>
          %dma_wait3A_296 = arith.constant 0 : i32
          %dma_wait3A_297 = tpu.memref_slice %arg3[%dma_wait3A_296, %mul3A_289] : memref<1x327680xi32, #tpu.memory_space<hbm>> -> memref<1x128xi32, #tpu.memory_space<hbm>>
          %dma_wait3A_298 = tpu.memref_slice %run_scoped3A_7[%rem3A_291] : memref<2x!tpu.dma_semaphore, #tpu.memory_space<semaphore_mem>> -> memref<1x!tpu.dma_semaphore, #tpu.memory_space<semaphore_mem>>
          %dma_wait3A_299 = tpu.memref_squeeze %dma_wait3A_298 : memref<1x!tpu.dma_semaphore, #tpu.memory_space<semaphore_mem>> -> memref<!tpu.dma_semaphore, #tpu.memory_space<semaphore_mem>>
          %dma_wait3A_300 = arith.constant 0 : i32
          %dma_wait3A_301 = arith.constant 0 : i32
          %dma_wait3A_302 = tpu.memref_slice %run_scoped3A[%rem3A_291, %dma_wait3A_300, %dma_wait3A_301] : memref<2x1x128xi32, #tpu.memory_space<vmem>> -> memref<1x1x128xi32, #tpu.memory_space<vmem>>
          %dma_wait3A_303 = tpu.memref_squeeze %dma_wait3A_302 : memref<1x1x128xi32, #tpu.memory_space<vmem>> -> memref<1x128xi32, #tpu.memory_space<vmem>>
          %dma_wait3A_304 = arith.constant 0 : i32
          %dma_wait3A_305 = tpu.memref_slice %arg3[%dma_wait3A_304, %mul3A_289] : memref<1x327680xi32, #tpu.memory_space<hbm>> -> memref<1x128xi32, #tpu.memory_space<hbm>>
          tpu.wait_dma2 semaphore(%dma_wait3A_299 : memref<!tpu.dma_semaphore, #tpu.memory_space<semaphore_mem>>) src(%dma_wait3A_305 : memref<1x128xi32, #tpu.memory_space<hbm>>) dst(%dma_wait3A_303 : memref<1x128xi32, #tpu.memory_space<vmem>>)
          "tpu.trace_stop"() : () -> ()
        } else {
        }
        %ne3A_195 = arith.cmpi ne, %add3A_133, %add3A_142 : i32
        %or3A_196 = arith.constant false
        %or3A_197 = arith.ori %or3A_196, %ne3A_195 : i1
        %or3A_198 = arith.constant false
        %or3A_199 = arith.ori %or3A_197, %or3A_198 : i1
        %or3A_200 = arith.ori %or3A_199, %eq3A_130 : i1
        %convert_element_type3A_201 = arith.extui %or3A_200 : i1 to i32
        %cond3A_202 = arith.constant 0 : i32
        %cond3A_203 = arith.cmpi ne, %convert_element_type3A_201, %cond3A_202 : i32
        scf.if %cond3A_203 {
        } else {
        }
        %rem3A_204 = arith.constant 2 : i32
        %rem3A_205 = arith.remui %scan3A_125, %rem3A_204 : i32
        %rem3A_206 = arith.constant 2 : i32
        %rem3A_207 = arith.remui %scan3A_126, %rem3A_206 : i32
        %run_scoped3A_208 = arith.constant 0 : i32
        "tpu.trace_start"() <{level = 10 : i32, message = "ep_run_kernel"}> : () -> ()
        "tpu.region"() ({
          %run_scoped3A_286 = tpu.sem_alloc : memref<!tpu.dma_semaphore, #tpu.memory_space<semaphore_mem>>
          %dma_start3A_287 = arith.constant 0 : i32
          %dma_start3A_288 = arith.constant 0 : i32
          %dma_start3A_289 = tpu.memref_slice %run_scoped3A_8[%rem3A_207, %dma_start3A_287, %dma_start3A_288] : memref<2x128x128xf32, #tpu.memory_space<vmem>> -> memref<1x128x128xf32, #tpu.memory_space<vmem>>
          %dma_start3A_290 = tpu.memref_squeeze %dma_start3A_289 : memref<1x128x128xf32, #tpu.memory_space<vmem>> -> memref<128x128xf32, #tpu.memory_space<vmem>>
          %dma_start3A_291 = arith.constant 0 : i32
          %dma_start3A_292 = arith.constant 0 : i32
          %dma_start3A_293 = tpu.memref_slice %run_scoped3A[%rem3A_205, %dma_start3A_291, %dma_start3A_292] : memref<2x1x128xi32, #tpu.memory_space<vmem>> -> memref<1x1x128xi32, #tpu.memory_space<vmem>>
          %dma_start3A_294 = tpu.memref_squeeze %dma_start3A_293 : memref<1x1x128xi32, #tpu.memory_space<vmem>> -> memref<1x128xi32, #tpu.memory_space<vmem>>
          %dma_start3A_295 = arith.constant 0 : i32
          %dma_start3A_296 = tpu.memref_slice %dma_start3A_294[%run_scoped3A_208, %dma_start3A_295] : memref<1x128xi32, #tpu.memory_space<vmem>> -> memref<1x128xi32, #tpu.memory_space<vmem>>
          %dma_start3A_297 = tpu.memref_squeeze %dma_start3A_296 : memref<1x128xi32, #tpu.memory_space<vmem>> -> memref<128xi32, #tpu.memory_space<vmem>>
          %dma_start3A_298 = arith.constant 0 : i32
          %dma_start3A_299 = arith.constant 0 : i32
          %dma_start3A_300 = tpu.memref_slice %arg2[%dma_start3A_298, %dma_start3A_299] : memref<100000x128xf32, #tpu.memory_space<hbm>> -> memref<100000x128xf32, #tpu.memory_space<hbm>>
          tpu.enqueue_indirect_dma source(%dma_start3A_300 : memref<100000x128xf32, #tpu.memory_space<hbm>>) target(%dma_start3A_290 : memref<128x128xf32, #tpu.memory_space<vmem>>) offsets(%dma_start3A_297 : memref<128xi32, #tpu.memory_space<vmem>>) semaphore(%run_scoped3A_286 : memref<!tpu.dma_semaphore, #tpu.memory_space<semaphore_mem>>)
          %dma_wait3A_301 = arith.constant 0 : i32
          %dma_wait3A_302 = arith.constant 0 : i32
          %dma_wait3A_303 = tpu.memref_slice %run_scoped3A_8[%rem3A_207, %dma_wait3A_301, %dma_wait3A_302] : memref<2x128x128xf32, #tpu.memory_space<vmem>> -> memref<1x128x128xf32, #tpu.memory_space<vmem>>
          %dma_wait3A_304 = tpu.memref_squeeze %dma_wait3A_303 : memref<1x128x128xf32, #tpu.memory_space<vmem>> -> memref<128x128xf32, #tpu.memory_space<vmem>>
          %dma_wait3A_305 = arith.constant 0 : i32
          %dma_wait3A_306 = arith.constant 0 : i32
          %dma_wait3A_307 = tpu.memref_slice %run_scoped3A[%rem3A_205, %dma_wait3A_305, %dma_wait3A_306] : memref<2x1x128xi32, #tpu.memory_space<vmem>> -> memref<1x1x128xi32, #tpu.memory_space<vmem>>
          %dma_wait3A_308 = tpu.memref_squeeze %dma_wait3A_307 : memref<1x1x128xi32, #tpu.memory_space<vmem>> -> memref<1x128xi32, #tpu.memory_space<vmem>>
          %dma_wait3A_309 = arith.constant 0 : i32
          %dma_wait3A_310 = tpu.memref_slice %dma_wait3A_308[%run_scoped3A_208, %dma_wait3A_309] : memref<1x128xi32, #tpu.memory_space<vmem>> -> memref<1x128xi32, #tpu.memory_space<vmem>>
          %dma_wait3A_311 = tpu.memref_squeeze %dma_wait3A_310 : memref<1x128xi32, #tpu.memory_space<vmem>> -> memref<128xi32, #tpu.memory_space<vmem>>
          %dma_wait3A_312 = arith.constant 0 : i32
          %dma_wait3A_313 = arith.constant 0 : i32
          %dma_wait3A_314 = tpu.memref_slice %arg2[%dma_wait3A_312, %dma_wait3A_313] : memref<100000x128xf32, #tpu.memory_space<hbm>> -> memref<100000x128xf32, #tpu.memory_space<hbm>>
          tpu.wait_indirect_dma semaphore(%run_scoped3A_286 : memref<!tpu.dma_semaphore, #tpu.memory_space<semaphore_mem>>) src(%dma_wait3A_314 : memref<100000x128xf32, #tpu.memory_space<hbm>>) dst(%dma_wait3A_304 : memref<128x128xf32, #tpu.memory_space<vmem>>)
          tpu.yield
        }) : () -> ()
        "tpu.trace_stop"() : () -> ()
        %add3A_209 = arith.constant 1760 : i32
        %add3A_210 = arith.addi %add3A_209, %add3A_133 : i32
        %add3A_211 = arith.constant 1760 : i32
        %add3A_212 = arith.addi %add3A_211, %add3A_151 : i32
        %ne3A_213 = arith.cmpi ne, %add3A_210, %add3A_212 : i32
        %or3A_214 = arith.constant false
        %or3A_215 = arith.ori %or3A_214, %ne3A_213 : i1
        %or3A_216 = arith.ori %or3A_215, %eq3A_132 : i1
        %convert_element_type3A_217 = arith.extui %or3A_216 : i1 to i32
        %cond3A_218 = arith.constant 0 : i32
        %cond3A_219 = arith.cmpi ne, %convert_element_type3A_217, %cond3A_218 : i32
        scf.if %cond3A_219 {
        } else {
        }
        %and3A_220 = arith.constant false
        %and3A_221 = arith.andi %or3A_216, %and3A_220 : i1
        %ne3A_222 = arith.cmpi ne, %add3A_133, %add3A_151 : i32
        %or3A_223 = arith.constant false
        %or3A_224 = arith.ori %or3A_223, %ne3A_222 : i1
        %or3A_225 = arith.constant false
        %or3A_226 = arith.ori %or3A_224, %or3A_225 : i1
        %or3A_227 = arith.ori %or3A_226, %eq3A_132 : i1
        %convert_element_type3A_228 = arith.extui %or3A_227 : i1 to i32
        %cond3A_229 = arith.constant 0 : i32
        %cond3A_230 = arith.cmpi ne, %convert_element_type3A_228, %cond3A_229 : i32
        scf.if %cond3A_230 {
          "tpu.trace_start"() <{level = 10 : i32, message = "ep_copy_out"}> : () -> ()
          %rem3A_286 = arith.constant 2 : i32
          %rem3A_287 = arith.remui %scan3A_126, %rem3A_286 : i32
          %mul3A_288 = arith.constant 128 : i32
          %mul3A_289 = arith.muli %mul3A_288, %add3A_133 : i32
          %dma_start3A_290 = arith.constant 0 : i32
          %dma_start3A_291 = arith.constant 0 : i32
          %dma_start3A_292 = tpu.memref_slice %run_scoped3A_8[%rem3A_287, %dma_start3A_290, %dma_start3A_291] : memref<2x128x128xf32, #tpu.memory_space<vmem>> -> memref<1x128x128xf32, #tpu.memory_space<vmem>>
          %dma_start3A_293 = tpu.memref_squeeze %dma_start3A_292 : memref<1x128x128xf32, #tpu.memory_space<vmem>> -> memref<128x128xf32, #tpu.memory_space<vmem>>
          %dma_start3A_294 = arith.constant 0 : i32
          %dma_start3A_295 = tpu.memref_slice %arg4[%mul3A_289, %dma_start3A_294] : memref<102400x128xf32, #tpu.memory_space<hbm>> -> memref<128x128xf32, #tpu.memory_space<hbm>>
          %dma_start3A_296 = tpu.memref_slice %run_scoped3A_9[%rem3A_287] : memref<2x!tpu.dma_semaphore, #tpu.memory_space<semaphore_mem>> -> memref<1x!tpu.dma_semaphore, #tpu.memory_space<semaphore_mem>>
          %dma_start3A_297 = tpu.memref_squeeze %dma_start3A_296 : memref<1x!tpu.dma_semaphore, #tpu.memory_space<semaphore_mem>> -> memref<!tpu.dma_semaphore, #tpu.memory_space<semaphore_mem>>
          %dma_start3A_298 = arith.constant 0 : i32
          %dma_start3A_299 = tpu.memref_slice %arg4[%mul3A_289, %dma_start3A_298] : memref<102400x128xf32, #tpu.memory_space<hbm>> -> memref<128x128xf32, #tpu.memory_space<hbm>>
          %dma_start3A_300 = arith.constant 0 : i32
          %dma_start3A_301 = arith.constant 0 : i32
          %dma_start3A_302 = tpu.memref_slice %run_scoped3A_8[%rem3A_287, %dma_start3A_300, %dma_start3A_301] : memref<2x128x128xf32, #tpu.memory_space<vmem>> -> memref<1x128x128xf32, #tpu.memory_space<vmem>>
          %dma_start3A_303 = tpu.memref_squeeze %dma_start3A_302 : memref<1x128x128xf32, #tpu.memory_space<vmem>> -> memref<128x128xf32, #tpu.memory_space<vmem>>
          tpu.enqueue_dma source(%dma_start3A_303 : memref<128x128xf32, #tpu.memory_space<vmem>>) target(%dma_start3A_299 : memref<128x128xf32, #tpu.memory_space<hbm>>) target_semaphore(%dma_start3A_297 : memref<!tpu.dma_semaphore, #tpu.memory_space<semaphore_mem>>)
          "tpu.trace_stop"() : () -> ()
        } else {
        }
        %and3A_231 = arith.constant true
        %and3A_232 = arith.andi %or3A_227, %and3A_231 : i1
        %add3A_233 = arith.constant 1 : i32
        %add3A_234 = arith.addi %scan3A_126, %add3A_233 : i32
        %select_n3A_235 = arith.select %and3A_232, %add3A_234, %scan3A_126 : i32
        %add3A_236 = arith.constant 1760 : i32
        %add3A_237 = arith.addi %add3A_236, %add3A_133 : i32
        %add3A_238 = arith.constant 1760 : i32
        %add3A_239 = arith.addi %add3A_238, %add3A_142 : i32
        %ne3A_240 = arith.cmpi ne, %add3A_237, %add3A_239 : i32
        %or3A_241 = arith.constant false
        %or3A_242 = arith.ori %or3A_241, %ne3A_240 : i1
        %not3A_243 = arith.constant true
        %not3A_244 = arith.xori %eq3A_130, %not3A_243 : i1
        %and3A_245 = arith.andi %or3A_242, %not3A_244 : i1
        %convert_element_type3A_246 = arith.extui %and3A_245 : i1 to i32
        %cond3A_247 = arith.constant 0 : i32
        %cond3A_248 = arith.cmpi ne, %convert_element_type3A_246, %cond3A_247 : i32
        scf.if %cond3A_248 {
        } else {
        }
        %and3A_249 = arith.constant false
        %and3A_250 = arith.andi %and3A_245, %and3A_249 : i1
        %ne3A_251 = arith.cmpi ne, %add3A_133, %add3A_142 : i32
        %or3A_252 = arith.constant false
        %or3A_253 = arith.ori %or3A_252, %ne3A_251 : i1
        %or3A_254 = arith.constant false
        %or3A_255 = arith.ori %or3A_253, %or3A_254 : i1
        %not3A_256 = arith.constant true
        %not3A_257 = arith.xori %eq3A_130, %not3A_256 : i1
        %and3A_258 = arith.andi %or3A_255, %not3A_257 : i1
        %convert_element_type3A_259 = arith.extui %and3A_258 : i1 to i32
        %cond3A_260 = arith.constant 0 : i32
        %cond3A_261 = arith.cmpi ne, %convert_element_type3A_259, %cond3A_260 : i32
        scf.if %cond3A_261 {
          "tpu.trace_start"() <{level = 10 : i32, message = "ep_wait_out"}> : () -> ()
          %rem3A_286 = arith.constant 2 : i32
          %rem3A_287 = arith.remui %scan3A_127, %rem3A_286 : i32
          %mul3A_288 = arith.constant 128 : i32
          %mul3A_289 = arith.muli %mul3A_288, %add3A_142 : i32
          %dma_wait3A_290 = arith.constant 0 : i32
          %dma_wait3A_291 = arith.constant 0 : i32
          %dma_wait3A_292 = tpu.memref_slice %run_scoped3A_8[%rem3A_287, %dma_wait3A_290, %dma_wait3A_291] : memref<2x128x128xf32, #tpu.memory_space<vmem>> -> memref<1x128x128xf32, #tpu.memory_space<vmem>>
          %dma_wait3A_293 = tpu.memref_squeeze %dma_wait3A_292 : memref<1x128x128xf32, #tpu.memory_space<vmem>> -> memref<128x128xf32, #tpu.memory_space<vmem>>
          %dma_wait3A_294 = arith.constant 0 : i32
          %dma_wait3A_295 = tpu.memref_slice %arg4[%mul3A_289, %dma_wait3A_294] : memref<102400x128xf32, #tpu.memory_space<hbm>> -> memref<128x128xf32, #tpu.memory_space<hbm>>
          %dma_wait3A_296 = tpu.memref_slice %run_scoped3A_9[%rem3A_287] : memref<2x!tpu.dma_semaphore, #tpu.memory_space<semaphore_mem>> -> memref<1x!tpu.dma_semaphore, #tpu.memory_space<semaphore_mem>>
          %dma_wait3A_297 = tpu.memref_squeeze %dma_wait3A_296 : memref<1x!tpu.dma_semaphore, #tpu.memory_space<semaphore_mem>> -> memref<!tpu.dma_semaphore, #tpu.memory_space<semaphore_mem>>
          %dma_wait3A_298 = arith.constant 0 : i32
          %dma_wait3A_299 = tpu.memref_slice %arg4[%mul3A_289, %dma_wait3A_298] : memref<102400x128xf32, #tpu.memory_space<hbm>> -> memref<128x128xf32, #tpu.memory_space<hbm>>
          %dma_wait3A_300 = arith.constant 0 : i32
          %dma_wait3A_301 = arith.constant 0 : i32
          %dma_wait3A_302 = tpu.memref_slice %run_scoped3A_8[%rem3A_287, %dma_wait3A_300, %dma_wait3A_301] : memref<2x128x128xf32, #tpu.memory_space<vmem>> -> memref<1x128x128xf32, #tpu.memory_space<vmem>>
          %dma_wait3A_303 = tpu.memref_squeeze %dma_wait3A_302 : memref<1x128x128xf32, #tpu.memory_space<vmem>> -> memref<128x128xf32, #tpu.memory_space<vmem>>
          tpu.wait_dma2 semaphore(%dma_wait3A_297 : memref<!tpu.dma_semaphore, #tpu.memory_space<semaphore_mem>>) src(%dma_wait3A_303 : memref<128x128xf32, #tpu.memory_space<vmem>>) dst(%dma_wait3A_299 : memref<128x128xf32, #tpu.memory_space<hbm>>)
          "tpu.trace_stop"() : () -> ()
        } else {
        }
        %and3A_262 = arith.constant true
        %and3A_263 = arith.andi %and3A_258, %and3A_262 : i1
        %add3A_264 = arith.constant 1 : i32
        %add3A_265 = arith.addi %scan3A_127, %add3A_264 : i32
        %select_n3A_266 = arith.select %and3A_263, %add3A_265, %scan3A_127 : i32
        %add3A_267 = arith.constant 1760 : i32
        %add3A_268 = arith.addi %add3A_267, %add3A_133 : i32
        %add3A_269 = arith.constant 1760 : i32
        %add3A_270 = arith.addi %add3A_269, %add3A_151 : i32
        %ne3A_271 = arith.cmpi ne, %add3A_268, %add3A_270 : i32
        %or3A_272 = arith.constant false
        %or3A_273 = arith.ori %or3A_272, %ne3A_271 : i1
        %or3A_274 = arith.ori %or3A_273, %eq3A_132 : i1
        %add3A_275 = arith.constant 1 : i32
        %add3A_276 = arith.addi %scan3A_125, %add3A_275 : i32
        %select_n3A_277 = arith.select %or3A_274, %add3A_276, %scan3A_125 : i32
        %add3A_278 = arith.constant 1 : i32
        %add3A_279 = arith.addi %scan3A_128, %add3A_278 : i32
        %select_n3A_280 = arith.constant true
        %select_n3A_281 = arith.select %select_n3A_280, %add3A_279, %scan3A_128 : i32
        %eq3A_282 = arith.constant 25 : i32
        %eq3A_283 = arith.cmpi eq, %select_n3A_281, %eq3A_282 : i32
        %select_n3A_284 = arith.constant 0 : i32
        %select_n3A_285 = arith.select %eq3A_283, %select_n3A_284, %select_n3A_281 : i32
        scf.yield %select_n3A_173, %select_n3A_277, %select_n3A_235, %select_n3A_266, %select_n3A_285 : i32, i32, i32, i32, i32
      }
      %scan3A_70 = arith.constant 25 : i32
      %sub3A = arith.constant 1 : i32
      %sub3A_71 = arith.subi %scan3A_69#4, %sub3A : i32
      %select_n3A_72 = arith.constant true
      %select_n3A_73 = arith.select %select_n3A_72, %sub3A_71, %scan3A_69#4 : i32
      %eq3A_74 = arith.constant -1 : i32
      %eq3A_75 = arith.cmpi eq, %select_n3A_73, %eq3A_74 : i32
      %select_n3A_76 = arith.constant 24 : i32
      %select_n3A_77 = arith.select %eq3A_75, %select_n3A_76, %select_n3A_73 : i32
      %add3A_78 = arith.addi %select_n3A_77, %mul3A_6 : i32
      %sub3A_79 = arith.constant 1 : i32
      %sub3A_80 = arith.subi %select_n3A_77, %sub3A_79 : i32
      %select_n3A_81 = arith.constant true
      %select_n3A_82 = arith.select %select_n3A_81, %sub3A_80, %select_n3A_77 : i32
      %eq3A_83 = arith.constant -1 : i32
      %eq3A_84 = arith.cmpi eq, %select_n3A_82, %eq3A_83 : i32
      %select_n3A_85 = arith.constant 24 : i32
      %select_n3A_86 = arith.select %eq3A_84, %select_n3A_85, %select_n3A_82 : i32
      %add3A_87 = arith.addi %select_n3A_86, %mul3A_6 : i32
      %add3A_88 = arith.constant 1 : i32
      %add3A_89 = arith.addi %select_n3A_77, %add3A_88 : i32
      %select_n3A_90 = arith.constant true
      %select_n3A_91 = arith.select %select_n3A_90, %add3A_89, %select_n3A_77 : i32
      %eq3A_92 = arith.constant 25 : i32
      %eq3A_93 = arith.cmpi eq, %select_n3A_91, %eq3A_92 : i32
      %select_n3A_94 = arith.constant 0 : i32
      %select_n3A_95 = arith.select %eq3A_93, %select_n3A_94, %select_n3A_91 : i32
      %add3A_96 = arith.addi %select_n3A_95, %mul3A_6 : i32
      %add3A_97 = arith.constant 1 : i32
      %add3A_98 = arith.addi %select_n3A_95, %add3A_97 : i32
      %select_n3A_99 = arith.constant true
      %select_n3A_100 = arith.select %select_n3A_99, %add3A_98, %select_n3A_95 : i32
      %eq3A_101 = arith.constant 25 : i32
      %eq3A_102 = arith.cmpi eq, %select_n3A_100, %eq3A_101 : i32
      %select_n3A_103 = arith.constant 0 : i32
      %select_n3A_104 = arith.select %eq3A_102, %select_n3A_103, %select_n3A_100 : i32
      %add3A_105 = arith.addi %select_n3A_104, %mul3A_6 : i32
      "tpu.trace_start"() <{level = 10 : i32, message = "ep_finalize"}> : () -> ()
      %rem3A_106 = arith.constant 2 : i32
      %rem3A_107 = arith.remui %scan3A_69#3, %rem3A_106 : i32
      %mul3A_108 = arith.constant 128 : i32
      %mul3A_109 = arith.muli %mul3A_108, %add3A_78 : i32
      %dma_wait3A = arith.constant 0 : i32
      %dma_wait3A_110 = arith.constant 0 : i32
      %dma_wait3A_111 = tpu.memref_slice %run_scoped3A_8[%rem3A_107, %dma_wait3A, %dma_wait3A_110] : memref<2x128x128xf32, #tpu.memory_space<vmem>> -> memref<1x128x128xf32, #tpu.memory_space<vmem>>
      %dma_wait3A_112 = tpu.memref_squeeze %dma_wait3A_111 : memref<1x128x128xf32, #tpu.memory_space<vmem>> -> memref<128x128xf32, #tpu.memory_space<vmem>>
      %dma_wait3A_113 = arith.constant 0 : i32
      %dma_wait3A_114 = tpu.memref_slice %arg4[%mul3A_109, %dma_wait3A_113] : memref<102400x128xf32, #tpu.memory_space<hbm>> -> memref<128x128xf32, #tpu.memory_space<hbm>>
      %dma_wait3A_115 = tpu.memref_slice %run_scoped3A_9[%rem3A_107] : memref<2x!tpu.dma_semaphore, #tpu.memory_space<semaphore_mem>> -> memref<1x!tpu.dma_semaphore, #tpu.memory_space<semaphore_mem>>
      %dma_wait3A_116 = tpu.memref_squeeze %dma_wait3A_115 : memref<1x!tpu.dma_semaphore, #tpu.memory_space<semaphore_mem>> -> memref<!tpu.dma_semaphore, #tpu.memory_space<semaphore_mem>>
      %dma_wait3A_117 = arith.constant 0 : i32
      %dma_wait3A_118 = tpu.memref_slice %arg4[%mul3A_109, %dma_wait3A_117] : memref<102400x128xf32, #tpu.memory_space<hbm>> -> memref<128x128xf32, #tpu.memory_space<hbm>>
      %dma_wait3A_119 = arith.constant 0 : i32
      %dma_wait3A_120 = arith.constant 0 : i32
      %dma_wait3A_121 = tpu.memref_slice %run_scoped3A_8[%rem3A_107, %dma_wait3A_119, %dma_wait3A_120] : memref<2x128x128xf32, #tpu.memory_space<vmem>> -> memref<1x128x128xf32, #tpu.memory_space<vmem>>
      %dma_wait3A_122 = tpu.memref_squeeze %dma_wait3A_121 : memref<1x128x128xf32, #tpu.memory_space<vmem>> -> memref<128x128xf32, #tpu.memory_space<vmem>>
      tpu.wait_dma2 semaphore(%dma_wait3A_116 : memref<!tpu.dma_semaphore, #tpu.memory_space<semaphore_mem>>) src(%dma_wait3A_122 : memref<128x128xf32, #tpu.memory_space<vmem>>) dst(%dma_wait3A_118 : memref<128x128xf32, #tpu.memory_space<hbm>>)
      "tpu.trace_stop"() : () -> ()
      tpu.yield
    }) : () -> ()
    return
  }
}

module attributes {stable_mosaic.version = 14 : i64} {
  func.func @_mlp_body(%arg0: i32, %arg1: memref<10240x128xf32, #tpu.memory_space<vmem>>, %arg2: memref<2560x2048xbf16, #tpu.memory_space<vmem>>, %arg3: memref<1x2048xf32, #tpu.memory_space<vmem>>, %arg4: memref<1000x2048xbf16, #tpu.memory_space<vmem>>, %arg5: memref<1000x1xf32, #tpu.memory_space<vmem>>, %arg6: memref<1000x512xf32, #tpu.memory_space<vmem>>) attributes {dimension_semantics = [#tpu.dimension_semantics<arbitrary>], iteration_bounds = array<i64: 4>, scalar_prefetch = 0 : i64, scratch_operands = 0 : i64, tpu.core_type = #tpu.core_type<tc>, window_params = [{transform_indices = @transform_0, window_bounds = array<i64: 10240, 128>}, {pipeline_mode = #tpu.pipeline_mode<synchronous>, transform_indices = @transform_1, window_bounds = array<i64: 2560, 2048>}, {pipeline_mode = #tpu.pipeline_mode<synchronous>, transform_indices = @transform_2, window_bounds = array<i64: 1, 2048>}, {pipeline_mode = #tpu.pipeline_mode<synchronous>, transform_indices = @transform_3, window_bounds = array<i64: 1000, 2048>}, {pipeline_mode = #tpu.pipeline_mode<synchronous>, transform_indices = @transform_4, window_bounds = array<i64: 1000, 1>}, {transform_indices = @transform_5, window_bounds = array<i64: 1000, 512>}]} {
    %get3A = tpu.memref_reshape %arg1 : memref<10240x128xf32, #tpu.memory_space<vmem>> -> memref<512x2560xf32, #tpu.memory_space<vmem>>
    %get3A_0 = arith.constant 0 : index
    %get3A_1 = arith.constant 0 : index
    %get3A_2 = vector.load %get3A[%get3A_0, %get3A_1] : memref<512x2560xf32, #tpu.memory_space<vmem>>, vector<512x2560xf32>
    %convert_element_type3A = arith.truncf %get3A_2 : vector<512x2560xf32> to vector<512x2560xbf16>
    %get3A_3 = arith.constant 0 : index
    %get3A_4 = arith.constant 0 : index
    %get3A_5 = vector.load %arg2[%get3A_3, %get3A_4] : memref<2560x2048xbf16, #tpu.memory_space<vmem>>, vector<2560x2048xbf16>
    %dot_general3A = arith.constant dense<0.000000e+00> : vector<512x2048xf32>
    %dot_general3A_6 = tpu.matmul %convert_element_type3A, %get3A_5, %dot_general3A {dimension_numbers = #tpu.dot_dimension_numbers<[1], [0], [0], [1], [0, 0, 1, 1], [], []>, transpose_lhs_hint = false} : vector<512x2560xbf16>, vector<2560x2048xbf16>, vector<512x2048xf32> -> vector<512x2048xf32>
    %get3A_7 = arith.constant 0 : index
    %get3A_8 = arith.constant 0 : index
    %get3A_9 = vector.load %arg3[%get3A_7, %get3A_8] : memref<1x2048xf32, #tpu.memory_space<vmem>>, vector<1x2048xf32>
    %add3A = vector.broadcast %get3A_9 : vector<1x2048xf32> to vector<512x2048xf32>
    %add3A_10 = arith.addf %dot_general3A_6, %add3A : vector<512x2048xf32>
    %max3A = arith.constant 0.000000e+00 : f32
    %max3A_11 = vector.broadcast %max3A : f32 to vector<512x2048xf32>
    %max3A_12 = arith.maximumf %add3A_10, %max3A_11 : vector<512x2048xf32>
    %convert_element_type3A_13 = arith.truncf %max3A_12 : vector<512x2048xf32> to vector<512x2048xbf16>
    %get3A_14 = arith.constant 0 : index
    %get3A_15 = arith.constant 0 : index
    %get3A_16 = vector.load %arg4[%get3A_14, %get3A_15] : memref<1000x2048xbf16, #tpu.memory_space<vmem>>, vector<1000x2048xbf16>
    %dot_general3A_17 = arith.constant dense<0.000000e+00> : vector<1000x512xf32>
    %dot_general3A_18 = tpu.matmul %get3A_16, %convert_element_type3A_13, %dot_general3A_17 {dimension_numbers = #tpu.dot_dimension_numbers<[1], [1], [0], [0], [0, 0, 1, 0], [], []>, transpose_lhs_hint = false} : vector<1000x2048xbf16>, vector<512x2048xbf16>, vector<1000x512xf32> -> vector<1000x512xf32>
    %get3A_19 = arith.constant 0 : index
    %get3A_20 = arith.constant 0 : index
    %get3A_21 = vector.load %arg5[%get3A_19, %get3A_20] : memref<1000x1xf32, #tpu.memory_space<vmem>>, vector<1000x1xf32>
    %add3A_22 = vector.broadcast %get3A_21 : vector<1000x1xf32> to vector<1000x512xf32>
    %add3A_23 = arith.addf %dot_general3A_18, %add3A_22 : vector<1000x512xf32>
    %swap3A = arith.constant 0 : index
    %swap3A_24 = arith.constant 0 : index
    %swap3A_25 = vector.load %arg6[%swap3A, %swap3A_24] : memref<1000x512xf32, #tpu.memory_space<vmem>>, vector<1000x512xf32>
    tpu.vector_store %arg6[%swap3A, %swap3A_24], %add3A_23 {strides = array<i32>} : memref<1000x512xf32, #tpu.memory_space<vmem>>, vector<1000x512xf32>,
    return
  }
  func.func @transform_0(%arg0: i32) -> (i32, i32) {
    %c0_i32 = arith.constant 0 : i32
    %c0_i32_0 = arith.constant 0 : i32
    return %arg0, %c0_i32 : i32, i32
  }
  func.func @transform_1(%arg0: i32) -> (i32, i32) {
    %c0_i32 = arith.constant 0 : i32
    %c0_i32_0 = arith.constant 0 : i32
    %c0_i32_1 = arith.constant 0 : i32
    return %c0_i32, %c0_i32_0 : i32, i32
  }
  func.func @transform_2(%arg0: i32) -> (i32, i32) {
    %c0_i32 = arith.constant 0 : i32
    %c0_i32_0 = arith.constant 0 : i32
    %c0_i32_1 = arith.constant 0 : i32
    return %c0_i32, %c0_i32_0 : i32, i32
  }
  func.func @transform_3(%arg0: i32) -> (i32, i32) {
    %c0_i32 = arith.constant 0 : i32
    %c0_i32_0 = arith.constant 0 : i32
    %c0_i32_1 = arith.constant 0 : i32
    return %c0_i32, %c0_i32_0 : i32, i32
  }
  func.func @transform_4(%arg0: i32) -> (i32, i32) {
    %c0_i32 = arith.constant 0 : i32
    %c0_i32_0 = arith.constant 0 : i32
    %c0_i32_1 = arith.constant 0 : i32
    return %c0_i32, %c0_i32_0 : i32, i32
  }
  func.func @transform_5(%arg0: i32) -> (i32, i32) {
    %add3A = arith.constant 0 : i32
    %add3A_0 = arith.addi %add3A, %arg0 : i32
    %c0_i32 = arith.constant 0 : i32
    %c0_i32_1 = arith.constant 0 : i32
    return %c0_i32, %add3A_0 : i32, i32
  }
}

module attributes {stable_mosaic.version = 14 : i64} {
  func.func @_mlp_body_aliased(%arg0: i32, %arg1: memref<10240x128xf32, #tpu.memory_space<vmem>>, %arg2: memref<2560x2048xbf16, #tpu.memory_space<vmem>>, %arg3: memref<1x2048xf32, #tpu.memory_space<vmem>>, %arg4: memref<1000x2048xbf16, #tpu.memory_space<vmem>>, %arg5: memref<1000x1xf32, #tpu.memory_space<vmem>>, %arg6: memref<1000x16384xf32, #tpu.memory_space<any>>, %arg7: memref<1000x512xf32, #tpu.memory_space<vmem>>) attributes {dimension_semantics = [#tpu.dimension_semantics<arbitrary>], iteration_bounds = array<i64: 8>, scalar_prefetch = 0 : i64, scratch_operands = 0 : i64, tpu.core_type = #tpu.core_type<tc>, window_params = [{transform_indices = @transform_0, window_bounds = array<i64: 10240, 128>}, {pipeline_mode = #tpu.pipeline_mode<synchronous>, transform_indices = @transform_1, window_bounds = array<i64: 2560, 2048>}, {pipeline_mode = #tpu.pipeline_mode<synchronous>, transform_indices = @transform_2, window_bounds = array<i64: 1, 2048>}, {pipeline_mode = #tpu.pipeline_mode<synchronous>, transform_indices = @transform_3, window_bounds = array<i64: 1000, 2048>}, {pipeline_mode = #tpu.pipeline_mode<synchronous>, transform_indices = @transform_4, window_bounds = array<i64: 1000, 1>}, {}, {transform_indices = @transform_6, window_bounds = array<i64: 1000, 512>}]} {
    %get3A = tpu.memref_reshape %arg1 : memref<10240x128xf32, #tpu.memory_space<vmem>> -> memref<512x2560xf32, #tpu.memory_space<vmem>>
    %get3A_0 = arith.constant 0 : index
    %get3A_1 = arith.constant 0 : index
    %get3A_2 = vector.load %get3A[%get3A_0, %get3A_1] : memref<512x2560xf32, #tpu.memory_space<vmem>>, vector<512x2560xf32>
    %convert_element_type3A = arith.truncf %get3A_2 : vector<512x2560xf32> to vector<512x2560xbf16>
    %get3A_3 = arith.constant 0 : index
    %get3A_4 = arith.constant 0 : index
    %get3A_5 = vector.load %arg2[%get3A_3, %get3A_4] : memref<2560x2048xbf16, #tpu.memory_space<vmem>>, vector<2560x2048xbf16>
    %dot_general3A = arith.constant dense<0.000000e+00> : vector<512x2048xf32>
    %dot_general3A_6 = tpu.matmul %convert_element_type3A, %get3A_5, %dot_general3A {dimension_numbers = #tpu.dot_dimension_numbers<[1], [0], [0], [1], [0, 0, 1, 1], [], []>, transpose_lhs_hint = false} : vector<512x2560xbf16>, vector<2560x2048xbf16>, vector<512x2048xf32> -> vector<512x2048xf32>
    %get3A_7 = arith.constant 0 : index
    %get3A_8 = arith.constant 0 : index
    %get3A_9 = vector.load %arg3[%get3A_7, %get3A_8] : memref<1x2048xf32, #tpu.memory_space<vmem>>, vector<1x2048xf32>
    %add3A = vector.broadcast %get3A_9 : vector<1x2048xf32> to vector<512x2048xf32>
    %add3A_10 = arith.addf %dot_general3A_6, %add3A : vector<512x2048xf32>
    %max3A = arith.constant 0.000000e+00 : f32
    %max3A_11 = vector.broadcast %max3A : f32 to vector<512x2048xf32>
    %max3A_12 = arith.maximumf %add3A_10, %max3A_11 : vector<512x2048xf32>
    %convert_element_type3A_13 = arith.truncf %max3A_12 : vector<512x2048xf32> to vector<512x2048xbf16>
    %get3A_14 = arith.constant 0 : index
    %get3A_15 = arith.constant 0 : index
    %get3A_16 = vector.load %arg4[%get3A_14, %get3A_15] : memref<1000x2048xbf16, #tpu.memory_space<vmem>>, vector<1000x2048xbf16>
    %dot_general3A_17 = arith.constant dense<0.000000e+00> : vector<1000x512xf32>
    %dot_general3A_18 = tpu.matmul %get3A_16, %convert_element_type3A_13, %dot_general3A_17 {dimension_numbers = #tpu.dot_dimension_numbers<[1], [1], [0], [0], [0, 0, 1, 0], [], []>, transpose_lhs_hint = false} : vector<1000x2048xbf16>, vector<512x2048xbf16>, vector<1000x512xf32> -> vector<1000x512xf32>
    %get3A_19 = arith.constant 0 : index
    %get3A_20 = arith.constant 0 : index
    %get3A_21 = vector.load %arg5[%get3A_19, %get3A_20] : memref<1000x1xf32, #tpu.memory_space<vmem>>, vector<1000x1xf32>
    %add3A_22 = vector.broadcast %get3A_21 : vector<1000x1xf32> to vector<1000x512xf32>
    %add3A_23 = arith.addf %dot_general3A_18, %add3A_22 : vector<1000x512xf32>
    %swap3A = arith.constant 0 : index
    %swap3A_24 = arith.constant 0 : index
    %swap3A_25 = vector.load %arg7[%swap3A, %swap3A_24] : memref<1000x512xf32, #tpu.memory_space<vmem>>, vector<1000x512xf32>
    tpu.vector_store %arg7[%swap3A, %swap3A_24], %add3A_23 {strides = array<i32>} : memref<1000x512xf32, #tpu.memory_space<vmem>>, vector<1000x512xf32>,
    return
  }
  func.func @transform_0(%arg0: i32) -> (i32, i32) {
    %c0_i32 = arith.constant 0 : i32
    %c0_i32_0 = arith.constant 0 : i32
    return %arg0, %c0_i32 : i32, i32
  }
  func.func @transform_1(%arg0: i32) -> (i32, i32) {
    %c0_i32 = arith.constant 0 : i32
    %c0_i32_0 = arith.constant 0 : i32
    %c0_i32_1 = arith.constant 0 : i32
    return %c0_i32, %c0_i32_0 : i32, i32
  }
  func.func @transform_2(%arg0: i32) -> (i32, i32) {
    %c0_i32 = arith.constant 0 : i32
    %c0_i32_0 = arith.constant 0 : i32
    %c0_i32_1 = arith.constant 0 : i32
    return %c0_i32, %c0_i32_0 : i32, i32
  }
  func.func @transform_3(%arg0: i32) -> (i32, i32) {
    %c0_i32 = arith.constant 0 : i32
    %c0_i32_0 = arith.constant 0 : i32
    %c0_i32_1 = arith.constant 0 : i32
    return %c0_i32, %c0_i32_0 : i32, i32
  }
  func.func @transform_4(%arg0: i32) -> (i32, i32) {
    %c0_i32 = arith.constant 0 : i32
    %c0_i32_0 = arith.constant 0 : i32
    %c0_i32_1 = arith.constant 0 : i32
    return %c0_i32, %c0_i32_0 : i32, i32
  }
  func.func @transform_6(%arg0: i32) -> (i32, i32) {
    %add3A = arith.constant 4 : i32
    %add3A_0 = arith.addi %add3A, %arg0 : i32
    %c0_i32 = arith.constant 0 : i32
    %c0_i32_1 = arith.constant 0 : i32
    return %c0_i32, %add3A_0 : i32, i32
  }
}

module attributes {stable_mosaic.version = 14 : i64} {
  func.func @_mlp_body_aliased(%arg0: i32, %arg1: memref<10240x128xf32, #tpu.memory_space<vmem>>, %arg2: memref<2560x2048xbf16, #tpu.memory_space<vmem>>, %arg3: memref<1x2048xf32, #tpu.memory_space<vmem>>, %arg4: memref<1000x2048xbf16, #tpu.memory_space<vmem>>, %arg5: memref<1000x1xf32, #tpu.memory_space<vmem>>, %arg6: memref<1000x16384xf32, #tpu.memory_space<any>>, %arg7: memref<1000x512xf32, #tpu.memory_space<vmem>>) attributes {dimension_semantics = [#tpu.dimension_semantics<arbitrary>], iteration_bounds = array<i64: 10>, scalar_prefetch = 0 : i64, scratch_operands = 0 : i64, tpu.core_type = #tpu.core_type<tc>, window_params = [{transform_indices = @transform_0, window_bounds = array<i64: 10240, 128>}, {pipeline_mode = #tpu.pipeline_mode<synchronous>, transform_indices = @transform_1, window_bounds = array<i64: 2560, 2048>}, {pipeline_mode = #tpu.pipeline_mode<synchronous>, transform_indices = @transform_2, window_bounds = array<i64: 1, 2048>}, {pipeline_mode = #tpu.pipeline_mode<synchronous>, transform_indices = @transform_3, window_bounds = array<i64: 1000, 2048>}, {pipeline_mode = #tpu.pipeline_mode<synchronous>, transform_indices = @transform_4, window_bounds = array<i64: 1000, 1>}, {}, {transform_indices = @transform_6, window_bounds = array<i64: 1000, 512>}]} {
    %get3A = tpu.memref_reshape %arg1 : memref<10240x128xf32, #tpu.memory_space<vmem>> -> memref<512x2560xf32, #tpu.memory_space<vmem>>
    %get3A_0 = arith.constant 0 : index
    %get3A_1 = arith.constant 0 : index
    %get3A_2 = vector.load %get3A[%get3A_0, %get3A_1] : memref<512x2560xf32, #tpu.memory_space<vmem>>, vector<512x2560xf32>
    %convert_element_type3A = arith.truncf %get3A_2 : vector<512x2560xf32> to vector<512x2560xbf16>
    %get3A_3 = arith.constant 0 : index
    %get3A_4 = arith.constant 0 : index
    %get3A_5 = vector.load %arg2[%get3A_3, %get3A_4] : memref<2560x2048xbf16, #tpu.memory_space<vmem>>, vector<2560x2048xbf16>
    %dot_general3A = arith.constant dense<0.000000e+00> : vector<512x2048xf32>
    %dot_general3A_6 = tpu.matmul %convert_element_type3A, %get3A_5, %dot_general3A {dimension_numbers = #tpu.dot_dimension_numbers<[1], [0], [0], [1], [0, 0, 1, 1], [], []>, transpose_lhs_hint = false} : vector<512x2560xbf16>, vector<2560x2048xbf16>, vector<512x2048xf32> -> vector<512x2048xf32>
    %get3A_7 = arith.constant 0 : index
    %get3A_8 = arith.constant 0 : index
    %get3A_9 = vector.load %arg3[%get3A_7, %get3A_8] : memref<1x2048xf32, #tpu.memory_space<vmem>>, vector<1x2048xf32>
    %add3A = vector.broadcast %get3A_9 : vector<1x2048xf32> to vector<512x2048xf32>
    %add3A_10 = arith.addf %dot_general3A_6, %add3A : vector<512x2048xf32>
    %max3A = arith.constant 0.000000e+00 : f32
    %max3A_11 = vector.broadcast %max3A : f32 to vector<512x2048xf32>
    %max3A_12 = arith.maximumf %add3A_10, %max3A_11 : vector<512x2048xf32>
    %convert_element_type3A_13 = arith.truncf %max3A_12 : vector<512x2048xf32> to vector<512x2048xbf16>
    %get3A_14 = arith.constant 0 : index
    %get3A_15 = arith.constant 0 : index
    %get3A_16 = vector.load %arg4[%get3A_14, %get3A_15] : memref<1000x2048xbf16, #tpu.memory_space<vmem>>, vector<1000x2048xbf16>
    %dot_general3A_17 = arith.constant dense<0.000000e+00> : vector<1000x512xf32>
    %dot_general3A_18 = tpu.matmul %get3A_16, %convert_element_type3A_13, %dot_general3A_17 {dimension_numbers = #tpu.dot_dimension_numbers<[1], [1], [0], [0], [0, 0, 1, 0], [], []>, transpose_lhs_hint = false} : vector<1000x2048xbf16>, vector<512x2048xbf16>, vector<1000x512xf32> -> vector<1000x512xf32>
    %get3A_19 = arith.constant 0 : index
    %get3A_20 = arith.constant 0 : index
    %get3A_21 = vector.load %arg5[%get3A_19, %get3A_20] : memref<1000x1xf32, #tpu.memory_space<vmem>>, vector<1000x1xf32>
    %add3A_22 = vector.broadcast %get3A_21 : vector<1000x1xf32> to vector<1000x512xf32>
    %add3A_23 = arith.addf %dot_general3A_18, %add3A_22 : vector<1000x512xf32>
    %swap3A = arith.constant 0 : index
    %swap3A_24 = arith.constant 0 : index
    %swap3A_25 = vector.load %arg7[%swap3A, %swap3A_24] : memref<1000x512xf32, #tpu.memory_space<vmem>>, vector<1000x512xf32>
    tpu.vector_store %arg7[%swap3A, %swap3A_24], %add3A_23 {strides = array<i32>} : memref<1000x512xf32, #tpu.memory_space<vmem>>, vector<1000x512xf32>,
    return
  }
  func.func @transform_0(%arg0: i32) -> (i32, i32) {
    %c0_i32 = arith.constant 0 : i32
    %c0_i32_0 = arith.constant 0 : i32
    return %arg0, %c0_i32 : i32, i32
  }
  func.func @transform_1(%arg0: i32) -> (i32, i32) {
    %c0_i32 = arith.constant 0 : i32
    %c0_i32_0 = arith.constant 0 : i32
    %c0_i32_1 = arith.constant 0 : i32
    return %c0_i32, %c0_i32_0 : i32, i32
  }
  func.func @transform_2(%arg0: i32) -> (i32, i32) {
    %c0_i32 = arith.constant 0 : i32
    %c0_i32_0 = arith.constant 0 : i32
    %c0_i32_1 = arith.constant 0 : i32
    return %c0_i32, %c0_i32_0 : i32, i32
  }
  func.func @transform_3(%arg0: i32) -> (i32, i32) {
    %c0_i32 = arith.constant 0 : i32
    %c0_i32_0 = arith.constant 0 : i32
    %c0_i32_1 = arith.constant 0 : i32
    return %c0_i32, %c0_i32_0 : i32, i32
  }
  func.func @transform_4(%arg0: i32) -> (i32, i32) {
    %c0_i32 = arith.constant 0 : i32
    %c0_i32_0 = arith.constant 0 : i32
    %c0_i32_1 = arith.constant 0 : i32
    return %c0_i32, %c0_i32_0 : i32, i32
  }
  func.func @transform_6(%arg0: i32) -> (i32, i32) {
    %add3A = arith.constant 12 : i32
    %add3A_0 = arith.addi %add3A, %arg0 : i32
    %c0_i32 = arith.constant 0 : i32
    %c0_i32_1 = arith.constant 0 : i32
    return %c0_i32, %add3A_0 : i32, i32
  }
}

module attributes {stable_mosaic.version = 14 : i64} {
  func.func @_mlp_body_aliased(%arg0: i32, %arg1: memref<10240x128xf32, #tpu.memory_space<vmem>>, %arg2: memref<2560x2048xbf16, #tpu.memory_space<vmem>>, %arg3: memref<1x2048xf32, #tpu.memory_space<vmem>>, %arg4: memref<1000x2048xbf16, #tpu.memory_space<vmem>>, %arg5: memref<1000x1xf32, #tpu.memory_space<vmem>>, %arg6: memref<1000x16384xf32, #tpu.memory_space<any>>, %arg7: memref<1000x512xf32, #tpu.memory_space<vmem>>) attributes {dimension_semantics = [#tpu.dimension_semantics<arbitrary>], iteration_bounds = array<i64: 10>, scalar_prefetch = 0 : i64, scratch_operands = 0 : i64, tpu.core_type = #tpu.core_type<tc>, window_params = [{transform_indices = @transform_0, window_bounds = array<i64: 10240, 128>}, {pipeline_mode = #tpu.pipeline_mode<synchronous>, transform_indices = @transform_1, window_bounds = array<i64: 2560, 2048>}, {pipeline_mode = #tpu.pipeline_mode<synchronous>, transform_indices = @transform_2, window_bounds = array<i64: 1, 2048>}, {pipeline_mode = #tpu.pipeline_mode<synchronous>, transform_indices = @transform_3, window_bounds = array<i64: 1000, 2048>}, {pipeline_mode = #tpu.pipeline_mode<synchronous>, transform_indices = @transform_4, window_bounds = array<i64: 1000, 1>}, {}, {transform_indices = @transform_6, window_bounds = array<i64: 1000, 512>}]} {
    %get3A = tpu.memref_reshape %arg1 : memref<10240x128xf32, #tpu.memory_space<vmem>> -> memref<512x2560xf32, #tpu.memory_space<vmem>>
    %get3A_0 = arith.constant 0 : index
    %get3A_1 = arith.constant 0 : index
    %get3A_2 = vector.load %get3A[%get3A_0, %get3A_1] : memref<512x2560xf32, #tpu.memory_space<vmem>>, vector<512x2560xf32>
    %convert_element_type3A = arith.truncf %get3A_2 : vector<512x2560xf32> to vector<512x2560xbf16>
    %get3A_3 = arith.constant 0 : index
    %get3A_4 = arith.constant 0 : index
    %get3A_5 = vector.load %arg2[%get3A_3, %get3A_4] : memref<2560x2048xbf16, #tpu.memory_space<vmem>>, vector<2560x2048xbf16>
    %dot_general3A = arith.constant dense<0.000000e+00> : vector<512x2048xf32>
    %dot_general3A_6 = tpu.matmul %convert_element_type3A, %get3A_5, %dot_general3A {dimension_numbers = #tpu.dot_dimension_numbers<[1], [0], [0], [1], [0, 0, 1, 1], [], []>, transpose_lhs_hint = false} : vector<512x2560xbf16>, vector<2560x2048xbf16>, vector<512x2048xf32> -> vector<512x2048xf32>
    %get3A_7 = arith.constant 0 : index
    %get3A_8 = arith.constant 0 : index
    %get3A_9 = vector.load %arg3[%get3A_7, %get3A_8] : memref<1x2048xf32, #tpu.memory_space<vmem>>, vector<1x2048xf32>
    %add3A = vector.broadcast %get3A_9 : vector<1x2048xf32> to vector<512x2048xf32>
    %add3A_10 = arith.addf %dot_general3A_6, %add3A : vector<512x2048xf32>
    %max3A = arith.constant 0.000000e+00 : f32
    %max3A_11 = vector.broadcast %max3A : f32 to vector<512x2048xf32>
    %max3A_12 = arith.maximumf %add3A_10, %max3A_11 : vector<512x2048xf32>
    %convert_element_type3A_13 = arith.truncf %max3A_12 : vector<512x2048xf32> to vector<512x2048xbf16>
    %get3A_14 = arith.constant 0 : index
    %get3A_15 = arith.constant 0 : index
    %get3A_16 = vector.load %arg4[%get3A_14, %get3A_15] : memref<1000x2048xbf16, #tpu.memory_space<vmem>>, vector<1000x2048xbf16>
    %dot_general3A_17 = arith.constant dense<0.000000e+00> : vector<1000x512xf32>
    %dot_general3A_18 = tpu.matmul %get3A_16, %convert_element_type3A_13, %dot_general3A_17 {dimension_numbers = #tpu.dot_dimension_numbers<[1], [1], [0], [0], [0, 0, 1, 0], [], []>, transpose_lhs_hint = false} : vector<1000x2048xbf16>, vector<512x2048xbf16>, vector<1000x512xf32> -> vector<1000x512xf32>
    %get3A_19 = arith.constant 0 : index
    %get3A_20 = arith.constant 0 : index
    %get3A_21 = vector.load %arg5[%get3A_19, %get3A_20] : memref<1000x1xf32, #tpu.memory_space<vmem>>, vector<1000x1xf32>
    %add3A_22 = vector.broadcast %get3A_21 : vector<1000x1xf32> to vector<1000x512xf32>
    %add3A_23 = arith.addf %dot_general3A_18, %add3A_22 : vector<1000x512xf32>
    %swap3A = arith.constant 0 : index
    %swap3A_24 = arith.constant 0 : index
    %swap3A_25 = vector.load %arg7[%swap3A, %swap3A_24] : memref<1000x512xf32, #tpu.memory_space<vmem>>, vector<1000x512xf32>
    tpu.vector_store %arg7[%swap3A, %swap3A_24], %add3A_23 {strides = array<i32>} : memref<1000x512xf32, #tpu.memory_space<vmem>>, vector<1000x512xf32>,
    return
  }
  func.func @transform_0(%arg0: i32) -> (i32, i32) {
    %c0_i32 = arith.constant 0 : i32
    %c0_i32_0 = arith.constant 0 : i32
    return %arg0, %c0_i32 : i32, i32
  }
  func.func @transform_1(%arg0: i32) -> (i32, i32) {
    %c0_i32 = arith.constant 0 : i32
    %c0_i32_0 = arith.constant 0 : i32
    %c0_i32_1 = arith.constant 0 : i32
    return %c0_i32, %c0_i32_0 : i32, i32
  }
  func.func @transform_2(%arg0: i32) -> (i32, i32) {
    %c0_i32 = arith.constant 0 : i32
    %c0_i32_0 = arith.constant 0 : i32
    %c0_i32_1 = arith.constant 0 : i32
    return %c0_i32, %c0_i32_0 : i32, i32
  }
  func.func @transform_3(%arg0: i32) -> (i32, i32) {
    %c0_i32 = arith.constant 0 : i32
    %c0_i32_0 = arith.constant 0 : i32
    %c0_i32_1 = arith.constant 0 : i32
    return %c0_i32, %c0_i32_0 : i32, i32
  }
  func.func @transform_4(%arg0: i32) -> (i32, i32) {
    %c0_i32 = arith.constant 0 : i32
    %c0_i32_0 = arith.constant 0 : i32
    %c0_i32_1 = arith.constant 0 : i32
    return %c0_i32, %c0_i32_0 : i32, i32
  }
  func.func @transform_6(%arg0: i32) -> (i32, i32) {
    %add3A = arith.constant 22 : i32
    %add3A_0 = arith.addi %add3A, %arg0 : i32
    %c0_i32 = arith.constant 0 : i32
    %c0_i32_1 = arith.constant 0 : i32
    return %c0_i32, %add3A_0 : i32, i32
  }
}

</mosaic_0001>

<sc_bundles>
// kernel: kernel.10.cloned.1.call-start
scs
__scs_entry_jumppad:
0x0: {  	(pc) =	sbr.rel $0x88, $3  }
0x1: {  	(tag) =	ssettag $0x0;
	lr =	simm.s32 $0x1  }
0x2: {  	[smem:$0x3F9B] =	sst lr;
	_ =	strace $0xD0000000  }
0x3: {  	_ = 	snop  }
0x4: {  	_ = 	snop  }
0x5: {  	_ = 	snop  }
0x6: {  	_ = 	snop  }
0x7: {  	_ = 	snop  }
__scs_overlays_trampoline_lowered:
0x8: {  	[smem:$0x3FAA] =	sst s0  }
0x9: {  	[smem:$0x3FAB] =	sst s1  }
0xa: {  	[smem:$0x3FAC] =	sst s2  }
0xb: {  	[smem:$0x3FAD] =	sst s3  }
0xc: {  	[smem:$0x3FAE] =	sst s4  }
0xd: {  	[smem:$0x3FAF] =	sst s5  }
0xe: {  	[smem:$0x3FB0] =	sst s6  }
0xf: {  	[smem:$0x3FB1] =	sst s7  }
0x10: {  	[smem:$0x3FB2] =	sst s8  }
0x11: {  	[smem:$0x3FB3] =	sst s9;
	s0 =	simm.s32 @!p0 $0x0  }
0x12: {  	s1 =	sld [smem:$0x3F99];
	s0 =	simm.s32 @p0 $0x1  }
0x13: {  	[smem:$0x3FB4] =	sst s0;
	s0 =	simm.s32 @!p1 $0x0  }
0x14: {  	s2 =	sld [smem:$0x3F98];
	s0 =	simm.s32 @p1 $0x1  }
0x15: {  	[smem:$0x3FB5] =	sst s0;
	s0 =	simm.s32 @!p2 $0x0  }
0x16: {  	s3 =	sld [smem:$0x3FDB];
	s0 =	simm.s32 @p2 $0x1  }
0x17: {  	s4 =	simm.s32 $0x1BF5;
	[smem:$0x3FB7] =	sst s0  }
0x18: {  	s0 =	sld [smem:$0x3F9A];
	_ =	swait.ge [sflag:s4], $0x0  }
0x19: {  	s7 =	sld [smem:$0x3F9B]  }
0x1a: {  	s8 =	sadd.s32 $0xFFFFE003, lr  }
0x1b: {  	s9 =	sadd.s32 $0xFFFFFEF7, lr;
	s5 =	simm.s32 $0xFFFFFFFF;
	p2 =	slt.u32 s8, $0xFFFFF086  }
0x1c: {  	p1 =	slt.u32 s9, $0xF7A;
	s5 =	simm.s32 @!p2 $0x0  }
0x1d: {  	s5 =	simm.s32 @p1 $0x1;
	p0 =	seq.s32 s7, s2  }
0x1e: {  	s7 =	smul.u32 @!p0 $0xF7A, s2;
	p2 =	seq.s32 @!p0 s5, $0x0  }
0x1f: {  	s9 =	smul.u32 $0xF7A, s1;
	s8 =	simm.s32 @!p0 $0x1BF5;
	p2 =	por !p2, p0  }
0x20: {  	[sflag:s8] =	ssyncset.s32 @!p0 $0xFFFFF086;
	s6 =	sadd.s32 @!p0 s3, s7;
	s7 =	simm.s32 @!p0 $0x108  }
0x21: {  	s3 =	sadd.s32 s3, s9;
	s6 =	sadd.s32 @!p0 $0x88, s6;
	s7 =	simm.s32 @p2 $0x1082  }
0x22: {  	[simem:s7], [sflag:s8] =	dma.local @!p0 [hbm:s6], $0xF7A  }
0x23: {  	s9 =	sor.u32 $0xD0000000, s2;
	s6 =	simm.s32 $0x108;
	_ =	swait.ge @!p0 [sflag:s8], $0x0  }
0x24: {  	s3 =	sadd.s32 $0x88, s3;
	s6 =	simm.s32 @!p1 $0x1082;
	[sflag:s4] =	ssyncset.s32 $0xFFFFF086  }
0x25: {  	[simem:s6], [sflag:s4] =	dma.local [hbm:s3], $0xF7A  }
0x26: {  	[smem:$0x3F9B] =	sst s1;
	(tag) =	ssettag s2;
	_ =	strace s9  }
0x27: {  	s1 =	sld [smem:$0x3FAB]  }
0x28: {  	s2 =	sld [smem:$0x3FAC]  }
0x29: {  	s4 =	sld [smem:$0x3FAE]  }
0x2a: {  	p0 =	seq.s32 s5, $0x0;
	s5 =	sld [smem:$0x3FAF]  }
0x2b: {  	s6 =	sld [smem:$0x3FB0]  }
0x2c: {  	s7 =	sld [smem:$0x3FB1]  }
0x2d: {  	s3 =	simm.s32 $0x108;
	s8 =	sld [smem:$0x3FB2]  }
0x2e: {  	s3 =	simm.s32 @!p0 $0x1082;
	s9 =	sld [smem:$0x3FB3]  }
0x2f: {  	lr =	sadd.s32 s0, s3;
	s0 =	sld [smem:$0x3FAA]  }
0x30: {  	s3 =	sld [smem:$0x3FAD]  }
0x31: {  	[smem:$0x3FB6] =	sst s10  }
0x32: {  	s10 =	sld [smem:$0x3FB4];
	_ =	sdelay $0x3  }
0x33: {  	p0 =	seq.s32 s10, $0x1;
	s10 =	sld [smem:$0x3FB6];
	_ =	sdelay $0x3  }
0x34: {  	[smem:$0x3FB6] =	sst s10  }
0x35: {  	s10 =	sld [smem:$0x3FB5];
	_ =	sdelay $0x3  }
0x36: {  	p1 =	seq.s32 s10, $0x1;
	s10 =	sld [smem:$0x3FB6];
	_ =	sdelay $0x3  }
0x37: {  	[smem:$0x3FB6] =	sst s10  }
0x38: {  	s10 =	sld [smem:$0x3FB7]  }
0x39: {  	_ = 	snop;
	(pc) =	sbr.ind lr, $3  }
0x3a: {  	_ = 	snop  }
0x3b: {  	_ = 	snop  }
0x3c: {  	p2 =	seq.s32 s10, $0x1;
	s10 =	sld [smem:$0x3FB6]  }
0x3d: {  	_ =	shalt  }
0x3e: {  	_ =	shalt  }
0x3f: {  	_ =	shalt  }
0x40: {  	_ =	shalt  }
0x41: {  	_ =	shalt  }
0x42: {  	_ =	shalt  }
0x43: {  	_ =	shalt  }
0x44: {  	_ =	shalt  }
0x45: {  	_ =	shalt  }
0x46: {  	_ =	shalt  }
0x47: {  	_ =	shalt  }
0x48: {  	_ =	shalt  }
0x49: {  	_ =	shalt  }
0x4a: {  	_ =	shalt  }
0x4b: {  	_ =	shalt  }
0x4c: {  	_ =	shalt  }
0x4d: {  	_ =	shalt  }
0x4e: {  	_ =	shalt  }
0x4f: {  	_ =	shalt  }
0x50: {  	_ =	shalt  }
0x51: {  	_ =	shalt  }
0x52: {  	_ =	shalt  }
0x53: {  	_ =	shalt  }
0x54: {  	_ =	shalt  }
0x55: {  	_ =	shalt  }
0x56: {  	_ =	shalt  }
0x57: {  	_ =	shalt  }
0x58: {  	_ =	shalt  }
0x59: {  	_ =	shalt  }
0x5a: {  	_ =	shalt  }
0x5b: {  	_ =	shalt  }
0x5c: {  	_ =	shalt  }
0x5d: {  	_ =	shalt  }
0x5e: {  	_ =	shalt  }
0x5f: {  	_ =	shalt  }
0x60: {  	_ =	shalt  }
0x61: {  	_ =	shalt  }
0x62: {  	_ =	shalt  }
0x63: {  	_ =	shalt  }
0x64: {  	_ =	shalt  }
0x65: {  	_ =	shalt  }
0x66: {  	_ =	shalt  }
0x67: {  	_ =	shalt  }
0x68: {  	_ =	shalt  }
0x69: {  	_ =	shalt  }
0x6a: {  	_ =	shalt  }
0x6b: {  	_ =	shalt  }
0x6c: {  	_ =	shalt  }
0x6d: {  	_ =	shalt  }
0x6e: {  	_ =	shalt  }
0x6f: {  	_ =	shalt  }
0x70: {  	_ =	shalt  }
0x71: {  	_ =	shalt  }
0x72: {  	_ =	shalt  }
0x73: {  	_ =	shalt  }
0x74: {  	_ =	shalt  }
0x75: {  	_ =	shalt  }
0x76: {  	_ =	shalt  }
0x77: {  	_ =	shalt  }
0x78: {  	_ =	shalt  }
0x79: {  	_ =	shalt  }
0x7a: {  	_ =	shalt  }
0x7b: {  	_ =	shalt  }
0x7c: {  	_ =	shalt  }
0x7d: {  	_ =	shalt  }
0x7e: {  	_ =	shalt  }
0x7f: {  	_ =	shalt  }
0x80: {  	_ =	shalt  }
0x81: {  	_ =	shalt  }
0x82: {  	_ =	shalt  }
0x83: {  	_ =	shalt  }
0x84: {  	_ =	shalt  }
0x85: {  	_ =	shalt  }
0x86: {  	_ =	shalt  }
0x87: {  	_ =	shalt  }
.Lfunc_end0:
.L_simem_size_0:
called_computation_lowered:
.L_overlay_start_0:
0x88: {  	s2 =	sld [smem:$0x3FD9]  }
0x89: {  	s3 =	sld [smem:$0x3FFE];
	_ =	sdelay $0x1  }
0x8a: {  	s1 =	srdreg.scid  }
0x8b: {  	s0 =	sand.u32 $0x1, s1  }
0x8c: {  	s17 =	sshll.u32 s0, $0xA;
	s2 =	sadd.s32 s3, s2  }
0x8d: {  	s2 =	sadd.s32 s2, s17  }
0x8e: {  	[smem:$0x3FC2] =	sst s2  }
0x8f: {  	_ = 	snop  }
0x90: {  	s2 =	sld [smem:$0x3FC8];
	(tm) =	ssettm $0x1  }
0x91: {  	s18 =	sld [smem:$0x3FFB];
	_ =	sdelay $0x3  }
0x92: {  	_ =	strace s18  }
0x93: {  	s3 =	sld [smem:$0x3FFC];
	_ =	sdelay $0x3  }
0x94: {  	_ =	strace s3  }
0x95: {  	s3 =	sld [smem:$0x3FFD];
	_ =	sdelay $0x3  }
0x96: {  	_ =	strace s3  }
0x97: {  	_ =	strace $0x8FFFFFFF  }
0x98: {  	s19 =	sld [smem:$0x3FDB];
	_ =	sdelay $0x1  }
0x99: {  	s4 =	simm.s32 $_scs_section_size  }
0x9a: {  	s5 =	simm.s32 $_size__tile_overlayer_lowered;
	s6 =	simm.s32 $_tile_overlayer_lowered  }
0x9b: {  	s22 =	simm.s32 $0x1BFF;
	s21 =	sshll.u32 s6, $0x1;
	s3 =	sadd.s32 s4, s19  }
0x9c: {  	s7 =	simm.s32 $0x0;
	s20 =	sshll.u32 s5, $0x1;
	s5 =	sadd.s32 s21, s3  }
0x9d: {  	[timem:s7], [sflag:s22] =	dma.local [hbm:s5], s20  }
0x9e: {  	_ =	swait.ge [sflag:s22], s20  }
0x9f: {  	s4 =	ssub.s32 $0x0, s20;
	[sflag:s22] =	ssyncset.done $0x0  }
0xa0: {  	[sflag:s22] =	ssyncadd.s32 s4;
	_ =	sdelay $0x1  }
0xa1: {  	s23 =	simm.s32 $0x1B8B  }
0xa2: {  	_ =	swait.ge [sflag:s23], $0x1  }
0xa3: {  	[sflag:s23] =	ssyncset.done $0x0  }
0xa4: {  	s25 =	simm.s32 $0x1B8E;
	s24 =	sld [smem:$0x3FFE];
	[sflag:s23] =	ssyncadd.s32 $0xFFFFFFFF  }
0xa5: {  	s26 =	simm.s32 $execute0_lowered;
	[smem:$0x3FD2] =	sst s25  }
0xa6: {  	s5 =	sshll.u32 s26, $0x1;
	_ =	strace $0x80000046;
	[dreg:$0x1] =	wrdreg $0xFFFFFFFF  }
0xa7: {  	s28 =	simm.s32 $_size_execute0_lowered;
	s3 =	sadd.s32 s3, s5;
	[dreg:$0x0] =	wrdreg $0x0  }
0xa8: {  	s5 =	sshll.u32 s28, $0x1;
	[dreg:$0x2] =	wrdreg s3  }
0xa9: {  	[dreg:$0x3] =	wrdreg s5  }
0xaa: {  	[dreg:$0x4] =	wrdreg $0xC0  }
0xab: {  	_ =	task [dreg:s7], $0x5FFFF  }
0xac: {  	[dreg:$0x1] =	wrdreg $0xFFFFFFFF  }
0xad: {  	[dreg:$0x0] =	wrdreg $0x60  }
0xae: {  	[dreg:$0x2] =	wrdreg s2  }
0xaf: {  	[dreg:$0x3] =	wrdreg s24  }
0xb0: {  	[dreg:$0x4] =	wrdreg $0x9  }
0xb1: {  	_ =	task.clear_ibuf [dreg:s7], $0x5FFFF;
	_ =	strace $0x90000046  }
0xb2: {  	s29 =	simm.s32 $0x9;
	_ =	strace $0x8000004F  }
0xb3: {  	_ =	swait.ge [sflag:s29], $0x1  }
0xb4: {  	[sflag:s29] =	ssyncadd.s32 $0xFFFFFFFF  }
0xb5: {  	_ =	strace $0x9000004F  }
0xb6: {  	_ =	sfence  }
0xb7: {  	s30 =	sld [smem:$0x0];
	_ =	sdelay $0x2  }
0xb8: {  	s31 =	sshll.u32 s1, $0xD;
	s1 =	sshrl.u32 s1, $0x2  }
0xb9: {  	s3 =	sand.u32 $0x4000, s31;
	s1 =	sadd.s32 s1, s30  }
0xba: {  	s0 =	sor.u32 s3, s0;
	s1 =	sshll.u32 s1, $0x11  }
0xbb: {  	s0 =	sor.u32 s1, s0  }
0xbc: {  	s0 =	sadd.s32 $0x8F2B, s0  }
0xbd: {  	[sflag:s0] =	ssyncadd.remote.s32 $0x1  }
0xbe: {  	_ =	sfence.sel $0xFFFF  }
0xbf: {  	[dreg:$0x0] =	wrdreg $0xFFFFFFFF;
	(pc) =	sbr.abs _section_cstart, $3  }
0xc0: {  	[dreg:$0x1] =	wrdreg $0xFFFFFFFF  }
0xc1: {  	_ =	task.clear_ibuf [dreg:s7], $0x2FFFF;
	_ =	strace $0x9FFFFFFF  }
0xc2: {  	(tm) =	ssettm $0x7FFFFFFF  }
0xc3: {  	_ =	shalt  }
tec
execute0_lowered:
.L_overlay_start_1:
0x0: {  	(tag) =	ssettag $0x1  }
0x1: {  	s0 =	rddreg [dreg:$0x0]  }
0x2: {  	s3 =	rddreg [dreg:$0x1];
	s1 =	srdreg.scid;
	s2 =	simm.s32 $0x0  }
0x3: {  	s31 =	simm.s32 $0x80;
	s9 =	simm.s32 $0x4;
	[dreg:$0x3] =	wrdreg s0  }
0x4: {  	s10 =	simm.s32 $0x0;
	s0 =	rddreg [dreg:$0x2];
	s4 =	sand.u32 $0x1, s1  }
0x5: {  	[smem:$0x7FF] =	sst s2;
	s1 =	stileid.u32;
	s6 =	sadd.s32 $0xB600, s3  }
0x6: {  	s3 =	sadd.s32 $0x1600, s3;
	s5 =	sshll.u32 s4, $0x4;
	_ =	strace $0x80000047  }
0x7: {  	s4 =	ssub.s32 $0x2, s4;
	[dreg:$0x5] =	wrdreg s6;
	s5 =	sor.u32 s1, s5  }
0x8: {  	[dreg:$0x4] =	wrdreg s31;
	s7 =	sshrl.u32 s4, $0x1;
	s8 =	smul.u32 $0xA0, s5  }
0x9: {  	s30 =	ssub.s32 s4, s7;
	s4 =	smul.u32 $0xA, s5;
	s7 =	simm.s32 $0x1  }
0xa: {  	s6 =	smax.u32 s30, $0x1;
	s5 =	sadd.s32 s3, s8;
	s8 =	simm.s32 $0x5  }
.LBB2_1:
0xb: {  	_ =	strace $0x80000048;
	s11 =	simm.s32 $0x1;
	p0 =	por $0x0, $0x0  }
0xc: {  	[tilespmem:s2], [sflag:$0x1] =	stream.linear.gather [hbm4b:s5+s2], $0x80, $0x200038;
	[tilespmem:$0x8100] =	vst v63  }
0xd: {  	s11 =	simm.s32 @p0 $0x0  }
0xe: {  	p4 =	por $0x1, $0x1;
	s20 =	sand.u32 $0x1, s2;
	p1 =	sne.s32 s11, $0x0  }
0xf: {  	p2 =	por $0x1, $0x1;
	s18 =	simm.s32 $0x8;
	p0 =	por !p4, !p1  }
0x10: {  	s16 =	simm.s32 $0x0;
	p5 =	por $0x0, $0x0;
	p0 =	por !p0, !p0  }
0x11: {  	s23 =	sadd.s32 $0x0, s4;
	s30 =	sadd.s32 $0x1, s20;
	s12 =	sadd.s32 @p0 s4, s11  }
0x12: {  	_ =	strace $0x90000048;
	s13 =	sand.u32 @p0 $0x1, s7;
	s12 =	sshll.u32 @p0 s12, $0x4  }
0x13: {  	_ =	strace @p0 $0x80000049;
	s15 =	simm.s32 @p0 $0x0;
	s12 =	sand.u32 @p0 $0x1FFFFFF0, s12  }
0x14: {  	s14 =	sshll.u32 @p0 s13, $0x7;
	s13 =	sadd.s32 @p0 $0x1, s13;
	s12 =	sadd.s32 @p0 s3, s12  }
0x15: {  	[tilespmem:s14], [sflag:s13] =	stream.linear.gather @p0 [hbm4b:s12+s15], $0x80, $0x200038;
	[tilespmem:$0x8100] =	vst v63  }
0x16: {  	p3 =	por p2, p2;
	s21 =	sshll.u32 s20, $0xE;
	_ =	strace @p0 $0x90000049  }
0x17: {  	s16 =	sand.u32 $0x80, s16;
	p2 =	por p5, p5;
	_ =	strace $0x8000004A  }
0x18: {  	s17 =	sadd.s32 $0x1, s11;
	s22 =	sor.u32 $0x100, s21;
	_ =	swait.ge [sflag:s30], $0x80  }
0x19: {  	s21 =	simm.s32 $0x1;
	p6 =	por p1, p1;
	[sflag:s30] =	ssyncset.done $0x0  }
0x1a: {  	p1 =	por p3, p3;
	p4 =	por $0x1, $0x1;
	[sflag:s30] =	ssyncadd.s32 $0xFFFFFF80  }
0x1b: {  	s12 =	simm.s32 $0x9;
	s15 =	sand.u32 @!p3 $0x1, s2;
	_ =	strace $0x9000004A  }
0x1c: {  	s13 =	simm.s32 $0x1;
	p3 =	seq.s32 s17, $0xA;
	_ =	strace $0x8000004B  }
0x1d: {  	s13 =	simm.s32 @!p0 $0x0;
	s17 =	simm.s32 @p3 $0x0;
	s19 =	rddreg [dreg:$0x4]  }
0x1e: {  	p0 =	por $0x0, $0x0;
	s14 =	sadd.s32 $0x1, s13;
	s31 =	rddreg [dreg:$0x3]  }
0x1f: {  	[tilespmem:s22], [sflag:$0x5] =	stream.indirect.gather [hbm4b:s31+s19], $0x80, s16, s19, $0x2000b8;
	[tilespmem:$0x8100] =	vst v63  }
0x20: {  	p3 =	sne.s32 s11, s17;
	s21 =	simm.s32 @!p0 $0x0;
	_ =	swait.ge [sflag:s8], $0x4000  }
0x21: {  	p5 =	por !p4, !p3;
	p4 =	por $0x0, $0x0;
	[sflag:s8] =	ssyncset.done $0x0  }
0x22: {  	s13 =	simm.s32 $0x0;
	p6 =	por p4, p6;
	[sflag:s8] =	ssyncadd.s32 $0xFFFFC000  }
0x23: {  	s16 =	simm.s32 $0x0;
	s19 =	simm.s32 $0x0;
	_ =	strace $0x9000004B  }
.LBB2_2:
0x24: {  	_ =	strace @p6 $0x8000004C;
	s13 =	sadd.s32 s21, s13;
	s21 =	smov.u32 s12  }
0x25: {  	s12 =	smov.u32 s18;
	s18 =	sadd.s32 $0xFFFFFFFF, s18;
	p0 =	por p3, p3  }
0x26: {  	s28 =	sshll.u32 @p6 s23, $0xB;
	s20 =	sadd.s32 @p6 $0x3, s20;
	s24 =	simm.s32 @!p0 $0x0  }
0x27: {  	s25 =	rddreg [dreg:$0x5];
	s28 =	sand.u32 @p6 $0x1FFFF800, s28;
	s24 =	simm.s32 @p0 $0x1  }
0x28: {  	s25 =	sadd.s32 @p6 s25, s28;
	s28 =	simm.s32 @p6 $0x0;
	p0 =	sne.s32 s18, $0x0  }
0x29: {  	[hbm4b:s25+s28] =	stream.linear.scatter @p6 [tilespmem:s22], [sflag:s20], $0x4000, $0x200038;
	[tilespmem:$0x8100] =	vst v63  }
0x2a: {  	s20 =	sadd.s32 @!p1 $0x3, s15;
	s15 =	simm.s32 @!p0 $0x0  }
0x2b: {  	s26 =	simm.s32 $0x1;
	[smem:$0x7FC] =	sst s24;
	s15 =	simm.s32 @p0 $0x1  }
0x2c: {  	s26 =	simm.s32 @!p6 $0x0;
	_ =	strace @p6 $0x9000004C;
	[smem:$0x7FD] =	sst s15  }
0x2d: {  	p5 =	por !p5, !p5;
	s19 =	sadd.s32 s26, s19;
	_ =	strace @!p1 $0x8000004D  }
0x2e: {  	s24 =	sand.u32 @!p2 $0x1, s13;
	s22 =	sand.u32 @p5 $0x1, s14;
	_ =	swait.ge @!p1 [sflag:s20], $0x4000  }
0x2f: {  	s15 =	smov.u32 s24;
	s24 =	sadd.s32 @p5 s4, s17;
	[sflag:s20] =	ssyncset.done @!p1 $0x0  }
0x30: {  	s25 =	sshll.u32 @p5 s22, $0x7;
	s24 =	sshll.u32 @p5 s24, $0x4;
	[sflag:s20] =	ssyncadd.s32 @!p1 $0xFFFFC000  }
0x31: {  	s20 =	sadd.s32 @p5 $0x1, s22;
	s22 =	sand.u32 @p5 $0x1FFFFFF0, s24;
	_ =	strace @!p1 $0x9000004D  }
0x32: {  	s24 =	simm.s32 @p5 $0x0;
	s22 =	sadd.s32 @p5 s3, s22;
	_ =	strace @p5 $0x80000049  }
0x33: {  	[tilespmem:s25], [sflag:s20] =	stream.linear.gather @p5 [hbm4b:s22+s24], $0x80, $0x200038;
	[tilespmem:$0x8100] =	vst v63  }
0x34: {  	s16 =	sadd.s32 s26, s16;
	s26 =	sand.u32 $0x1, s19;
	_ =	strace @p5 $0x90000049  }
0x35: {  	s24 =	sadd.s32 $0x1, s26;
	_ =	strace $0x8000004A  }
0x36: {  	_ =	swait.ge [sflag:s24], $0x80  }
0x37: {  	[sflag:s24] =	ssyncset.done $0x0  }
0x38: {  	s20 =	simm.s32 $0x1;
	[sflag:s24] =	ssyncadd.s32 $0xFFFFFF80  }
0x39: {  	s20 =	simm.s32 @!p5 $0x0;
	_ =	strace $0x9000004A  }
0x3a: {  	s14 =	sadd.s32 s20, s14;
	s20 =	sand.u32 $0x1, s16;
	_ =	strace $0x8000004B  }
0x3b: {  	s29 =	sshll.u32 s19, $0x7;
	s25 =	sshll.u32 s20, $0xE;
	s26 =	rddreg [dreg:$0x4]  }
0x3c: {  	s29 =	sand.u32 $0x80, s29;
	s22 =	sor.u32 $0x100, s25;
	s30 =	rddreg [dreg:$0x3]  }
0x3d: {  	[tilespmem:s22], [sflag:$0x5] =	stream.indirect.gather [hbm4b:s30+s26], $0x80, s29, s26, $0x2000b8;
	[tilespmem:$0x8100] =	vst v63  }
0x3e: {  	_ =	swait.ge [sflag:s8], $0x4000  }
0x3f: {  	s31 =	sadd.s32 $0x1, s17;
	[sflag:s8] =	ssyncset.done $0x0  }
0x40: {  	s23 =	sadd.s32 s4, s11;
	s11 =	smov.u32 s17;
	[sflag:s8] =	ssyncadd.s32 $0xFFFFC000  }
0x41: {  	p3 =	seq.s32 s31, $0xA;
	s17 =	smov.u32 s31;
	_ =	strace $0x9000004B  }
0x42: {  	s17 =	simm.s32 @p3 $0x0;
	s31 =	sld [smem:$0x7FD]  }
0x43: {  	p6 =	sne.s32 s12, $0x1;
	p0 =	sne.s32 s21, $0xA;
	p3 =	sne.s32 s11, s17  }
0x44: {  	p5 =	por !p6, !p3;
	p6 =	seq.s32 s21, $0x1;
	s21 =	simm.s32 $0x1  }
0x45: {  	s21 =	simm.s32 @!p0 $0x0;
	p0 =	seq.s32 s31, $0x1  }
.Ltmp0:
0x46: {  	s30 =	sld [smem:$0x7FC];
	(pc) =	sbr.rel @p0 .LBB2_2-.Ltmp0, $4  }
0x47: {  	_ = 	snop  }
0x48: {  	p4 =	seq.s32 s12, $0xA  }
0x49: {  	p1 =	por p2, p2;
	p2 =	por p4, p4;
	p4 =	seq.s32 s30, $0x1  }
0x4a: {  	p6 =	por p6, p4  }
0x4b: {  	_ =	strace @p6 $0x8000004C;
	s23 =	sshll.u32 @p6 s23, $0xB  }
0x4c: {  	s18 =	rddreg [dreg:$0x5];
	s23 =	sand.u32 @p6 $0x1FFFF800, s23  }
0x4d: {  	s20 =	sadd.s32 @p6 $0x3, s20;
	s18 =	sadd.s32 @p6 s18, s23;
	s23 =	simm.s32 @p6 $0x0  }
0x4e: {  	[hbm4b:s18+s23] =	stream.linear.scatter @p6 [tilespmem:s22], [sflag:s20], $0x4000, $0x200038;
	[tilespmem:$0x8100] =	vst v63  }
0x4f: {  	p0 =	por !p5, !p5;
	_ =	strace @p6 $0x9000004C  }
0x50: {  	s15 =	sadd.s32 @!p1 $0x3, s15;
	s17 =	sadd.s32 @p0 s4, s17;
	_ =	strace @!p1 $0x8000004D  }
0x51: {  	s14 =	sand.u32 @p0 $0x1, s14;
	s17 =	sshll.u32 @p0 s17, $0x4;
	_ =	swait.ge @!p1 [sflag:s15], $0x4000  }
0x52: {  	s18 =	simm.s32 $0x1;
	s20 =	sshll.u32 @p0 s14, $0x7;
	[sflag:s15] =	ssyncset.done @!p1 $0x0  }
0x53: {  	s14 =	sadd.s32 @p0 $0x1, s14;
	s18 =	simm.s32 @!p6 $0x0;
	[sflag:s15] =	ssyncadd.s32 @!p1 $0xFFFFC000  }
0x54: {  	s19 =	sadd.s32 s18, s19;
	s15 =	sand.u32 @p0 $0x1FFFFFF0, s17;
	_ =	strace @!p1 $0x9000004D  }
0x55: {  	s17 =	simm.s32 @p0 $0x0;
	s15 =	sadd.s32 @p0 s3, s15;
	_ =	strace @p0 $0x80000049  }
0x56: {  	[tilespmem:s20], [sflag:s14] =	stream.linear.gather @p0 [hbm4b:s15+s17], $0x80, $0x200038;
	[tilespmem:$0x8100] =	vst v63  }
0x57: {  	s25 =	sand.u32 $0x1, s19;
	_ =	strace @p0 $0x90000049  }
0x58: {  	s14 =	sadd.s32 $0x1, s25;
	_ =	strace $0x8000004A  }
0x59: {  	_ =	swait.ge [sflag:s14], $0x80  }
0x5a: {  	[sflag:s14] =	ssyncset.done $0x0  }
0x5b: {  	[sflag:s14] =	ssyncadd.s32 $0xFFFFFF80  }
0x5c: {  	s26 =	sadd.s32 s18, s16;
	_ =	strace $0x9000004A  }
0x5d: {  	s14 =	sand.u32 $0x1, s26;
	_ =	strace $0x8000004B  }
0x5e: {  	s30 =	sshll.u32 s19, $0x7;
	s31 =	sshll.u32 s14, $0xE;
	s28 =	rddreg [dreg:$0x4]  }
0x5f: {  	s17 =	sand.u32 $0x80, s30;
	s18 =	sor.u32 $0x100, s31;
	s29 =	rddreg [dreg:$0x3]  }
0x60: {  	[tilespmem:s18], [sflag:$0x5] =	stream.indirect.gather [hbm4b:s29+s28], $0x80, s17, s28, $0x2000b8;
	[tilespmem:$0x8100] =	vst v63  }
0x61: {  	_ =	swait.ge [sflag:s8], $0x4000  }
0x62: {  	[sflag:s8] =	ssyncset.done $0x0  }
0x63: {  	p5 =	por p3, p3;
	p6 =	seq.s32 s12, $0x1;
	[sflag:s8] =	ssyncadd.s32 $0xFFFFC000  }
0x64: {  	s11 =	sadd.s32 s4, s11;
	p0 =	por p6, p5;
	_ =	strace $0x9000004B  }
0x65: {  	s11 =	sshll.u32 @p0 s11, $0xB;
	_ =	strace @p0 $0x8000004C  }
0x66: {  	s13 =	sadd.s32 s21, s13;
	s11 =	sand.u32 @p0 $0x1FFFF800, s11;
	s12 =	rddreg [dreg:$0x5]  }
0x67: {  	s14 =	sadd.s32 @p0 $0x3, s14;
	s11 =	sadd.s32 @p0 s12, s11;
	s12 =	simm.s32 @p0 $0x0  }
0x68: {  	[hbm4b:s11+s12] =	stream.linear.scatter @p0 [tilespmem:s18], [sflag:s14], $0x4000, $0x200038;
	[tilespmem:$0x8100] =	vst v63  }
0x69: {  	p1 =	por p2, p2;
	s11 =	sand.u32 @!p2 $0x1, s13;
	_ =	strace @p0 $0x9000004C  }
0x6a: {  	s11 =	sadd.s32 @!p1 $0x3, s11;
	_ =	strace @!p1 $0x8000004D  }
0x6b: {  	_ =	swait.ge @!p1 [sflag:s11], $0x4000  }
0x6c: {  	[sflag:s11] =	ssyncset.done @!p1 $0x0  }
0x6d: {  	s10 =	sadd.s32 $0x1, s10;
	[sflag:s11] =	ssyncadd.s32 @!p1 $0xFFFFC000  }
0x6e: {  	p0 =	sne.s32 s10, s6;
	_ =	strace @!p1 $0x9000004D  }
.Ltmp1:
0x6f: {  	_ =	strace $0x8000004E;
	(pc) =	sbr.rel @p0 .LBB2_1-.Ltmp1, $4  }
0x70: {  	_ =	swait.ge [sflag:s9], $0x4000  }
0x71: {  	[sflag:s9] =	ssyncset.done $0x0  }
0x72: {  	[sflag:s9] =	ssyncadd.s32 $0xFFFFC000  }
0x73: {  	_ =	strace $0x9000004E  }
0x74: {  	_ =	sfence.sel $0x180000  }
0x75: {  	[bflag:$0x0] =	sbarrier.arrive $0xFFFF  }
0x76: {  	p0 =	sne.s32 s1, $0x0;
	_ =	strace $0x90000047  }
0x77: {  	s0 =	sadd.s32 @!p0 $0x100000, s0;
	[bflag:$0x2] =	sbarrier.arrive $0xFFFF  }
0x78: {  	[sflag:s0] =	ssyncadd.tile.s32 @!p0 $0x1;
	_ =	shalt  }
.Lfunc_end2:
_tile_overlayer_lowered:
.L_overlay_start_2:
0x79: {  	(tag) =	ssettag $0x2  }
0x7a: {  	s0 =	rddreg [dreg:$0x0];
	s2 =	stileid.u32  }
0x7b: {  	s1 =	rddreg [dreg:$0x1];
	p0 =	sne.s32 s2, $0x0  }
0x7c: {  	s3 =	rddreg [dreg:$0x2];
	[bflag:$0x3] =	sbarrier.arrive $0xFFFF;
	s2 =	simm.s32 @!p0 $0x1C01  }
0x7d: {  	[timem:s3], [sflag:s2] =	dma.local @!p0 [hbm:s0], s1  }
0x7e: {  	s0 =	simm.s32 @!p0 $0x1  }
0x7f: {  	_ =	swait.ge @!p0 [sflag:s0], s1  }
0x80: {  	s1 =	ssub.s32 @!p0 $0x0, s1;
	[sflag:s0] =	ssyncset.done @!p0 $0x0  }
0x81: {  	[sflag:s0] =	ssyncadd.s32 @!p0 s1  }
0x82: {  	[bflag:$0x3] =	sbarrier.arrive $0xFFFF  }
0x83: {  	_ =	shalt  }

// kernel: kernel.13.cloned.1.call-start
scs
__scs_entry_jumppad:
0x0: {  	(pc) =	sbr.rel $0x88, $3  }
0x1: {  	(tag) =	ssettag $0x0;
	lr =	simm.s32 $0x1  }
0x2: {  	[smem:$0x3F9B] =	sst lr;
	_ =	strace $0xD0000000  }
0x3: {  	_ = 	snop  }
0x4: {  	_ = 	snop  }
0x5: {  	_ = 	snop  }
0x6: {  	_ = 	snop  }
0x7: {  	_ = 	snop  }
__scs_overlays_trampoline_lowered:
0x8: {  	[smem:$0x3FAA] =	sst s0  }
0x9: {  	[smem:$0x3FAB] =	sst s1  }
0xa: {  	[smem:$0x3FAC] =	sst s2  }
0xb: {  	[smem:$0x3FAD] =	sst s3  }
0xc: {  	[smem:$0x3FAE] =	sst s4  }
0xd: {  	[smem:$0x3FAF] =	sst s5  }
0xe: {  	[smem:$0x3FB0] =	sst s6  }
0xf: {  	[smem:$0x3FB1] =	sst s7  }
0x10: {  	[smem:$0x3FB2] =	sst s8  }
0x11: {  	[smem:$0x3FB3] =	sst s9;
	s0 =	simm.s32 @!p0 $0x0  }
0x12: {  	s1 =	sld [smem:$0x3F99];
	s0 =	simm.s32 @p0 $0x1  }
0x13: {  	[smem:$0x3FB4] =	sst s0;
	s0 =	simm.s32 @!p1 $0x0  }
0x14: {  	s2 =	sld [smem:$0x3F98];
	s0 =	simm.s32 @p1 $0x1  }
0x15: {  	[smem:$0x3FB5] =	sst s0;
	s0 =	simm.s32 @!p2 $0x0  }
0x16: {  	s3 =	sld [smem:$0x3FDB];
	s0 =	simm.s32 @p2 $0x1  }
0x17: {  	s4 =	simm.s32 $0x1BF5;
	[smem:$0x3FB7] =	sst s0  }
0x18: {  	s0 =	sld [smem:$0x3F9A];
	_ =	swait.ge [sflag:s4], $0x0  }
0x19: {  	s7 =	sld [smem:$0x3F9B]  }
0x1a: {  	s8 =	sadd.s32 $0xFFFFE003, lr  }
0x1b: {  	s9 =	sadd.s32 $0xFFFFFEF7, lr;
	s5 =	simm.s32 $0xFFFFFFFF;
	p2 =	slt.u32 s8, $0xFFFFF086  }
0x1c: {  	p1 =	slt.u32 s9, $0xF7A;
	s5 =	simm.s32 @!p2 $0x0  }
0x1d: {  	s5 =	simm.s32 @p1 $0x1;
	p0 =	seq.s32 s7, s2  }
0x1e: {  	s7 =	smul.u32 @!p0 $0xF7A, s2;
	p2 =	seq.s32 @!p0 s5, $0x0  }
0x1f: {  	s9 =	smul.u32 $0xF7A, s1;
	s8 =	simm.s32 @!p0 $0x1BF5;
	p2 =	por !p2, p0  }
0x20: {  	[sflag:s8] =	ssyncset.s32 @!p0 $0xFFFFF086;
	s6 =	sadd.s32 @!p0 s3, s7;
	s7 =	simm.s32 @!p0 $0x108  }
0x21: {  	s3 =	sadd.s32 s3, s9;
	s6 =	sadd.s32 @!p0 $0x88, s6;
	s7 =	simm.s32 @p2 $0x1082  }
0x22: {  	[simem:s7], [sflag:s8] =	dma.local @!p0 [hbm:s6], $0xF7A  }
0x23: {  	s9 =	sor.u32 $0xD0000000, s2;
	s6 =	simm.s32 $0x108;
	_ =	swait.ge @!p0 [sflag:s8], $0x0  }
0x24: {  	s3 =	sadd.s32 $0x88, s3;
	s6 =	simm.s32 @!p1 $0x1082;
	[sflag:s4] =	ssyncset.s32 $0xFFFFF086  }
0x25: {  	[simem:s6], [sflag:s4] =	dma.local [hbm:s3], $0xF7A  }
0x26: {  	[smem:$0x3F9B] =	sst s1;
	(tag) =	ssettag s2;
	_ =	strace s9  }
0x27: {  	s1 =	sld [smem:$0x3FAB]  }
0x28: {  	s2 =	sld [smem:$0x3FAC]  }
0x29: {  	s4 =	sld [smem:$0x3FAE]  }
0x2a: {  	p0 =	seq.s32 s5, $0x0;
	s5 =	sld [smem:$0x3FAF]  }
0x2b: {  	s6 =	sld [smem:$0x3FB0]  }
0x2c: {  	s7 =	sld [smem:$0x3FB1]  }
0x2d: {  	s3 =	simm.s32 $0x108;
	s8 =	sld [smem:$0x3FB2]  }
0x2e: {  	s3 =	simm.s32 @!p0 $0x1082;
	s9 =	sld [smem:$0x3FB3]  }
0x2f: {  	lr =	sadd.s32 s0, s3;
	s0 =	sld [smem:$0x3FAA]  }
0x30: {  	s3 =	sld [smem:$0x3FAD]  }
0x31: {  	[smem:$0x3FB6] =	sst s10  }
0x32: {  	s10 =	sld [smem:$0x3FB4];
	_ =	sdelay $0x3  }
0x33: {  	p0 =	seq.s32 s10, $0x1;
	s10 =	sld [smem:$0x3FB6];
	_ =	sdelay $0x3  }
0x34: {  	[smem:$0x3FB6] =	sst s10  }
0x35: {  	s10 =	sld [smem:$0x3FB5];
	_ =	sdelay $0x3  }
0x36: {  	p1 =	seq.s32 s10, $0x1;
	s10 =	sld [smem:$0x3FB6];
	_ =	sdelay $0x3  }
0x37: {  	[smem:$0x3FB6] =	sst s10  }
0x38: {  	s10 =	sld [smem:$0x3FB7]  }
0x39: {  	_ = 	snop;
	(pc) =	sbr.ind lr, $3  }
0x3a: {  	_ = 	snop  }
0x3b: {  	_ = 	snop  }
0x3c: {  	p2 =	seq.s32 s10, $0x1;
	s10 =	sld [smem:$0x3FB6]  }
0x3d: {  	_ =	shalt  }
0x3e: {  	_ =	shalt  }
0x3f: {  	_ =	shalt  }
0x40: {  	_ =	shalt  }
0x41: {  	_ =	shalt  }
0x42: {  	_ =	shalt  }
0x43: {  	_ =	shalt  }
0x44: {  	_ =	shalt  }
0x45: {  	_ =	shalt  }
0x46: {  	_ =	shalt  }
0x47: {  	_ =	shalt  }
0x48: {  	_ =	shalt  }
0x49: {  	_ =	shalt  }
0x4a: {  	_ =	shalt  }
0x4b: {  	_ =	shalt  }
0x4c: {  	_ =	shalt  }
0x4d: {  	_ =	shalt  }
0x4e: {  	_ =	shalt  }
0x4f: {  	_ =	shalt  }
0x50: {  	_ =	shalt  }
0x51: {  	_ =	shalt  }
0x52: {  	_ =	shalt  }
0x53: {  	_ =	shalt  }
0x54: {  	_ =	shalt  }
0x55: {  	_ =	shalt  }
0x56: {  	_ =	shalt  }
0x57: {  	_ =	shalt  }
0x58: {  	_ =	shalt  }
0x59: {  	_ =	shalt  }
0x5a: {  	_ =	shalt  }
0x5b: {  	_ =	shalt  }
0x5c: {  	_ =	shalt  }
0x5d: {  	_ =	shalt  }
0x5e: {  	_ =	shalt  }
0x5f: {  	_ =	shalt  }
0x60: {  	_ =	shalt  }
0x61: {  	_ =	shalt  }
0x62: {  	_ =	shalt  }
0x63: {  	_ =	shalt  }
0x64: {  	_ =	shalt  }
0x65: {  	_ =	shalt  }
0x66: {  	_ =	shalt  }
0x67: {  	_ =	shalt  }
0x68: {  	_ =	shalt  }
0x69: {  	_ =	shalt  }
0x6a: {  	_ =	shalt  }
0x6b: {  	_ =	shalt  }
0x6c: {  	_ =	shalt  }
0x6d: {  	_ =	shalt  }
0x6e: {  	_ =	shalt  }
0x6f: {  	_ =	shalt  }
0x70: {  	_ =	shalt  }
0x71: {  	_ =	shalt  }
0x72: {  	_ =	shalt  }
0x73: {  	_ =	shalt  }
0x74: {  	_ =	shalt  }
0x75: {  	_ =	shalt  }
0x76: {  	_ =	shalt  }
0x77: {  	_ =	shalt  }
0x78: {  	_ =	shalt  }
0x79: {  	_ =	shalt  }
0x7a: {  	_ =	shalt  }
0x7b: {  	_ =	shalt  }
0x7c: {  	_ =	shalt  }
0x7d: {  	_ =	shalt  }
0x7e: {  	_ =	shalt  }
0x7f: {  	_ =	shalt  }
0x80: {  	_ =	shalt  }
0x81: {  	_ =	shalt  }
0x82: {  	_ =	shalt  }
0x83: {  	_ =	shalt  }
0x84: {  	_ =	shalt  }
0x85: {  	_ =	shalt  }
0x86: {  	_ =	shalt  }
0x87: {  	_ =	shalt  }
.Lfunc_end0:
.L_simem_size_0:
called_computation.1_lowered:
.L_overlay_start_0:
0x88: {  	s2 =	sld [smem:$0x3FD9]  }
0x89: {  	s3 =	sld [smem:$0x3FFE];
	_ =	sdelay $0x1  }
0x8a: {  	s1 =	srdreg.scid  }
0x8b: {  	s0 =	sand.u32 $0x1, s1  }
0x8c: {  	s17 =	sshll.u32 s0, $0xA;
	s2 =	sadd.s32 s3, s2  }
0x8d: {  	s2 =	sadd.s32 s2, s17  }
0x8e: {  	[smem:$0x3FC2] =	sst s2  }
0x8f: {  	_ = 	snop  }
0x90: {  	s18 =	sld [smem:$0x3FC8];
	(tm) =	ssettm $0x1  }
0x91: {  	s19 =	sld [smem:$0x3FFB];
	_ =	sdelay $0x3  }
0x92: {  	_ =	strace s19  }
0x93: {  	s2 =	sld [smem:$0x3FFC];
	_ =	sdelay $0x3  }
0x94: {  	_ =	strace s2  }
0x95: {  	s2 =	sld [smem:$0x3FFD];
	_ =	sdelay $0x3  }
0x96: {  	_ =	strace s2  }
0x97: {  	_ =	strace $0x8FFFFFFF  }
0x98: {  	s20 =	sld [smem:$0x3FDB];
	_ =	sdelay $0x1  }
0x99: {  	s4 =	simm.s32 $_scs_section_size  }
0x9a: {  	s5 =	simm.s32 $_size__tile_overlayer_lowered;
	s6 =	simm.s32 $_tile_overlayer_lowered  }
0x9b: {  	s7 =	simm.s32 $0x1BFF;
	s21 =	sshll.u32 s6, $0x1;
	s4 =	sadd.s32 s4, s20  }
0x9c: {  	s22 =	simm.s32 $0x0;
	s5 =	sshll.u32 s5, $0x1;
	s6 =	sadd.s32 s21, s4  }
0x9d: {  	[timem:s22], [sflag:s7] =	dma.local [hbm:s6], s5  }
0x9e: {  	_ =	swait.ge [sflag:s7], s5  }
0x9f: {  	s5 =	ssub.s32 $0x0, s5;
	[sflag:s7] =	ssyncset.done $0x0  }
0xa0: {  	[sflag:s7] =	ssyncadd.s32 s5;
	_ =	sdelay $0x1  }
0xa1: {  	s23 =	simm.s32 $0x1B8B  }
0xa2: {  	_ =	swait.ge [sflag:s23], $0x1  }
0xa3: {  	[sflag:s23] =	ssyncset.done $0x0  }
0xa4: {  	[sflag:s23] =	ssyncadd.s32 $0xFFFFFFFF  }
0xa5: {  	s5 =	sld [smem:$0x0]  }
0xa6: {  	s6 =	sand.u32 $0xFFFFFFFE, s1  }
0xa7: {  	p0 =	sne.s32 s1, s6  }
0xa8: {  	s6 =	sshll.u32 @p0 s6, $0xE  }
0xa9: {  	s6 =	sadd.s32 @p0 $0x11B8D, s6;
	s7 =	sshll.u32 @p0 s5, $0x11  }
0xaa: {  	s6 =	sor.u32 @p0 s7, s6  }
0xab: {  	[sflag:s6] =	ssyncadd.remote.s32 @p0 $0x1;
	_ =	sdelay $0x1  }
0xac: {  	s6 =	simm.s32 @p0 $0x1B8D  }
0xad: {  	_ =	swait.eq @p0 [sflag:s6], $0x1  }
0xae: {  	[sflag:s6] =	ssyncadd.s32 @p0 $0xFFFFFFFF  }
0xaf: {  	s7 =	sshll.u32 @!p0 s1, $0xE  }
0xb0: {  	s7 =	sor.u32 @!p0 $0x4000, s7;
	s6 =	simm.s32 @!p0 $0x1B8D  }
0xb1: {  	s5 =	sshll.u32 @!p0 s5, $0x11;
	s7 =	sadd.s32 @!p0 $0x11B8D, s7;
	_ =	swait.eq @!p0 [sflag:s6], $0x1  }
0xb2: {  	s5 =	sor.u32 @!p0 s5, s7;
	[sflag:s6] =	ssyncadd.s32 @!p0 $0xFFFFFFFF  }
0xb3: {  	s25 =	simm.s32 $0x1B8E;
	s24 =	sld [smem:$0x3FFE];
	[sflag:s5] =	ssyncadd.remote.s32 @!p0 $0x1  }
0xb4: {  	s26 =	simm.s32 $execute0_lowered;
	[smem:$0x3FD2] =	sst s25  }
0xb5: {  	s6 =	sshll.u32 s26, $0x1;
	_ =	strace $0x80000050;
	[dreg:$0x1] =	wrdreg $0xFFFFFFFF  }
0xb6: {  	s28 =	simm.s32 $_size_execute0_lowered;
	s4 =	sadd.s32 s4, s6;
	[dreg:$0x0] =	wrdreg $0x0  }
0xb7: {  	s6 =	sshll.u32 s28, $0x1;
	[dreg:$0x2] =	wrdreg s4  }
0xb8: {  	[dreg:$0x3] =	wrdreg s6  }
0xb9: {  	[dreg:$0x4] =	wrdreg $0xC0  }
0xba: {  	_ =	task [dreg:s22], $0x5FFFF  }
0xbb: {  	[dreg:$0x1] =	wrdreg $0xFFFFFFFF  }
0xbc: {  	[dreg:$0x0] =	wrdreg $0x60  }
0xbd: {  	[dreg:$0x2] =	wrdreg s18  }
0xbe: {  	[dreg:$0x3] =	wrdreg s24  }
0xbf: {  	[dreg:$0x4] =	wrdreg $0xA  }
0xc0: {  	_ =	task.clear_ibuf [dreg:s22], $0x5FFFF;
	_ =	strace $0x90000050  }
0xc1: {  	s29 =	simm.s32 $0xA;
	_ =	strace $0x80000059  }
0xc2: {  	_ =	swait.ge [sflag:s29], $0x1  }
0xc3: {  	[sflag:s29] =	ssyncadd.s32 $0xFFFFFFFF  }
0xc4: {  	_ =	strace $0x90000059  }
0xc5: {  	_ =	sfence  }
0xc6: {  	s30 =	sld [smem:$0x0];
	_ =	sdelay $0x2  }
0xc7: {  	s31 =	sshll.u32 s1, $0xD;
	s1 =	sshrl.u32 s1, $0x2  }
0xc8: {  	s4 =	sand.u32 $0x4000, s31;
	s1 =	sadd.s32 s1, s30  }
0xc9: {  	s0 =	sor.u32 s4, s0;
	s1 =	sshll.u32 s1, $0x11  }
0xca: {  	s0 =	sor.u32 s1, s0  }
0xcb: {  	s0 =	sadd.s32 $0x8F2B, s0  }
0xcc: {  	[sflag:s0] =	ssyncadd.remote.s32 $0x1  }
0xcd: {  	_ =	sfence.sel $0xFFFF  }
0xce: {  	[dreg:$0x0] =	wrdreg $0xFFFFFFFF;
	(pc) =	sbr.abs _section_cstart, $3  }
0xcf: {  	[dreg:$0x1] =	wrdreg $0xFFFFFFFF  }
0xd0: {  	_ =	task.clear_ibuf [dreg:s22], $0x2FFFF;
	_ =	strace $0x9FFFFFFF  }
0xd1: {  	(tm) =	ssettm $0x7FFFFFFF  }
tec
execute0_lowered:
.L_overlay_start_1:
0x0: {  	(tag) =	ssettag $0x1  }
0x1: {  	s0 =	rddreg [dreg:$0x0]  }
0x2: {  	s1 =	srdreg.scid;
	s5 =	rddreg [dreg:$0x1]  }
0x3: {  	s2 =	simm.s32 $0x0;
	s9 =	simm.s32 $0x80;
	[dreg:$0x3] =	wrdreg s0  }
0x4: {  	s10 =	simm.s32 $0x0;
	s4 =	sand.u32 $0x1, s1;
	s0 =	rddreg [dreg:$0x2]  }
0x5: {  	s1 =	stileid.u32;
	[smem:$0x7FF] =	sst s2;
	s3 =	sshll.u32 s4, $0x4  }
0x6: {  	_ =	strace $0x80000051;
	s4 =	ssub.s32 $0x2, s4;
	s6 =	sor.u32 s1, s3  }
0x7: {  	[dreg:$0x4] =	wrdreg s9;
	s9 =	simm.s32 $0x4;
	s7 =	smul.u32 $0xA00, s6  }
0x8: {  	s3 =	sadd.s32 $0x1600, s5;
	s5 =	sadd.s32 $0xAB600, s5;
	s8 =	sshrl.u32 s4, $0x1  }
0x9: {  	[dreg:$0x5] =	wrdreg s5;
	s8 =	ssub.s32 s4, s8;
	s7 =	sshrl.u32 s7, $0x3  }
0xa: {  	s4 =	smul.u32 $0x14, s6;
	s6 =	smax.u32 s8, $0x1;
	s31 =	sadd.s32 s3, s7  }
0xb: {  	s8 =	simm.s32 $0x5;
	s7 =	simm.s32 $0x1;
	s5 =	sadd.s32 $0x1400, s31  }
.LBB2_1:
0xc: {  	_ =	strace $0x80000052  }
0xd: {  	s17 =	simm.s32 $0x1;
	p0 =	por $0x0, $0x0;
	p1 =	por $0x1, $0x1  }
0xe: {  	[tilespmem:s2], [sflag:$0x1] =	stream.linear.gather [hbm4b:s5+s2], $0x80, $0x200038;
	[tilespmem:$0x8100] =	vst v63  }
0xf: {  	s16 =	sadd.s32 $0x0, s4;
	s21 =	sand.u32 $0x1, s2;
	s17 =	simm.s32 @p0 $0x0  }
0x10: {  	p4 =	por $0x0, $0x0;
	s20 =	simm.s32 $0x0;
	p0 =	sne.s32 s17, $0x0  }
0x11: {  	p6 =	por $0x0, $0x0;
	p3 =	por $0x0, $0x0;
	p1 =	por !p1, !p0  }
0x12: {  	p5 =	por $0x1, $0x1;
	s31 =	sadd.s32 $0x1, s21;
	p2 =	por !p1, !p1  }
0x13: {  	s24 =	sshll.u32 s21, $0xE;
	s20 =	sand.u32 $0x80, s20;
	s11 =	sadd.s32 @p2 s4, s17  }
0x14: {  	_ =	strace $0x90000052;
	s24 =	sor.u32 $0x100, s24;
	s12 =	sshll.u32 @p2 s11, $0x7  }
0x15: {  	p0 =	por p0, p0;
	s13 =	sand.u32 @p2 $0x1, s7;
	s12 =	sadd.s32 @p2 $0xA000, s12  }
0x16: {  	s15 =	simm.s32 @p2 $0x0;
	_ =	strace @p2 $0x80000053;
	s12 =	sshrl.u32 @p2 s12, $0x3  }
0x17: {  	s14 =	sshll.u32 @p2 s13, $0x7;
	s13 =	sadd.s32 @p2 $0x1, s13;
	s12 =	sadd.s32 @p2 s3, s12  }
0x18: {  	[tilespmem:s14], [sflag:s13] =	stream.linear.gather @p2 [hbm4b:s12+s15], $0x80, $0x200038;
	[tilespmem:$0x8100] =	vst v63  }
0x19: {  	p1 =	por $0x1, $0x1;
	p6 =	por p6, p0;
	_ =	strace @p2 $0x90000053  }
0x1a: {  	s18 =	sand.u32 @!p1 $0x1, s2;
	p1 =	por p1, p1;
	_ =	strace $0x80000054  }
0x1b: {  	s11 =	simm.s32 $0x13;
	s19 =	sadd.s32 @!p1 $0x3, s18;
	_ =	swait.ge [sflag:s31], $0x80  }
0x1c: {  	s18 =	sadd.s32 $0x1, s17;
	s12 =	simm.s32 $0x1;
	[sflag:s31] =	ssyncset.done $0x0  }
0x1d: {  	s15 =	simm.s32 $0x12;
	s13 =	simm.s32 $0x1;
	[sflag:s31] =	ssyncadd.s32 $0xFFFFFF80  }
0x1e: {  	s13 =	simm.s32 @!p3 $0x0;
	p3 =	seq.s32 s18, $0x14;
	_ =	strace $0x90000054  }
0x1f: {  	s12 =	simm.s32 @!p2 $0x0;
	s18 =	simm.s32 @p3 $0x0;
	_ =	strace $0x80000055  }
0x20: {  	s14 =	sadd.s32 $0x1, s12;
	p3 =	sne.s32 s17, s18;
	s22 =	rddreg [dreg:$0x3]  }
0x21: {  	s12 =	sadd.s32 s4, s17;
	p5 =	por !p5, !p3;
	s23 =	rddreg [dreg:$0x4]  }
0x22: {  	[tilespmem:s24], [sflag:$0x5] =	stream.indirect.gather [hbm4b:s22+s23], $0x80, s20, s23, $0x2000b8;
	[tilespmem:$0x8100] =	vst v63  }
0x23: {  	s13 =	sadd.s32 $0x0, s13;
	p2 =	por !p5, !p5;
	_ =	swait.ge [sflag:s8], $0x4000  }
0x24: {  	s17 =	sadd.s32 @p2 s4, s18;
	s28 =	sand.u32 @p2 $0x1, s14;
	[sflag:s8] =	ssyncset.done $0x0  }
0x25: {  	s25 =	sshll.u32 @p2 s28, $0x7;
	s23 =	simm.s32 $0x1;
	[sflag:s8] =	ssyncadd.s32 $0xFFFFC000  }
0x26: {  	s22 =	sshll.u32 @p2 s17, $0x7;
	s17 =	simm.s32 $0x0;
	_ =	strace $0x90000055  }
0x27: {  	s20 =	simm.s32 $0x0;
	s23 =	simm.s32 @!p6 $0x0;
	_ =	strace @p6 $0x80000056  }
.LBB2_2:
0x28: {  	s31 =	rddreg [dreg:$0x5];
	p0 =	por p3, p3  }
0x29: {  	[smem:$0x7FC] =	sst s0;
	s0 =	simm.s32 @!p0 $0x0  }
0x2a: {  	s16 =	sshll.u32 @p6 s16, $0xB;
	s0 =	simm.s32 @p0 $0x1  }
0x2b: {  	s21 =	sadd.s32 @p6 $0x3, s21;
	s16 =	sand.u32 @p6 $0x1FFFF800, s16;
	[smem:$0x7FD] =	sst s0  }
0x2c: {  	s16 =	sadd.s32 @p6 s31, s16;
	s31 =	simm.s32 @p6 $0x0;
	s0 =	sld [smem:$0x7FC]  }
0x2d: {  	[hbm4b:s16+s31] =	stream.linear.scatter @p6 [tilespmem:s24], [sflag:s21], $0x4000, $0x200038;
	[tilespmem:$0x8100] =	vst v63  }
0x2e: {  	s29 =	sadd.s32 @p2 $0xA000, s22;
	_ =	strace @p6 $0x90000056  }
0x2f: {  	s30 =	simm.s32 $0x1;
	s26 =	smov.u32 s11;
	_ =	strace @!p1 $0x80000057  }
0x30: {  	s11 =	smov.u32 s15;
	s22 =	smov.u32 s18;
	_ =	swait.ge @!p1 [sflag:s19], $0x4000  }
0x31: {  	s17 =	sadd.s32 s23, s17;
	s28 =	sadd.s32 @p2 $0x1, s28;
	[sflag:s19] =	ssyncset.done @!p1 $0x0  }
0x32: {  	s20 =	sadd.s32 s23, s20;
	s15 =	sadd.s32 $0xFFFFFFFF, s15;
	[sflag:s19] =	ssyncadd.s32 @!p1 $0xFFFFC000  }
0x33: {  	s23 =	sand.u32 @!p4 $0x1, s13;
	s29 =	sshrl.u32 @p2 s29, $0x3;
	_ =	strace @!p1 $0x90000057  }
0x34: {  	s29 =	sadd.s32 @p2 s3, s29;
	s24 =	simm.s32 @p2 $0x0;
	_ =	strace @p2 $0x80000053  }
0x35: {  	[tilespmem:s25], [sflag:s28] =	stream.linear.gather @p2 [hbm4b:s29+s24], $0x80, $0x200038;
	[tilespmem:$0x8100] =	vst v63  }
0x36: {  	s30 =	simm.s32 @!p2 $0x0;
	s31 =	sand.u32 $0x1, s20;
	_ =	strace @p2 $0x90000053  }
0x37: {  	p3 =	sne.s32 s26, $0x14;
	s24 =	sadd.s32 $0x1, s31;
	_ =	strace $0x80000054  }
0x38: {  	s14 =	sadd.s32 s30, s14;
	s16 =	smov.u32 s12;
	_ =	swait.ge [sflag:s24], $0x80  }
0x39: {  	s12 =	sadd.s32 s4, s18;
	s21 =	sand.u32 $0x1, s17;
	[sflag:s24] =	ssyncset.done $0x0  }
0x3a: {  	s18 =	sadd.s32 $0x1, s18;
	p1 =	por p4, p4;
	[sflag:s24] =	ssyncadd.s32 $0xFFFFFF80  }
0x3b: {  	s19 =	sadd.s32 @!p1 $0x3, s23;
	s25 =	sshll.u32 s20, $0x7;
	_ =	strace $0x90000054  }
0x3c: {  	s28 =	sshll.u32 s21, $0xE;
	s24 =	simm.s32 $0x1;
	_ =	strace $0x80000055  }
0x3d: {  	s23 =	sand.u32 $0x80, s25;
	s24 =	simm.s32 @!p3 $0x0;
	s29 =	rddreg [dreg:$0x3]  }
0x3e: {  	s13 =	sadd.s32 s24, s13;
	s24 =	sor.u32 $0x100, s28;
	s30 =	rddreg [dreg:$0x4]  }
0x3f: {  	[tilespmem:s24], [sflag:$0x5] =	stream.indirect.gather [hbm4b:s29+s30], $0x80, s23, s30, $0x2000b8;
	[tilespmem:$0x8100] =	vst v63  }
0x40: {  	p5 =	sne.s32 s15, $0x0;
	p3 =	seq.s32 s18, $0x14;
	_ =	swait.ge [sflag:s8], $0x4000  }
0x41: {  	p0 =	sne.s32 s11, $0x1;
	s18 =	simm.s32 @p3 $0x0;
	s31 =	sld [smem:$0x7FD]  }
0x42: {  	p4 =	seq.s32 s11, $0x14;
	p2 =	seq.s32 s26, $0x1;
	p3 =	sne.s32 s22, s18  }
.Ltmp0:
0x43: {  	p0 =	por !p0, !p3;
	[sflag:s8] =	ssyncset.done $0x0;
	(pc) =	sbr.rel @p5 .LBB2_2-.Ltmp0, $4  }
0x44: {  	s23 =	simm.s32 $0x1;
	[sflag:s8] =	ssyncadd.s32 $0xFFFFC000;
	p6 =	seq.s32 s31, $0x1  }
0x45: {  	_ =	strace $0x90000055;
	p6 =	por p2, p6;
	p2 =	por !p0, !p0  }
0x46: {  	s23 =	simm.s32 @!p6 $0x0;
	s22 =	sadd.s32 @p2 s4, s18;
	s28 =	sand.u32 @p2 $0x1, s14  }
0x47: {  	_ =	strace @p6 $0x80000056;
	s22 =	sshll.u32 @p2 s22, $0x7;
	s25 =	sshll.u32 @p2 s28, $0x7  }
0x48: {  	s15 =	sshll.u32 @p6 s16, $0xB  }
0x49: {  	s14 =	rddreg [dreg:$0x5];
	s15 =	sand.u32 @p6 $0x1FFFF800, s15  }
0x4a: {  	s16 =	sadd.s32 @p6 $0x3, s21;
	s14 =	sadd.s32 @p6 s14, s15;
	s15 =	simm.s32 @p6 $0x0  }
0x4b: {  	[hbm4b:s14+s15] =	stream.linear.scatter @p6 [tilespmem:s24], [sflag:s16], $0x4000, $0x200038;
	[tilespmem:$0x8100] =	vst v63  }
0x4c: {  	_ =	strace @p6 $0x90000056  }
0x4d: {  	_ =	strace @!p1 $0x80000057  }
0x4e: {  	_ =	swait.ge @!p1 [sflag:s19], $0x4000  }
0x4f: {  	[sflag:s19] =	ssyncset.done @!p1 $0x0  }
0x50: {  	s18 =	simm.s32 @p2 $0x0;
	s14 =	sadd.s32 @p2 $0xA000, s22;
	[sflag:s19] =	ssyncadd.s32 @!p1 $0xFFFFC000  }
0x51: {  	s15 =	sadd.s32 @p2 $0x1, s28;
	s14 =	sshrl.u32 @p2 s14, $0x3;
	_ =	strace @!p1 $0x90000057  }
0x52: {  	s24 =	sadd.s32 s23, s20;
	s14 =	sadd.s32 @p2 s3, s14;
	_ =	strace @p2 $0x80000053  }
0x53: {  	[tilespmem:s25], [sflag:s15] =	stream.linear.gather @p2 [hbm4b:s14+s18], $0x80, $0x200038;
	[tilespmem:$0x8100] =	vst v63  }
0x54: {  	s26 =	sand.u32 $0x1, s24;
	_ =	strace @p2 $0x90000053  }
0x55: {  	s14 =	sadd.s32 $0x1, s26;
	_ =	strace $0x80000054  }
0x56: {  	_ =	swait.ge [sflag:s14], $0x80  }
0x57: {  	[sflag:s14] =	ssyncset.done $0x0  }
0x58: {  	[sflag:s14] =	ssyncadd.s32 $0xFFFFFF80  }
0x59: {  	s28 =	sadd.s32 s23, s17;
	_ =	strace $0x90000054  }
0x5a: {  	s14 =	sand.u32 $0x1, s28;
	_ =	strace $0x80000055  }
0x5b: {  	s16 =	sshll.u32 s24, $0x7;
	s31 =	sshll.u32 s14, $0xE;
	s29 =	rddreg [dreg:$0x3]  }
0x5c: {  	s16 =	sand.u32 $0x80, s16;
	s18 =	sor.u32 $0x100, s31;
	s30 =	rddreg [dreg:$0x4]  }
0x5d: {  	[tilespmem:s18], [sflag:$0x5] =	stream.indirect.gather [hbm4b:s29+s30], $0x80, s16, s30, $0x2000b8;
	[tilespmem:$0x8100] =	vst v63  }
0x5e: {  	_ =	swait.ge [sflag:s8], $0x4000  }
0x5f: {  	[sflag:s8] =	ssyncset.done $0x0  }
0x60: {  	p0 =	por p3, p3;
	p6 =	seq.s32 s11, $0x1;
	[sflag:s8] =	ssyncadd.s32 $0xFFFFC000  }
0x61: {  	p0 =	por p6, p0;
	_ =	strace $0x90000055  }
0x62: {  	s12 =	sshll.u32 @p0 s12, $0xB;
	_ =	strace @p0 $0x80000056  }
0x63: {  	s12 =	sand.u32 @p0 $0x1FFFF800, s12;
	s11 =	rddreg [dreg:$0x5]  }
0x64: {  	s14 =	sadd.s32 @p0 $0x3, s14;
	s11 =	sadd.s32 @p0 s11, s12;
	s12 =	simm.s32 @p0 $0x0  }
0x65: {  	[hbm4b:s11+s12] =	stream.linear.scatter @p0 [tilespmem:s18], [sflag:s14], $0x4000, $0x200038;
	[tilespmem:$0x8100] =	vst v63  }
0x66: {  	p1 =	por p4, p4;
	s11 =	sand.u32 @!p4 $0x1, s13;
	_ =	strace @p0 $0x90000056  }
0x67: {  	s11 =	sadd.s32 @!p1 $0x3, s11;
	_ =	strace @!p1 $0x80000057  }
0x68: {  	_ =	swait.ge @!p1 [sflag:s11], $0x4000  }
0x69: {  	[sflag:s11] =	ssyncset.done @!p1 $0x0  }
0x6a: {  	s10 =	sadd.s32 $0x1, s10;
	[sflag:s11] =	ssyncadd.s32 @!p1 $0xFFFFC000  }
0x6b: {  	p0 =	sne.s32 s10, s6;
	_ =	strace @!p1 $0x90000057  }
.Ltmp1:
0x6c: {  	_ =	strace $0x80000058;
	(pc) =	sbr.rel @p0 .LBB2_1-.Ltmp1, $4  }
0x6d: {  	_ =	swait.ge [sflag:s9], $0x4000  }
0x6e: {  	[sflag:s9] =	ssyncset.done $0x0  }
0x6f: {  	[sflag:s9] =	ssyncadd.s32 $0xFFFFC000  }
0x70: {  	_ =	strace $0x90000058  }
0x71: {  	_ =	sfence.sel $0x180000  }
0x72: {  	[bflag:$0x0] =	sbarrier.arrive $0xFFFF  }
0x73: {  	p0 =	sne.s32 s1, $0x0;
	_ =	strace $0x90000051  }
0x74: {  	s0 =	sadd.s32 @!p0 $0x100000, s0;
	[bflag:$0x2] =	sbarrier.arrive $0xFFFF  }
0x75: {  	[sflag:s0] =	ssyncadd.tile.s32 @!p0 $0x1;
	_ =	shalt  }
.Lfunc_end2:
_tile_overlayer_lowered:
.L_overlay_start_2:
0x76: {  	(tag) =	ssettag $0x2  }
0x77: {  	s0 =	rddreg [dreg:$0x0];
	s2 =	stileid.u32  }
0x78: {  	s1 =	rddreg [dreg:$0x1];
	p0 =	sne.s32 s2, $0x0  }
0x79: {  	s3 =	rddreg [dreg:$0x2];
	[bflag:$0x3] =	sbarrier.arrive $0xFFFF;
	s2 =	simm.s32 @!p0 $0x1C01  }
0x7a: {  	[timem:s3], [sflag:s2] =	dma.local @!p0 [hbm:s0], s1  }
0x7b: {  	s0 =	simm.s32 @!p0 $0x1  }
0x7c: {  	_ =	swait.ge @!p0 [sflag:s0], s1  }
0x7d: {  	s1 =	ssub.s32 @!p0 $0x0, s1;
	[sflag:s0] =	ssyncset.done @!p0 $0x0  }
0x7e: {  	[sflag:s0] =	ssyncadd.s32 @!p0 s1  }
0x7f: {  	[bflag:$0x3] =	sbarrier.arrive $0xFFFF  }
0x80: {  	_ =	shalt  }

// kernel: kernel.16.cloned.1.call-start
scs
__scs_entry_jumppad:
0x0: {  	(pc) =	sbr.rel $0x88, $3  }
0x1: {  	(tag) =	ssettag $0x0;
	lr =	simm.s32 $0x1  }
0x2: {  	[smem:$0x3F9B] =	sst lr;
	_ =	strace $0xD0000000  }
0x3: {  	_ = 	snop  }
0x4: {  	_ = 	snop  }
0x5: {  	_ = 	snop  }
0x6: {  	_ = 	snop  }
0x7: {  	_ = 	snop  }
__scs_overlays_trampoline_lowered:
0x8: {  	[smem:$0x3FAA] =	sst s0  }
0x9: {  	[smem:$0x3FAB] =	sst s1  }
0xa: {  	[smem:$0x3FAC] =	sst s2  }
0xb: {  	[smem:$0x3FAD] =	sst s3  }
0xc: {  	[smem:$0x3FAE] =	sst s4  }
0xd: {  	[smem:$0x3FAF] =	sst s5  }
0xe: {  	[smem:$0x3FB0] =	sst s6  }
0xf: {  	[smem:$0x3FB1] =	sst s7  }
0x10: {  	[smem:$0x3FB2] =	sst s8  }
0x11: {  	[smem:$0x3FB3] =	sst s9;
	s0 =	simm.s32 @!p0 $0x0  }
0x12: {  	s1 =	sld [smem:$0x3F99];
	s0 =	simm.s32 @p0 $0x1  }
0x13: {  	[smem:$0x3FB4] =	sst s0;
	s0 =	simm.s32 @!p1 $0x0  }
0x14: {  	s2 =	sld [smem:$0x3F98];
	s0 =	simm.s32 @p1 $0x1  }
0x15: {  	[smem:$0x3FB5] =	sst s0;
	s0 =	simm.s32 @!p2 $0x0  }
0x16: {  	s3 =	sld [smem:$0x3FDB];
	s0 =	simm.s32 @p2 $0x1  }
0x17: {  	s4 =	simm.s32 $0x1BF5;
	[smem:$0x3FB7] =	sst s0  }
0x18: {  	s0 =	sld [smem:$0x3F9A];
	_ =	swait.ge [sflag:s4], $0x0  }
0x19: {  	s7 =	sld [smem:$0x3F9B]  }
0x1a: {  	s8 =	sadd.s32 $0xFFFFE003, lr  }
0x1b: {  	s9 =	sadd.s32 $0xFFFFFEF7, lr;
	s5 =	simm.s32 $0xFFFFFFFF;
	p2 =	slt.u32 s8, $0xFFFFF086  }
0x1c: {  	p1 =	slt.u32 s9, $0xF7A;
	s5 =	simm.s32 @!p2 $0x0  }
0x1d: {  	s5 =	simm.s32 @p1 $0x1;
	p0 =	seq.s32 s7, s2  }
0x1e: {  	s7 =	smul.u32 @!p0 $0xF7A, s2;
	p2 =	seq.s32 @!p0 s5, $0x0  }
0x1f: {  	s9 =	smul.u32 $0xF7A, s1;
	s8 =	simm.s32 @!p0 $0x1BF5;
	p2 =	por !p2, p0  }
0x20: {  	[sflag:s8] =	ssyncset.s32 @!p0 $0xFFFFF086;
	s6 =	sadd.s32 @!p0 s3, s7;
	s7 =	simm.s32 @!p0 $0x108  }
0x21: {  	s3 =	sadd.s32 s3, s9;
	s6 =	sadd.s32 @!p0 $0x88, s6;
	s7 =	simm.s32 @p2 $0x1082  }
0x22: {  	[simem:s7], [sflag:s8] =	dma.local @!p0 [hbm:s6], $0xF7A  }
0x23: {  	s9 =	sor.u32 $0xD0000000, s2;
	s6 =	simm.s32 $0x108;
	_ =	swait.ge @!p0 [sflag:s8], $0x0  }
0x24: {  	s3 =	sadd.s32 $0x88, s3;
	s6 =	simm.s32 @!p1 $0x1082;
	[sflag:s4] =	ssyncset.s32 $0xFFFFF086  }
0x25: {  	[simem:s6], [sflag:s4] =	dma.local [hbm:s3], $0xF7A  }
0x26: {  	[smem:$0x3F9B] =	sst s1;
	(tag) =	ssettag s2;
	_ =	strace s9  }
0x27: {  	s1 =	sld [smem:$0x3FAB]  }
0x28: {  	s2 =	sld [smem:$0x3FAC]  }
0x29: {  	s4 =	sld [smem:$0x3FAE]  }
0x2a: {  	p0 =	seq.s32 s5, $0x0;
	s5 =	sld [smem:$0x3FAF]  }
0x2b: {  	s6 =	sld [smem:$0x3FB0]  }
0x2c: {  	s7 =	sld [smem:$0x3FB1]  }
0x2d: {  	s3 =	simm.s32 $0x108;
	s8 =	sld [smem:$0x3FB2]  }
0x2e: {  	s3 =	simm.s32 @!p0 $0x1082;
	s9 =	sld [smem:$0x3FB3]  }
0x2f: {  	lr =	sadd.s32 s0, s3;
	s0 =	sld [smem:$0x3FAA]  }
0x30: {  	s3 =	sld [smem:$0x3FAD]  }
0x31: {  	[smem:$0x3FB6] =	sst s10  }
0x32: {  	s10 =	sld [smem:$0x3FB4];
	_ =	sdelay $0x3  }
0x33: {  	p0 =	seq.s32 s10, $0x1;
	s10 =	sld [smem:$0x3FB6];
	_ =	sdelay $0x3  }
0x34: {  	[smem:$0x3FB6] =	sst s10  }
0x35: {  	s10 =	sld [smem:$0x3FB5];
	_ =	sdelay $0x3  }
0x36: {  	p1 =	seq.s32 s10, $0x1;
	s10 =	sld [smem:$0x3FB6];
	_ =	sdelay $0x3  }
0x37: {  	[smem:$0x3FB6] =	sst s10  }
0x38: {  	s10 =	sld [smem:$0x3FB7]  }
0x39: {  	_ = 	snop;
	(pc) =	sbr.ind lr, $3  }
0x3a: {  	_ = 	snop  }
0x3b: {  	_ = 	snop  }
0x3c: {  	p2 =	seq.s32 s10, $0x1;
	s10 =	sld [smem:$0x3FB6]  }
0x3d: {  	_ =	shalt  }
0x3e: {  	_ =	shalt  }
0x3f: {  	_ =	shalt  }
0x40: {  	_ =	shalt  }
0x41: {  	_ =	shalt  }
0x42: {  	_ =	shalt  }
0x43: {  	_ =	shalt  }
0x44: {  	_ =	shalt  }
0x45: {  	_ =	shalt  }
0x46: {  	_ =	shalt  }
0x47: {  	_ =	shalt  }
0x48: {  	_ =	shalt  }
0x49: {  	_ =	shalt  }
0x4a: {  	_ =	shalt  }
0x4b: {  	_ =	shalt  }
0x4c: {  	_ =	shalt  }
0x4d: {  	_ =	shalt  }
0x4e: {  	_ =	shalt  }
0x4f: {  	_ =	shalt  }
0x50: {  	_ =	shalt  }
0x51: {  	_ =	shalt  }
0x52: {  	_ =	shalt  }
0x53: {  	_ =	shalt  }
0x54: {  	_ =	shalt  }
0x55: {  	_ =	shalt  }
0x56: {  	_ =	shalt  }
0x57: {  	_ =	shalt  }
0x58: {  	_ =	shalt  }
0x59: {  	_ =	shalt  }
0x5a: {  	_ =	shalt  }
0x5b: {  	_ =	shalt  }
0x5c: {  	_ =	shalt  }
0x5d: {  	_ =	shalt  }
0x5e: {  	_ =	shalt  }
0x5f: {  	_ =	shalt  }
0x60: {  	_ =	shalt  }
0x61: {  	_ =	shalt  }
0x62: {  	_ =	shalt  }
0x63: {  	_ =	shalt  }
0x64: {  	_ =	shalt  }
0x65: {  	_ =	shalt  }
0x66: {  	_ =	shalt  }
0x67: {  	_ =	shalt  }
0x68: {  	_ =	shalt  }
0x69: {  	_ =	shalt  }
0x6a: {  	_ =	shalt  }
0x6b: {  	_ =	shalt  }
0x6c: {  	_ =	shalt  }
0x6d: {  	_ =	shalt  }
0x6e: {  	_ =	shalt  }
0x6f: {  	_ =	shalt  }
0x70: {  	_ =	shalt  }
0x71: {  	_ =	shalt  }
0x72: {  	_ =	shalt  }
0x73: {  	_ =	shalt  }
0x74: {  	_ =	shalt  }
0x75: {  	_ =	shalt  }
0x76: {  	_ =	shalt  }
0x77: {  	_ =	shalt  }
0x78: {  	_ =	shalt  }
0x79: {  	_ =	shalt  }
0x7a: {  	_ =	shalt  }
0x7b: {  	_ =	shalt  }
0x7c: {  	_ =	shalt  }
0x7d: {  	_ =	shalt  }
0x7e: {  	_ =	shalt  }
0x7f: {  	_ =	shalt  }
0x80: {  	_ =	shalt  }
0x81: {  	_ =	shalt  }
0x82: {  	_ =	shalt  }
0x83: {  	_ =	shalt  }
0x84: {  	_ =	shalt  }
0x85: {  	_ =	shalt  }
0x86: {  	_ =	shalt  }
0x87: {  	_ =	shalt  }
.Lfunc_end0:
.L_simem_size_0:
called_computation.2_lowered:
.L_overlay_start_0:
0x88: {  	s2 =	sld [smem:$0x3FD9]  }
0x89: {  	s3 =	sld [smem:$0x3FFE];
	_ =	sdelay $0x1  }
0x8a: {  	s1 =	srdreg.scid  }
0x8b: {  	s0 =	sand.u32 $0x1, s1  }
0x8c: {  	s17 =	sshll.u32 s0, $0xA;
	s2 =	sadd.s32 s3, s2  }
0x8d: {  	s2 =	sadd.s32 s2, s17  }
0x8e: {  	[smem:$0x3FC2] =	sst s2  }
0x8f: {  	_ = 	snop  }
0x90: {  	s18 =	sld [smem:$0x3FC8];
	(tm) =	ssettm $0x1  }
0x91: {  	s19 =	sld [smem:$0x3FFB];
	_ =	sdelay $0x3  }
0x92: {  	_ =	strace s19  }
0x93: {  	s2 =	sld [smem:$0x3FFC];
	_ =	sdelay $0x3  }
0x94: {  	_ =	strace s2  }
0x95: {  	s2 =	sld [smem:$0x3FFD];
	_ =	sdelay $0x3  }
0x96: {  	_ =	strace s2  }
0x97: {  	_ =	strace $0x8FFFFFFF  }
0x98: {  	s20 =	sld [smem:$0x3FDB];
	_ =	sdelay $0x1  }
0x99: {  	s4 =	simm.s32 $_scs_section_size  }
0x9a: {  	s5 =	simm.s32 $_size__tile_overlayer_lowered;
	s6 =	simm.s32 $_tile_overlayer_lowered  }
0x9b: {  	s7 =	simm.s32 $0x1BFF;
	s21 =	sshll.u32 s6, $0x1;
	s4 =	sadd.s32 s4, s20  }
0x9c: {  	s22 =	simm.s32 $0x0;
	s5 =	sshll.u32 s5, $0x1;
	s6 =	sadd.s32 s21, s4  }
0x9d: {  	[timem:s22], [sflag:s7] =	dma.local [hbm:s6], s5  }
0x9e: {  	_ =	swait.ge [sflag:s7], s5  }
0x9f: {  	s5 =	ssub.s32 $0x0, s5;
	[sflag:s7] =	ssyncset.done $0x0  }
0xa0: {  	[sflag:s7] =	ssyncadd.s32 s5;
	_ =	sdelay $0x1  }
0xa1: {  	s23 =	simm.s32 $0x1B8B  }
0xa2: {  	_ =	swait.ge [sflag:s23], $0x1  }
0xa3: {  	[sflag:s23] =	ssyncset.done $0x0  }
0xa4: {  	[sflag:s23] =	ssyncadd.s32 $0xFFFFFFFF  }
0xa5: {  	s5 =	sld [smem:$0x0]  }
0xa6: {  	s6 =	sand.u32 $0xFFFFFFFE, s1  }
0xa7: {  	p0 =	sne.s32 s1, s6  }
0xa8: {  	s6 =	sshll.u32 @p0 s6, $0xE  }
0xa9: {  	s6 =	sadd.s32 @p0 $0x11B8D, s6;
	s7 =	sshll.u32 @p0 s5, $0x11  }
0xaa: {  	s6 =	sor.u32 @p0 s7, s6  }
0xab: {  	[sflag:s6] =	ssyncadd.remote.s32 @p0 $0x1;
	_ =	sdelay $0x1  }
0xac: {  	s6 =	simm.s32 @p0 $0x1B8D  }
0xad: {  	_ =	swait.eq @p0 [sflag:s6], $0x1  }
0xae: {  	[sflag:s6] =	ssyncadd.s32 @p0 $0xFFFFFFFF  }
0xaf: {  	s7 =	sshll.u32 @!p0 s1, $0xE  }
0xb0: {  	s7 =	sor.u32 @!p0 $0x4000, s7;
	s6 =	simm.s32 @!p0 $0x1B8D  }
0xb1: {  	s5 =	sshll.u32 @!p0 s5, $0x11;
	s7 =	sadd.s32 @!p0 $0x11B8D, s7;
	_ =	swait.eq @!p0 [sflag:s6], $0x1  }
0xb2: {  	s5 =	sor.u32 @!p0 s5, s7;
	[sflag:s6] =	ssyncadd.s32 @!p0 $0xFFFFFFFF  }
0xb3: {  	s25 =	simm.s32 $0x1B8E;
	s24 =	sld [smem:$0x3FFE];
	[sflag:s5] =	ssyncadd.remote.s32 @!p0 $0x1  }
0xb4: {  	s26 =	simm.s32 $execute0_lowered;
	[smem:$0x3FD2] =	sst s25  }
0xb5: {  	s6 =	sshll.u32 s26, $0x1;
	_ =	strace $0x8000005A;
	[dreg:$0x1] =	wrdreg $0xFFFFFFFF  }
0xb6: {  	s28 =	simm.s32 $_size_execute0_lowered;
	s4 =	sadd.s32 s4, s6;
	[dreg:$0x0] =	wrdreg $0x0  }
0xb7: {  	s6 =	sshll.u32 s28, $0x1;
	[dreg:$0x2] =	wrdreg s4  }
0xb8: {  	[dreg:$0x3] =	wrdreg s6  }
0xb9: {  	[dreg:$0x4] =	wrdreg $0xC0  }
0xba: {  	_ =	task [dreg:s22], $0x5FFFF  }
0xbb: {  	[dreg:$0x1] =	wrdreg $0xFFFFFFFF  }
0xbc: {  	[dreg:$0x0] =	wrdreg $0x60  }
0xbd: {  	[dreg:$0x2] =	wrdreg s18  }
0xbe: {  	[dreg:$0x3] =	wrdreg s24  }
0xbf: {  	[dreg:$0x4] =	wrdreg $0xB  }
0xc0: {  	_ =	task.clear_ibuf [dreg:s22], $0x5FFFF;
	_ =	strace $0x9000005A  }
0xc1: {  	s29 =	simm.s32 $0xB;
	_ =	strace $0x80000063  }
0xc2: {  	_ =	swait.ge [sflag:s29], $0x1  }
0xc3: {  	[sflag:s29] =	ssyncadd.s32 $0xFFFFFFFF  }
0xc4: {  	_ =	strace $0x90000063  }
0xc5: {  	_ =	sfence  }
0xc6: {  	s30 =	sld [smem:$0x0];
	_ =	sdelay $0x2  }
0xc7: {  	s31 =	sshll.u32 s1, $0xD;
	s1 =	sshrl.u32 s1, $0x2  }
0xc8: {  	s4 =	sand.u32 $0x4000, s31;
	s1 =	sadd.s32 s1, s30  }
0xc9: {  	s0 =	sor.u32 s4, s0;
	s1 =	sshll.u32 s1, $0x11  }
0xca: {  	s0 =	sor.u32 s1, s0  }
0xcb: {  	s0 =	sadd.s32 $0x8F2B, s0  }
0xcc: {  	[sflag:s0] =	ssyncadd.remote.s32 $0x1  }
0xcd: {  	_ =	sfence.sel $0xFFFF  }
0xce: {  	[dreg:$0x0] =	wrdreg $0xFFFFFFFF;
	(pc) =	sbr.abs _section_cstart, $3  }
0xcf: {  	[dreg:$0x1] =	wrdreg $0xFFFFFFFF  }
0xd0: {  	_ =	task.clear_ibuf [dreg:s22], $0x2FFFF;
	_ =	strace $0x9FFFFFFF  }
0xd1: {  	(tm) =	ssettm $0x7FFFFFFF  }
tec
execute0_lowered:
.L_overlay_start_1:
0x0: {  	(tag) =	ssettag $0x1  }
0x1: {  	s0 =	rddreg [dreg:$0x0]  }
0x2: {  	s1 =	srdreg.scid;
	s5 =	rddreg [dreg:$0x1]  }
0x3: {  	s2 =	simm.s32 $0x0;
	s9 =	simm.s32 $0x80;
	[dreg:$0x3] =	wrdreg s0  }
0x4: {  	s10 =	simm.s32 $0x0;
	s4 =	sand.u32 $0x1, s1;
	s0 =	rddreg [dreg:$0x2]  }
0x5: {  	s1 =	stileid.u32;
	[smem:$0x7FF] =	sst s2;
	s3 =	sshll.u32 s4, $0x4  }
0x6: {  	_ =	strace $0x8000005B;
	s4 =	ssub.s32 $0x2, s4;
	s6 =	sor.u32 s1, s3  }
0x7: {  	[dreg:$0x4] =	wrdreg s9;
	s9 =	simm.s32 $0x3;
	s7 =	smul.u32 $0xC80, s6  }
0x8: {  	s3 =	sadd.s32 $0x1600, s5;
	s5 =	sadd.s32 $0x1EB600, s5;
	s8 =	sshrl.u32 s4, $0x1  }
0x9: {  	[dreg:$0x5] =	wrdreg s5;
	s8 =	ssub.s32 s4, s8;
	s7 =	sshrl.u32 s7, $0x3  }
0xa: {  	s4 =	smul.u32 $0x19, s6;
	s6 =	smax.u32 s8, $0x1;
	s31 =	sadd.s32 s3, s7  }
0xb: {  	s8 =	simm.s32 $0x5;
	s7 =	simm.s32 $0x1;
	s5 =	sadd.s32 $0x3C00, s31  }
.LBB2_1:
0xc: {  	_ =	strace $0x8000005C  }
0xd: {  	s17 =	simm.s32 $0x1;
	p0 =	por $0x0, $0x0;
	p1 =	por $0x1, $0x1  }
0xe: {  	[tilespmem:s2], [sflag:$0x1] =	stream.linear.gather [hbm4b:s5+s2], $0x80, $0x200038;
	[tilespmem:$0x8100] =	vst v63  }
0xf: {  	s16 =	sadd.s32 $0x0, s4;
	s21 =	sand.u32 $0x1, s2;
	s17 =	simm.s32 @p0 $0x0  }
0x10: {  	p4 =	por $0x0, $0x0;
	s20 =	simm.s32 $0x0;
	p0 =	sne.s32 s17, $0x0  }
0x11: {  	p6 =	por $0x0, $0x0;
	p3 =	por $0x0, $0x0;
	p1 =	por !p1, !p0  }
0x12: {  	p5 =	por $0x1, $0x1;
	s31 =	sadd.s32 $0x1, s21;
	p2 =	por !p1, !p1  }
0x13: {  	s24 =	sshll.u32 s21, $0xE;
	s20 =	sand.u32 $0x80, s20;
	s11 =	sadd.s32 @p2 s4, s17  }
0x14: {  	_ =	strace $0x9000005C;
	s24 =	sor.u32 $0x100, s24;
	s12 =	sshll.u32 @p2 s11, $0x7  }
0x15: {  	p0 =	por p0, p0;
	s13 =	sand.u32 @p2 $0x1, s7;
	s12 =	sadd.s32 @p2 $0x1E000, s12  }
0x16: {  	s15 =	simm.s32 @p2 $0x0;
	_ =	strace @p2 $0x8000005D;
	s12 =	sshrl.u32 @p2 s12, $0x3  }
0x17: {  	s14 =	sshll.u32 @p2 s13, $0x7;
	s13 =	sadd.s32 @p2 $0x1, s13;
	s12 =	sadd.s32 @p2 s3, s12  }
0x18: {  	[tilespmem:s14], [sflag:s13] =	stream.linear.gather @p2 [hbm4b:s12+s15], $0x80, $0x200038;
	[tilespmem:$0x8100] =	vst v63  }
0x19: {  	p1 =	por $0x1, $0x1;
	p6 =	por p6, p0;
	_ =	strace @p2 $0x9000005D  }
0x1a: {  	s18 =	sand.u32 @!p1 $0x1, s2;
	p1 =	por p1, p1;
	_ =	strace $0x8000005E  }
0x1b: {  	s11 =	simm.s32 $0x18;
	s19 =	sadd.s32 @!p1 $0x3, s18;
	_ =	swait.ge [sflag:s31], $0x80  }
0x1c: {  	s18 =	sadd.s32 $0x1, s17;
	s12 =	simm.s32 $0x1;
	[sflag:s31] =	ssyncset.done $0x0  }
0x1d: {  	s15 =	simm.s32 $0x17;
	s13 =	simm.s32 $0x1;
	[sflag:s31] =	ssyncadd.s32 $0xFFFFFF80  }
0x1e: {  	s13 =	simm.s32 @!p3 $0x0;
	p3 =	seq.s32 s18, $0x19;
	_ =	strace $0x9000005E  }
0x1f: {  	s12 =	simm.s32 @!p2 $0x0;
	s18 =	simm.s32 @p3 $0x0;
	_ =	strace $0x8000005F  }
0x20: {  	s14 =	sadd.s32 $0x1, s12;
	p3 =	sne.s32 s17, s18;
	s22 =	rddreg [dreg:$0x3]  }
0x21: {  	s12 =	sadd.s32 s4, s17;
	p5 =	por !p5, !p3;
	s23 =	rddreg [dreg:$0x4]  }
0x22: {  	[tilespmem:s24], [sflag:$0x5] =	stream.indirect.gather [hbm4b:s22+s23], $0x80, s20, s23, $0x2000b8;
	[tilespmem:$0x8100] =	vst v63  }
0x23: {  	s13 =	sadd.s32 $0x0, s13;
	p2 =	por !p5, !p5;
	_ =	swait.ge [sflag:s8], $0x4000  }
0x24: {  	s17 =	sadd.s32 @p2 s4, s18;
	s28 =	sand.u32 @p2 $0x1, s14;
	[sflag:s8] =	ssyncset.done $0x0  }
0x25: {  	s25 =	sshll.u32 @p2 s28, $0x7;
	s23 =	simm.s32 $0x1;
	[sflag:s8] =	ssyncadd.s32 $0xFFFFC000  }
0x26: {  	s22 =	sshll.u32 @p2 s17, $0x7;
	s17 =	simm.s32 $0x0;
	_ =	strace $0x9000005F  }
0x27: {  	s20 =	simm.s32 $0x0;
	s23 =	simm.s32 @!p6 $0x0;
	_ =	strace @p6 $0x80000060  }
.LBB2_2:
0x28: {  	s31 =	rddreg [dreg:$0x5];
	p0 =	por p3, p3  }
0x29: {  	[smem:$0x7FC] =	sst s0;
	s0 =	simm.s32 @!p0 $0x0  }
0x2a: {  	s16 =	sshll.u32 @p6 s16, $0xB;
	s0 =	simm.s32 @p0 $0x1  }
0x2b: {  	s21 =	sadd.s32 @p6 $0x3, s21;
	s16 =	sand.u32 @p6 $0x1FFFF800, s16;
	[smem:$0x7FD] =	sst s0  }
0x2c: {  	s16 =	sadd.s32 @p6 s31, s16;
	s31 =	simm.s32 @p6 $0x0;
	s0 =	sld [smem:$0x7FC]  }
0x2d: {  	[hbm4b:s16+s31] =	stream.linear.scatter @p6 [tilespmem:s24], [sflag:s21], $0x4000, $0x200038;
	[tilespmem:$0x8100] =	vst v63  }
0x2e: {  	s29 =	sadd.s32 @p2 $0x1E000, s22;
	_ =	strace @p6 $0x90000060  }
0x2f: {  	s30 =	simm.s32 $0x1;
	s26 =	smov.u32 s11;
	_ =	strace @!p1 $0x80000061  }
0x30: {  	s11 =	smov.u32 s15;
	s22 =	smov.u32 s18;
	_ =	swait.ge @!p1 [sflag:s19], $0x4000  }
0x31: {  	s17 =	sadd.s32 s23, s17;
	s28 =	sadd.s32 @p2 $0x1, s28;
	[sflag:s19] =	ssyncset.done @!p1 $0x0  }
0x32: {  	s20 =	sadd.s32 s23, s20;
	s15 =	sadd.s32 $0xFFFFFFFF, s15;
	[sflag:s19] =	ssyncadd.s32 @!p1 $0xFFFFC000  }
0x33: {  	s23 =	sand.u32 @!p4 $0x1, s13;
	s29 =	sshrl.u32 @p2 s29, $0x3;
	_ =	strace @!p1 $0x90000061  }
0x34: {  	s29 =	sadd.s32 @p2 s3, s29;
	s24 =	simm.s32 @p2 $0x0;
	_ =	strace @p2 $0x8000005D  }
0x35: {  	[tilespmem:s25], [sflag:s28] =	stream.linear.gather @p2 [hbm4b:s29+s24], $0x80, $0x200038;
	[tilespmem:$0x8100] =	vst v63  }
0x36: {  	s30 =	simm.s32 @!p2 $0x0;
	s31 =	sand.u32 $0x1, s20;
	_ =	strace @p2 $0x9000005D  }
0x37: {  	p3 =	sne.s32 s26, $0x19;
	s24 =	sadd.s32 $0x1, s31;
	_ =	strace $0x8000005E  }
0x38: {  	s14 =	sadd.s32 s30, s14;
	s16 =	smov.u32 s12;
	_ =	swait.ge [sflag:s24], $0x80  }
0x39: {  	s12 =	sadd.s32 s4, s18;
	s21 =	sand.u32 $0x1, s17;
	[sflag:s24] =	ssyncset.done $0x0  }
0x3a: {  	s18 =	sadd.s32 $0x1, s18;
	p1 =	por p4, p4;
	[sflag:s24] =	ssyncadd.s32 $0xFFFFFF80  }
0x3b: {  	s19 =	sadd.s32 @!p1 $0x3, s23;
	s25 =	sshll.u32 s20, $0x7;
	_ =	strace $0x9000005E  }
0x3c: {  	s28 =	sshll.u32 s21, $0xE;
	s24 =	simm.s32 $0x1;
	_ =	strace $0x8000005F  }
0x3d: {  	s23 =	sand.u32 $0x80, s25;
	s24 =	simm.s32 @!p3 $0x0;
	s29 =	rddreg [dreg:$0x3]  }
0x3e: {  	s13 =	sadd.s32 s24, s13;
	s24 =	sor.u32 $0x100, s28;
	s30 =	rddreg [dreg:$0x4]  }
0x3f: {  	[tilespmem:s24], [sflag:$0x5] =	stream.indirect.gather [hbm4b:s29+s30], $0x80, s23, s30, $0x2000b8;
	[tilespmem:$0x8100] =	vst v63  }
0x40: {  	p5 =	sne.s32 s15, $0x0;
	p3 =	seq.s32 s18, $0x19;
	_ =	swait.ge [sflag:s8], $0x4000  }
0x41: {  	p0 =	sne.s32 s11, $0x1;
	s18 =	simm.s32 @p3 $0x0;
	s31 =	sld [smem:$0x7FD]  }
0x42: {  	p4 =	seq.s32 s11, $0x19;
	p2 =	seq.s32 s26, $0x1;
	p3 =	sne.s32 s22, s18  }
.Ltmp0:
0x43: {  	p0 =	por !p0, !p3;
	[sflag:s8] =	ssyncset.done $0x0;
	(pc) =	sbr.rel @p5 .LBB2_2-.Ltmp0, $4  }
0x44: {  	s23 =	simm.s32 $0x1;
	[sflag:s8] =	ssyncadd.s32 $0xFFFFC000;
	p6 =	seq.s32 s31, $0x1  }
0x45: {  	_ =	strace $0x9000005F;
	p6 =	por p2, p6;
	p2 =	por !p0, !p0  }
0x46: {  	s23 =	simm.s32 @!p6 $0x0;
	s22 =	sadd.s32 @p2 s4, s18;
	s28 =	sand.u32 @p2 $0x1, s14  }
0x47: {  	_ =	strace @p6 $0x80000060;
	s22 =	sshll.u32 @p2 s22, $0x7;
	s25 =	sshll.u32 @p2 s28, $0x7  }
0x48: {  	s15 =	sshll.u32 @p6 s16, $0xB  }
0x49: {  	s14 =	rddreg [dreg:$0x5];
	s15 =	sand.u32 @p6 $0x1FFFF800, s15  }
0x4a: {  	s16 =	sadd.s32 @p6 $0x3, s21;
	s14 =	sadd.s32 @p6 s14, s15;
	s15 =	simm.s32 @p6 $0x0  }
0x4b: {  	[hbm4b:s14+s15] =	stream.linear.scatter @p6 [tilespmem:s24], [sflag:s16], $0x4000, $0x200038;
	[tilespmem:$0x8100] =	vst v63  }
0x4c: {  	_ =	strace @p6 $0x90000060  }
0x4d: {  	_ =	strace @!p1 $0x80000061  }
0x4e: {  	_ =	swait.ge @!p1 [sflag:s19], $0x4000  }
0x4f: {  	[sflag:s19] =	ssyncset.done @!p1 $0x0  }
0x50: {  	s18 =	simm.s32 @p2 $0x0;
	s14 =	sadd.s32 @p2 $0x1E000, s22;
	[sflag:s19] =	ssyncadd.s32 @!p1 $0xFFFFC000  }
0x51: {  	s15 =	sadd.s32 @p2 $0x1, s28;
	s14 =	sshrl.u32 @p2 s14, $0x3;
	_ =	strace @!p1 $0x90000061  }
0x52: {  	s24 =	sadd.s32 s23, s20;
	s14 =	sadd.s32 @p2 s3, s14;
	_ =	strace @p2 $0x8000005D  }
0x53: {  	[tilespmem:s25], [sflag:s15] =	stream.linear.gather @p2 [hbm4b:s14+s18], $0x80, $0x200038;
	[tilespmem:$0x8100] =	vst v63  }
0x54: {  	s26 =	sand.u32 $0x1, s24;
	_ =	strace @p2 $0x9000005D  }
0x55: {  	s14 =	sadd.s32 $0x1, s26;
	_ =	strace $0x8000005E  }
0x56: {  	_ =	swait.ge [sflag:s14], $0x80  }
0x57: {  	[sflag:s14] =	ssyncset.done $0x0  }
0x58: {  	[sflag:s14] =	ssyncadd.s32 $0xFFFFFF80  }
0x59: {  	s28 =	sadd.s32 s23, s17;
	_ =	strace $0x9000005E  }
0x5a: {  	s14 =	sand.u32 $0x1, s28;
	_ =	strace $0x8000005F  }
0x5b: {  	s16 =	sshll.u32 s24, $0x7;
	s31 =	sshll.u32 s14, $0xE;
	s29 =	rddreg [dreg:$0x3]  }
0x5c: {  	s16 =	sand.u32 $0x80, s16;
	s18 =	sor.u32 $0x100, s31;
	s30 =	rddreg [dreg:$0x4]  }
0x5d: {  	[tilespmem:s18], [sflag:$0x5] =	stream.indirect.gather [hbm4b:s29+s30], $0x80, s16, s30, $0x2000b8;
	[tilespmem:$0x8100] =	vst v63  }
0x5e: {  	_ =	swait.ge [sflag:s8], $0x4000  }
0x5f: {  	[sflag:s8] =	ssyncset.done $0x0  }
0x60: {  	p0 =	por p3, p3;
	p6 =	seq.s32 s11, $0x1;
	[sflag:s8] =	ssyncadd.s32 $0xFFFFC000  }
0x61: {  	p0 =	por p6, p0;
	_ =	strace $0x9000005F  }
0x62: {  	s12 =	sshll.u32 @p0 s12, $0xB;
	_ =	strace @p0 $0x80000060  }
0x63: {  	s12 =	sand.u32 @p0 $0x1FFFF800, s12;
	s11 =	rddreg [dreg:$0x5]  }
0x64: {  	s14 =	sadd.s32 @p0 $0x3, s14;
	s11 =	sadd.s32 @p0 s11, s12;
	s12 =	simm.s32 @p0 $0x0  }
0x65: {  	[hbm4b:s11+s12] =	stream.linear.scatter @p0 [tilespmem:s18], [sflag:s14], $0x4000, $0x200038;
	[tilespmem:$0x8100] =	vst v63  }
0x66: {  	p1 =	por p4, p4;
	s11 =	sand.u32 @!p4 $0x1, s13;
	_ =	strace @p0 $0x90000060  }
0x67: {  	s11 =	sadd.s32 @!p1 $0x3, s11;
	_ =	strace @!p1 $0x80000061  }
0x68: {  	_ =	swait.ge @!p1 [sflag:s11], $0x4000  }
0x69: {  	[sflag:s11] =	ssyncset.done @!p1 $0x0  }
0x6a: {  	s10 =	sadd.s32 $0x1, s10;
	[sflag:s11] =	ssyncadd.s32 @!p1 $0xFFFFC000  }
0x6b: {  	p0 =	sne.s32 s10, s6;
	_ =	strace @!p1 $0x90000061  }
.Ltmp1:
0x6c: {  	_ =	strace $0x80000062;
	(pc) =	sbr.rel @p0 .LBB2_1-.Ltmp1, $4  }
0x6d: {  	_ =	swait.ge [sflag:s9], $0x4000  }
0x6e: {  	[sflag:s9] =	ssyncset.done $0x0  }
0x6f: {  	[sflag:s9] =	ssyncadd.s32 $0xFFFFC000  }
0x70: {  	_ =	strace $0x90000062  }
0x71: {  	_ =	sfence.sel $0x180000  }
0x72: {  	[bflag:$0x0] =	sbarrier.arrive $0xFFFF  }
0x73: {  	p0 =	sne.s32 s1, $0x0;
	_ =	strace $0x9000005B  }
0x74: {  	s0 =	sadd.s32 @!p0 $0x100000, s0;
	[bflag:$0x2] =	sbarrier.arrive $0xFFFF  }
0x75: {  	[sflag:s0] =	ssyncadd.tile.s32 @!p0 $0x1;
	_ =	shalt  }
.Lfunc_end2:
_tile_overlayer_lowered:
.L_overlay_start_2:
0x76: {  	(tag) =	ssettag $0x2  }
0x77: {  	s0 =	rddreg [dreg:$0x0];
	s2 =	stileid.u32  }
0x78: {  	s1 =	rddreg [dreg:$0x1];
	p0 =	sne.s32 s2, $0x0  }
0x79: {  	s3 =	rddreg [dreg:$0x2];
	[bflag:$0x3] =	sbarrier.arrive $0xFFFF;
	s2 =	simm.s32 @!p0 $0x1C01  }
0x7a: {  	[timem:s3], [sflag:s2] =	dma.local @!p0 [hbm:s0], s1  }
0x7b: {  	s0 =	simm.s32 @!p0 $0x1  }
0x7c: {  	_ =	swait.ge @!p0 [sflag:s0], s1  }
0x7d: {  	s1 =	ssub.s32 @!p0 $0x0, s1;
	[sflag:s0] =	ssyncset.done @!p0 $0x0  }
0x7e: {  	[sflag:s0] =	ssyncadd.s32 @!p0 s1  }
0x7f: {  	[bflag:$0x3] =	sbarrier.arrive $0xFFFF  }
0x80: {  	_ =	shalt  }

// kernel: kernel.19.cloned.1.call-start
scs
__scs_entry_jumppad:
0x0: {  	(pc) =	sbr.rel $0x88, $3  }
0x1: {  	(tag) =	ssettag $0x0;
	lr =	simm.s32 $0x1  }
0x2: {  	[smem:$0x3F9B] =	sst lr;
	_ =	strace $0xD0000000  }
0x3: {  	_ = 	snop  }
0x4: {  	_ = 	snop  }
0x5: {  	_ = 	snop  }
0x6: {  	_ = 	snop  }
0x7: {  	_ = 	snop  }
__scs_overlays_trampoline_lowered:
0x8: {  	[smem:$0x3FAA] =	sst s0  }
0x9: {  	[smem:$0x3FAB] =	sst s1  }
0xa: {  	[smem:$0x3FAC] =	sst s2  }
0xb: {  	[smem:$0x3FAD] =	sst s3  }
0xc: {  	[smem:$0x3FAE] =	sst s4  }
0xd: {  	[smem:$0x3FAF] =	sst s5  }
0xe: {  	[smem:$0x3FB0] =	sst s6  }
0xf: {  	[smem:$0x3FB1] =	sst s7  }
0x10: {  	[smem:$0x3FB2] =	sst s8  }
0x11: {  	[smem:$0x3FB3] =	sst s9;
	s0 =	simm.s32 @!p0 $0x0  }
0x12: {  	s1 =	sld [smem:$0x3F99];
	s0 =	simm.s32 @p0 $0x1  }
0x13: {  	[smem:$0x3FB4] =	sst s0;
	s0 =	simm.s32 @!p1 $0x0  }
0x14: {  	s2 =	sld [smem:$0x3F98];
	s0 =	simm.s32 @p1 $0x1  }
0x15: {  	[smem:$0x3FB5] =	sst s0;
	s0 =	simm.s32 @!p2 $0x0  }
0x16: {  	s3 =	sld [smem:$0x3FDB];
	s0 =	simm.s32 @p2 $0x1  }
0x17: {  	s4 =	simm.s32 $0x1BF5;
	[smem:$0x3FB7] =	sst s0  }
0x18: {  	s0 =	sld [smem:$0x3F9A];
	_ =	swait.ge [sflag:s4], $0x0  }
0x19: {  	s7 =	sld [smem:$0x3F9B]  }
0x1a: {  	s8 =	sadd.s32 $0xFFFFE003, lr  }
0x1b: {  	s9 =	sadd.s32 $0xFFFFFEF7, lr;
	s5 =	simm.s32 $0xFFFFFFFF;
	p2 =	slt.u32 s8, $0xFFFFF086  }
0x1c: {  	p1 =	slt.u32 s9, $0xF7A;
	s5 =	simm.s32 @!p2 $0x0  }
0x1d: {  	s5 =	simm.s32 @p1 $0x1;
	p0 =	seq.s32 s7, s2  }
0x1e: {  	s7 =	smul.u32 @!p0 $0xF7A, s2;
	p2 =	seq.s32 @!p0 s5, $0x0  }
0x1f: {  	s9 =	smul.u32 $0xF7A, s1;
	s8 =	simm.s32 @!p0 $0x1BF5;
	p2 =	por !p2, p0  }
0x20: {  	[sflag:s8] =	ssyncset.s32 @!p0 $0xFFFFF086;
	s6 =	sadd.s32 @!p0 s3, s7;
	s7 =	simm.s32 @!p0 $0x108  }
0x21: {  	s3 =	sadd.s32 s3, s9;
	s6 =	sadd.s32 @!p0 $0x88, s6;
	s7 =	simm.s32 @p2 $0x1082  }
0x22: {  	[simem:s7], [sflag:s8] =	dma.local @!p0 [hbm:s6], $0xF7A  }
0x23: {  	s9 =	sor.u32 $0xD0000000, s2;
	s6 =	simm.s32 $0x108;
	_ =	swait.ge @!p0 [sflag:s8], $0x0  }
0x24: {  	s3 =	sadd.s32 $0x88, s3;
	s6 =	simm.s32 @!p1 $0x1082;
	[sflag:s4] =	ssyncset.s32 $0xFFFFF086  }
0x25: {  	[simem:s6], [sflag:s4] =	dma.local [hbm:s3], $0xF7A  }
0x26: {  	[smem:$0x3F9B] =	sst s1;
	(tag) =	ssettag s2;
	_ =	strace s9  }
0x27: {  	s1 =	sld [smem:$0x3FAB]  }
0x28: {  	s2 =	sld [smem:$0x3FAC]  }
0x29: {  	s4 =	sld [smem:$0x3FAE]  }
0x2a: {  	p0 =	seq.s32 s5, $0x0;
	s5 =	sld [smem:$0x3FAF]  }
0x2b: {  	s6 =	sld [smem:$0x3FB0]  }
0x2c: {  	s7 =	sld [smem:$0x3FB1]  }
0x2d: {  	s3 =	simm.s32 $0x108;
	s8 =	sld [smem:$0x3FB2]  }
0x2e: {  	s3 =	simm.s32 @!p0 $0x1082;
	s9 =	sld [smem:$0x3FB3]  }
0x2f: {  	lr =	sadd.s32 s0, s3;
	s0 =	sld [smem:$0x3FAA]  }
0x30: {  	s3 =	sld [smem:$0x3FAD]  }
0x31: {  	[smem:$0x3FB6] =	sst s10  }
0x32: {  	s10 =	sld [smem:$0x3FB4];
	_ =	sdelay $0x3  }
0x33: {  	p0 =	seq.s32 s10, $0x1;
	s10 =	sld [smem:$0x3FB6];
	_ =	sdelay $0x3  }
0x34: {  	[smem:$0x3FB6] =	sst s10  }
0x35: {  	s10 =	sld [smem:$0x3FB5];
	_ =	sdelay $0x3  }
0x36: {  	p1 =	seq.s32 s10, $0x1;
	s10 =	sld [smem:$0x3FB6];
	_ =	sdelay $0x3  }
0x37: {  	[smem:$0x3FB6] =	sst s10  }
0x38: {  	s10 =	sld [smem:$0x3FB7]  }
0x39: {  	_ = 	snop;
	(pc) =	sbr.ind lr, $3  }
0x3a: {  	_ = 	snop  }
0x3b: {  	_ = 	snop  }
0x3c: {  	p2 =	seq.s32 s10, $0x1;
	s10 =	sld [smem:$0x3FB6]  }
0x3d: {  	_ =	shalt  }
0x3e: {  	_ =	shalt  }
0x3f: {  	_ =	shalt  }
0x40: {  	_ =	shalt  }
0x41: {  	_ =	shalt  }
0x42: {  	_ =	shalt  }
0x43: {  	_ =	shalt  }
0x44: {  	_ =	shalt  }
0x45: {  	_ =	shalt  }
0x46: {  	_ =	shalt  }
0x47: {  	_ =	shalt  }
0x48: {  	_ =	shalt  }
0x49: {  	_ =	shalt  }
0x4a: {  	_ =	shalt  }
0x4b: {  	_ =	shalt  }
0x4c: {  	_ =	shalt  }
0x4d: {  	_ =	shalt  }
0x4e: {  	_ =	shalt  }
0x4f: {  	_ =	shalt  }
0x50: {  	_ =	shalt  }
0x51: {  	_ =	shalt  }
0x52: {  	_ =	shalt  }
0x53: {  	_ =	shalt  }
0x54: {  	_ =	shalt  }
0x55: {  	_ =	shalt  }
0x56: {  	_ =	shalt  }
0x57: {  	_ =	shalt  }
0x58: {  	_ =	shalt  }
0x59: {  	_ =	shalt  }
0x5a: {  	_ =	shalt  }
0x5b: {  	_ =	shalt  }
0x5c: {  	_ =	shalt  }
0x5d: {  	_ =	shalt  }
0x5e: {  	_ =	shalt  }
0x5f: {  	_ =	shalt  }
0x60: {  	_ =	shalt  }
0x61: {  	_ =	shalt  }
0x62: {  	_ =	shalt  }
0x63: {  	_ =	shalt  }
0x64: {  	_ =	shalt  }
0x65: {  	_ =	shalt  }
0x66: {  	_ =	shalt  }
0x67: {  	_ =	shalt  }
0x68: {  	_ =	shalt  }
0x69: {  	_ =	shalt  }
0x6a: {  	_ =	shalt  }
0x6b: {  	_ =	shalt  }
0x6c: {  	_ =	shalt  }
0x6d: {  	_ =	shalt  }
0x6e: {  	_ =	shalt  }
0x6f: {  	_ =	shalt  }
0x70: {  	_ =	shalt  }
0x71: {  	_ =	shalt  }
0x72: {  	_ =	shalt  }
0x73: {  	_ =	shalt  }
0x74: {  	_ =	shalt  }
0x75: {  	_ =	shalt  }
0x76: {  	_ =	shalt  }
0x77: {  	_ =	shalt  }
0x78: {  	_ =	shalt  }
0x79: {  	_ =	shalt  }
0x7a: {  	_ =	shalt  }
0x7b: {  	_ =	shalt  }
0x7c: {  	_ =	shalt  }
0x7d: {  	_ =	shalt  }
0x7e: {  	_ =	shalt  }
0x7f: {  	_ =	shalt  }
0x80: {  	_ =	shalt  }
0x81: {  	_ =	shalt  }
0x82: {  	_ =	shalt  }
0x83: {  	_ =	shalt  }
0x84: {  	_ =	shalt  }
0x85: {  	_ =	shalt  }
0x86: {  	_ =	shalt  }
0x87: {  	_ =	shalt  }
.Lfunc_end0:
.L_simem_size_0:
called_computation.3_lowered:
.L_overlay_start_0:
0x88: {  	s2 =	sld [smem:$0x3FD9]  }
0x89: {  	s3 =	sld [smem:$0x3FFE];
	_ =	sdelay $0x1  }
0x8a: {  	s1 =	srdreg.scid  }
0x8b: {  	s0 =	sand.u32 $0x1, s1  }
0x8c: {  	s17 =	sshll.u32 s0, $0xA;
	s2 =	sadd.s32 s3, s2  }
0x8d: {  	s2 =	sadd.s32 s2, s17  }
0x8e: {  	[smem:$0x3FC2] =	sst s2  }
0x8f: {  	_ = 	snop  }
0x90: {  	s18 =	sld [smem:$0x3FC8];
	(tm) =	ssettm $0x1  }
0x91: {  	s19 =	sld [smem:$0x3FFB];
	_ =	sdelay $0x3  }
0x92: {  	_ =	strace s19  }
0x93: {  	s2 =	sld [smem:$0x3FFC];
	_ =	sdelay $0x3  }
0x94: {  	_ =	strace s2  }
0x95: {  	s2 =	sld [smem:$0x3FFD];
	_ =	sdelay $0x3  }
0x96: {  	_ =	strace s2  }
0x97: {  	_ =	strace $0x8FFFFFFF  }
0x98: {  	s20 =	sld [smem:$0x3FDB];
	_ =	sdelay $0x1  }
0x99: {  	s4 =	simm.s32 $_scs_section_size  }
0x9a: {  	s5 =	simm.s32 $_size__tile_overlayer_lowered;
	s6 =	simm.s32 $_tile_overlayer_lowered  }
0x9b: {  	s7 =	simm.s32 $0x1BFF;
	s21 =	sshll.u32 s6, $0x1;
	s4 =	sadd.s32 s4, s20  }
0x9c: {  	s22 =	simm.s32 $0x0;
	s5 =	sshll.u32 s5, $0x1;
	s6 =	sadd.s32 s21, s4  }
0x9d: {  	[timem:s22], [sflag:s7] =	dma.local [hbm:s6], s5  }
0x9e: {  	_ =	swait.ge [sflag:s7], s5  }
0x9f: {  	s5 =	ssub.s32 $0x0, s5;
	[sflag:s7] =	ssyncset.done $0x0  }
0xa0: {  	[sflag:s7] =	ssyncadd.s32 s5;
	_ =	sdelay $0x1  }
0xa1: {  	s23 =	simm.s32 $0x1B8B  }
0xa2: {  	_ =	swait.ge [sflag:s23], $0x1  }
0xa3: {  	[sflag:s23] =	ssyncset.done $0x0  }
0xa4: {  	[sflag:s23] =	ssyncadd.s32 $0xFFFFFFFF  }
0xa5: {  	s5 =	sld [smem:$0x0]  }
0xa6: {  	s6 =	sand.u32 $0xFFFFFFFE, s1  }
0xa7: {  	p0 =	sne.s32 s1, s6  }
0xa8: {  	s6 =	sshll.u32 @p0 s6, $0xE  }
0xa9: {  	s6 =	sadd.s32 @p0 $0x11B8D, s6;
	s7 =	sshll.u32 @p0 s5, $0x11  }
0xaa: {  	s6 =	sor.u32 @p0 s7, s6  }
0xab: {  	[sflag:s6] =	ssyncadd.remote.s32 @p0 $0x1;
	_ =	sdelay $0x1  }
0xac: {  	s6 =	simm.s32 @p0 $0x1B8D  }
0xad: {  	_ =	swait.eq @p0 [sflag:s6], $0x1  }
0xae: {  	[sflag:s6] =	ssyncadd.s32 @p0 $0xFFFFFFFF  }
0xaf: {  	s7 =	sshll.u32 @!p0 s1, $0xE  }
0xb0: {  	s7 =	sor.u32 @!p0 $0x4000, s7;
	s6 =	simm.s32 @!p0 $0x1B8D  }
0xb1: {  	s5 =	sshll.u32 @!p0 s5, $0x11;
	s7 =	sadd.s32 @!p0 $0x11B8D, s7;
	_ =	swait.eq @!p0 [sflag:s6], $0x1  }
0xb2: {  	s5 =	sor.u32 @!p0 s5, s7;
	[sflag:s6] =	ssyncadd.s32 @!p0 $0xFFFFFFFF  }
0xb3: {  	s25 =	simm.s32 $0x1B8E;
	s24 =	sld [smem:$0x3FFE];
	[sflag:s5] =	ssyncadd.remote.s32 @!p0 $0x1  }
0xb4: {  	s26 =	simm.s32 $execute0_lowered;
	[smem:$0x3FD2] =	sst s25  }
0xb5: {  	s6 =	sshll.u32 s26, $0x1;
	_ =	strace $0x80000064;
	[dreg:$0x1] =	wrdreg $0xFFFFFFFF  }
0xb6: {  	s28 =	simm.s32 $_size_execute0_lowered;
	s4 =	sadd.s32 s4, s6;
	[dreg:$0x0] =	wrdreg $0x0  }
0xb7: {  	s6 =	sshll.u32 s28, $0x1;
	[dreg:$0x2] =	wrdreg s4  }
0xb8: {  	[dreg:$0x3] =	wrdreg s6  }
0xb9: {  	[dreg:$0x4] =	wrdreg $0xC0  }
0xba: {  	_ =	task [dreg:s22], $0x5FFFF  }
0xbb: {  	[dreg:$0x1] =	wrdreg $0xFFFFFFFF  }
0xbc: {  	[dreg:$0x0] =	wrdreg $0x60  }
0xbd: {  	[dreg:$0x2] =	wrdreg s18  }
0xbe: {  	[dreg:$0x3] =	wrdreg s24  }
0xbf: {  	[dreg:$0x4] =	wrdreg $0xC  }
0xc0: {  	_ =	task.clear_ibuf [dreg:s22], $0x5FFFF;
	_ =	strace $0x90000064  }
0xc1: {  	s29 =	simm.s32 $0xC;
	_ =	strace $0x8000006D  }
0xc2: {  	_ =	swait.ge [sflag:s29], $0x1  }
0xc3: {  	[sflag:s29] =	ssyncadd.s32 $0xFFFFFFFF  }
0xc4: {  	_ =	strace $0x9000006D  }
0xc5: {  	_ =	sfence  }
0xc6: {  	s30 =	sld [smem:$0x0];
	_ =	sdelay $0x2  }
0xc7: {  	s31 =	sshll.u32 s1, $0xD;
	s1 =	sshrl.u32 s1, $0x2  }
0xc8: {  	s4 =	sand.u32 $0x4000, s31;
	s1 =	sadd.s32 s1, s30  }
0xc9: {  	s0 =	sor.u32 s4, s0;
	s1 =	sshll.u32 s1, $0x11  }
0xca: {  	s0 =	sor.u32 s1, s0  }
0xcb: {  	s0 =	sadd.s32 $0x8F2B, s0  }
0xcc: {  	[sflag:s0] =	ssyncadd.remote.s32 $0x1  }
0xcd: {  	_ =	sfence.sel $0xFFFF  }
0xce: {  	[dreg:$0x0] =	wrdreg $0xFFFFFFFF;
	(pc) =	sbr.abs _section_cstart, $3  }
0xcf: {  	[dreg:$0x1] =	wrdreg $0xFFFFFFFF  }
0xd0: {  	_ =	task.clear_ibuf [dreg:s22], $0x2FFFF;
	_ =	strace $0x9FFFFFFF  }
0xd1: {  	(tm) =	ssettm $0x7FFFFFFF  }
tec
execute0_lowered:
.L_overlay_start_1:
0x0: {  	(tag) =	ssettag $0x1  }
0x1: {  	s0 =	rddreg [dreg:$0x0]  }
0x2: {  	s1 =	srdreg.scid;
	s5 =	rddreg [dreg:$0x1]  }
0x3: {  	s2 =	simm.s32 $0x0;
	s9 =	simm.s32 $0x80;
	[dreg:$0x3] =	wrdreg s0  }
0x4: {  	s10 =	simm.s32 $0x0;
	s4 =	sand.u32 $0x1, s1;
	s0 =	rddreg [dreg:$0x2]  }
0x5: {  	s1 =	stileid.u32;
	[smem:$0x7FF] =	sst s2;
	s3 =	sshll.u32 s4, $0x4  }
0x6: {  	_ =	strace $0x80000065;
	s4 =	ssub.s32 $0x2, s4;
	s6 =	sor.u32 s1, s3  }
0x7: {  	[dreg:$0x4] =	wrdreg s9;
	s9 =	simm.s32 $0x3;
	s7 =	smul.u32 $0xC80, s6  }
0x8: {  	s3 =	sadd.s32 $0x1600, s5;
	s5 =	sadd.s32 $0x37B600, s5;
	s8 =	sshrl.u32 s4, $0x1  }
0x9: {  	[dreg:$0x5] =	wrdreg s5;
	s8 =	ssub.s32 s4, s8;
	s7 =	sshrl.u32 s7, $0x3  }
0xa: {  	s4 =	smul.u32 $0x19, s6;
	s6 =	smax.u32 s8, $0x1;
	s31 =	sadd.s32 s3, s7  }
0xb: {  	s8 =	simm.s32 $0x5;
	s7 =	simm.s32 $0x1;
	s5 =	sadd.s32 $0x6E00, s31  }
.LBB2_1:
0xc: {  	_ =	strace $0x80000066  }
0xd: {  	s17 =	simm.s32 $0x1;
	p0 =	por $0x0, $0x0;
	p1 =	por $0x1, $0x1  }
0xe: {  	[tilespmem:s2], [sflag:$0x1] =	stream.linear.gather [hbm4b:s5+s2], $0x80, $0x200038;
	[tilespmem:$0x8100] =	vst v63  }
0xf: {  	s16 =	sadd.s32 $0x0, s4;
	s21 =	sand.u32 $0x1, s2;
	s17 =	simm.s32 @p0 $0x0  }
0x10: {  	p4 =	por $0x0, $0x0;
	s20 =	simm.s32 $0x0;
	p0 =	sne.s32 s17, $0x0  }
0x11: {  	p6 =	por $0x0, $0x0;
	p3 =	por $0x0, $0x0;
	p1 =	por !p1, !p0  }
0x12: {  	p5 =	por $0x1, $0x1;
	s31 =	sadd.s32 $0x1, s21;
	p2 =	por !p1, !p1  }
0x13: {  	s24 =	sshll.u32 s21, $0xE;
	s20 =	sand.u32 $0x80, s20;
	s11 =	sadd.s32 @p2 s4, s17  }
0x14: {  	_ =	strace $0x90000066;
	s24 =	sor.u32 $0x100, s24;
	s12 =	sshll.u32 @p2 s11, $0x7  }
0x15: {  	p0 =	por p0, p0;
	s13 =	sand.u32 @p2 $0x1, s7;
	s12 =	sadd.s32 @p2 $0x37000, s12  }
0x16: {  	s15 =	simm.s32 @p2 $0x0;
	_ =	strace @p2 $0x80000067;
	s12 =	sshrl.u32 @p2 s12, $0x3  }
0x17: {  	s14 =	sshll.u32 @p2 s13, $0x7;
	s13 =	sadd.s32 @p2 $0x1, s13;
	s12 =	sadd.s32 @p2 s3, s12  }
0x18: {  	[tilespmem:s14], [sflag:s13] =	stream.linear.gather @p2 [hbm4b:s12+s15], $0x80, $0x200038;
	[tilespmem:$0x8100] =	vst v63  }
0x19: {  	p1 =	por $0x1, $0x1;
	p6 =	por p6, p0;
	_ =	strace @p2 $0x90000067  }
0x1a: {  	s18 =	sand.u32 @!p1 $0x1, s2;
	p1 =	por p1, p1;
	_ =	strace $0x80000068  }
0x1b: {  	s11 =	simm.s32 $0x18;
	s19 =	sadd.s32 @!p1 $0x3, s18;
	_ =	swait.ge [sflag:s31], $0x80  }
0x1c: {  	s18 =	sadd.s32 $0x1, s17;
	s12 =	simm.s32 $0x1;
	[sflag:s31] =	ssyncset.done $0x0  }
0x1d: {  	s15 =	simm.s32 $0x17;
	s13 =	simm.s32 $0x1;
	[sflag:s31] =	ssyncadd.s32 $0xFFFFFF80  }
0x1e: {  	s13 =	simm.s32 @!p3 $0x0;
	p3 =	seq.s32 s18, $0x19;
	_ =	strace $0x90000068  }
0x1f: {  	s12 =	simm.s32 @!p2 $0x0;
	s18 =	simm.s32 @p3 $0x0;
	_ =	strace $0x80000069  }
0x20: {  	s14 =	sadd.s32 $0x1, s12;
	p3 =	sne.s32 s17, s18;
	s22 =	rddreg [dreg:$0x3]  }
0x21: {  	s12 =	sadd.s32 s4, s17;
	p5 =	por !p5, !p3;
	s23 =	rddreg [dreg:$0x4]  }
0x22: {  	[tilespmem:s24], [sflag:$0x5] =	stream.indirect.gather [hbm4b:s22+s23], $0x80, s20, s23, $0x2000b8;
	[tilespmem:$0x8100] =	vst v63  }
0x23: {  	s13 =	sadd.s32 $0x0, s13;
	p2 =	por !p5, !p5;
	_ =	swait.ge [sflag:s8], $0x4000  }
0x24: {  	s17 =	sadd.s32 @p2 s4, s18;
	s28 =	sand.u32 @p2 $0x1, s14;
	[sflag:s8] =	ssyncset.done $0x0  }
0x25: {  	s25 =	sshll.u32 @p2 s28, $0x7;
	s23 =	simm.s32 $0x1;
	[sflag:s8] =	ssyncadd.s32 $0xFFFFC000  }
0x26: {  	s22 =	sshll.u32 @p2 s17, $0x7;
	s17 =	simm.s32 $0x0;
	_ =	strace $0x90000069  }
0x27: {  	s20 =	simm.s32 $0x0;
	s23 =	simm.s32 @!p6 $0x0;
	_ =	strace @p6 $0x8000006A  }
.LBB2_2:
0x28: {  	s31 =	rddreg [dreg:$0x5];
	p0 =	por p3, p3  }
0x29: {  	[smem:$0x7FC] =	sst s0;
	s0 =	simm.s32 @!p0 $0x0  }
0x2a: {  	s16 =	sshll.u32 @p6 s16, $0xB;
	s0 =	simm.s32 @p0 $0x1  }
0x2b: {  	s21 =	sadd.s32 @p6 $0x3, s21;
	s16 =	sand.u32 @p6 $0x1FFFF800, s16;
	[smem:$0x7FD] =	sst s0  }
0x2c: {  	s16 =	sadd.s32 @p6 s31, s16;
	s31 =	simm.s32 @p6 $0x0;
	s0 =	sld [smem:$0x7FC]  }
0x2d: {  	[hbm4b:s16+s31] =	stream.linear.scatter @p6 [tilespmem:s24], [sflag:s21], $0x4000, $0x200038;
	[tilespmem:$0x8100] =	vst v63  }
0x2e: {  	s29 =	sadd.s32 @p2 $0x37000, s22;
	_ =	strace @p6 $0x9000006A  }
0x2f: {  	s30 =	simm.s32 $0x1;
	s26 =	smov.u32 s11;
	_ =	strace @!p1 $0x8000006B  }
0x30: {  	s11 =	smov.u32 s15;
	s22 =	smov.u32 s18;
	_ =	swait.ge @!p1 [sflag:s19], $0x4000  }
0x31: {  	s17 =	sadd.s32 s23, s17;
	s28 =	sadd.s32 @p2 $0x1, s28;
	[sflag:s19] =	ssyncset.done @!p1 $0x0  }
0x32: {  	s20 =	sadd.s32 s23, s20;
	s15 =	sadd.s32 $0xFFFFFFFF, s15;
	[sflag:s19] =	ssyncadd.s32 @!p1 $0xFFFFC000  }
0x33: {  	s23 =	sand.u32 @!p4 $0x1, s13;
	s29 =	sshrl.u32 @p2 s29, $0x3;
	_ =	strace @!p1 $0x9000006B  }
0x34: {  	s29 =	sadd.s32 @p2 s3, s29;
	s24 =	simm.s32 @p2 $0x0;
	_ =	strace @p2 $0x80000067  }
0x35: {  	[tilespmem:s25], [sflag:s28] =	stream.linear.gather @p2 [hbm4b:s29+s24], $0x80, $0x200038;
	[tilespmem:$0x8100] =	vst v63  }
0x36: {  	s30 =	simm.s32 @!p2 $0x0;
	s31 =	sand.u32 $0x1, s20;
	_ =	strace @p2 $0x90000067  }
0x37: {  	p3 =	sne.s32 s26, $0x19;
	s24 =	sadd.s32 $0x1, s31;
	_ =	strace $0x80000068  }
0x38: {  	s14 =	sadd.s32 s30, s14;
	s16 =	smov.u32 s12;
	_ =	swait.ge [sflag:s24], $0x80  }
0x39: {  	s12 =	sadd.s32 s4, s18;
	s21 =	sand.u32 $0x1, s17;
	[sflag:s24] =	ssyncset.done $0x0  }
0x3a: {  	s18 =	sadd.s32 $0x1, s18;
	p1 =	por p4, p4;
	[sflag:s24] =	ssyncadd.s32 $0xFFFFFF80  }
0x3b: {  	s19 =	sadd.s32 @!p1 $0x3, s23;
	s25 =	sshll.u32 s20, $0x7;
	_ =	strace $0x90000068  }
0x3c: {  	s28 =	sshll.u32 s21, $0xE;
	s24 =	simm.s32 $0x1;
	_ =	strace $0x80000069  }
0x3d: {  	s23 =	sand.u32 $0x80, s25;
	s24 =	simm.s32 @!p3 $0x0;
	s29 =	rddreg [dreg:$0x3]  }
0x3e: {  	s13 =	sadd.s32 s24, s13;
	s24 =	sor.u32 $0x100, s28;
	s30 =	rddreg [dreg:$0x4]  }
0x3f: {  	[tilespmem:s24], [sflag:$0x5] =	stream.indirect.gather [hbm4b:s29+s30], $0x80, s23, s30, $0x2000b8;
	[tilespmem:$0x8100] =	vst v63  }
0x40: {  	p5 =	sne.s32 s15, $0x0;
	p3 =	seq.s32 s18, $0x19;
	_ =	swait.ge [sflag:s8], $0x4000  }
0x41: {  	p0 =	sne.s32 s11, $0x1;
	s18 =	simm.s32 @p3 $0x0;
	s31 =	sld [smem:$0x7FD]  }
0x42: {  	p4 =	seq.s32 s11, $0x19;
	p2 =	seq.s32 s26, $0x1;
	p3 =	sne.s32 s22, s18  }
.Ltmp0:
0x43: {  	p0 =	por !p0, !p3;
	[sflag:s8] =	ssyncset.done $0x0;
	(pc) =	sbr.rel @p5 .LBB2_2-.Ltmp0, $4  }
0x44: {  	s23 =	simm.s32 $0x1;
	[sflag:s8] =	ssyncadd.s32 $0xFFFFC000;
	p6 =	seq.s32 s31, $0x1  }
0x45: {  	_ =	strace $0x90000069;
	p6 =	por p2, p6;
	p2 =	por !p0, !p0  }
0x46: {  	s23 =	simm.s32 @!p6 $0x0;
	s22 =	sadd.s32 @p2 s4, s18;
	s28 =	sand.u32 @p2 $0x1, s14  }
0x47: {  	_ =	strace @p6 $0x8000006A;
	s22 =	sshll.u32 @p2 s22, $0x7;
	s25 =	sshll.u32 @p2 s28, $0x7  }
0x48: {  	s15 =	sshll.u32 @p6 s16, $0xB  }
0x49: {  	s14 =	rddreg [dreg:$0x5];
	s15 =	sand.u32 @p6 $0x1FFFF800, s15  }
0x4a: {  	s16 =	sadd.s32 @p6 $0x3, s21;
	s14 =	sadd.s32 @p6 s14, s15;
	s15 =	simm.s32 @p6 $0x0  }
0x4b: {  	[hbm4b:s14+s15] =	stream.linear.scatter @p6 [tilespmem:s24], [sflag:s16], $0x4000, $0x200038;
	[tilespmem:$0x8100] =	vst v63  }
0x4c: {  	_ =	strace @p6 $0x9000006A  }
0x4d: {  	_ =	strace @!p1 $0x8000006B  }
0x4e: {  	_ =	swait.ge @!p1 [sflag:s19], $0x4000  }
0x4f: {  	[sflag:s19] =	ssyncset.done @!p1 $0x0  }
0x50: {  	s18 =	simm.s32 @p2 $0x0;
	s14 =	sadd.s32 @p2 $0x37000, s22;
	[sflag:s19] =	ssyncadd.s32 @!p1 $0xFFFFC000  }
0x51: {  	s15 =	sadd.s32 @p2 $0x1, s28;
	s14 =	sshrl.u32 @p2 s14, $0x3;
	_ =	strace @!p1 $0x9000006B  }
0x52: {  	s24 =	sadd.s32 s23, s20;
	s14 =	sadd.s32 @p2 s3, s14;
	_ =	strace @p2 $0x80000067  }
0x53: {  	[tilespmem:s25], [sflag:s15] =	stream.linear.gather @p2 [hbm4b:s14+s18], $0x80, $0x200038;
	[tilespmem:$0x8100] =	vst v63  }
0x54: {  	s26 =	sand.u32 $0x1, s24;
	_ =	strace @p2 $0x90000067  }
0x55: {  	s14 =	sadd.s32 $0x1, s26;
	_ =	strace $0x80000068  }
0x56: {  	_ =	swait.ge [sflag:s14], $0x80  }
0x57: {  	[sflag:s14] =	ssyncset.done $0x0  }
0x58: {  	[sflag:s14] =	ssyncadd.s32 $0xFFFFFF80  }
0x59: {  	s28 =	sadd.s32 s23, s17;
	_ =	strace $0x90000068  }
0x5a: {  	s14 =	sand.u32 $0x1, s28;
	_ =	strace $0x80000069  }
0x5b: {  	s16 =	sshll.u32 s24, $0x7;
	s31 =	sshll.u32 s14, $0xE;
	s29 =	rddreg [dreg:$0x3]  }
0x5c: {  	s16 =	sand.u32 $0x80, s16;
	s18 =	sor.u32 $0x100, s31;
	s30 =	rddreg [dreg:$0x4]  }
0x5d: {  	[tilespmem:s18], [sflag:$0x5] =	stream.indirect.gather [hbm4b:s29+s30], $0x80, s16, s30, $0x2000b8;
	[tilespmem:$0x8100] =	vst v63  }
0x5e: {  	_ =	swait.ge [sflag:s8], $0x4000  }
0x5f: {  	[sflag:s8] =	ssyncset.done $0x0  }
0x60: {  	p0 =	por p3, p3;
	p6 =	seq.s32 s11, $0x1;
	[sflag:s8] =	ssyncadd.s32 $0xFFFFC000  }
0x61: {  	p0 =	por p6, p0;
	_ =	strace $0x90000069  }
0x62: {  	s12 =	sshll.u32 @p0 s12, $0xB;
	_ =	strace @p0 $0x8000006A  }
0x63: {  	s12 =	sand.u32 @p0 $0x1FFFF800, s12;
	s11 =	rddreg [dreg:$0x5]  }
0x64: {  	s14 =	sadd.s32 @p0 $0x3, s14;
	s11 =	sadd.s32 @p0 s11, s12;
	s12 =	simm.s32 @p0 $0x0  }
0x65: {  	[hbm4b:s11+s12] =	stream.linear.scatter @p0 [tilespmem:s18], [sflag:s14], $0x4000, $0x200038;
	[tilespmem:$0x8100] =	vst v63  }
0x66: {  	p1 =	por p4, p4;
	s11 =	sand.u32 @!p4 $0x1, s13;
	_ =	strace @p0 $0x9000006A  }
0x67: {  	s11 =	sadd.s32 @!p1 $0x3, s11;
	_ =	strace @!p1 $0x8000006B  }
0x68: {  	_ =	swait.ge @!p1 [sflag:s11], $0x4000  }
0x69: {  	[sflag:s11] =	ssyncset.done @!p1 $0x0  }
0x6a: {  	s10 =	sadd.s32 $0x1, s10;
	[sflag:s11] =	ssyncadd.s32 @!p1 $0xFFFFC000  }
0x6b: {  	p0 =	sne.s32 s10, s6;
	_ =	strace @!p1 $0x9000006B  }
.Ltmp1:
0x6c: {  	_ =	strace $0x8000006C;
	(pc) =	sbr.rel @p0 .LBB2_1-.Ltmp1, $4  }
0x6d: {  	_ =	swait.ge [sflag:s9], $0x4000  }
0x6e: {  	[sflag:s9] =	ssyncset.done $0x0  }
0x6f: {  	[sflag:s9] =	ssyncadd.s32 $0xFFFFC000  }
0x70: {  	_ =	strace $0x9000006C  }
0x71: {  	_ =	sfence.sel $0x180000  }
0x72: {  	[bflag:$0x0] =	sbarrier.arrive $0xFFFF  }
0x73: {  	p0 =	sne.s32 s1, $0x0;
	_ =	strace $0x90000065  }
0x74: {  	s0 =	sadd.s32 @!p0 $0x100000, s0;
	[bflag:$0x2] =	sbarrier.arrive $0xFFFF  }
0x75: {  	[sflag:s0] =	ssyncadd.tile.s32 @!p0 $0x1;
	_ =	shalt  }
.Lfunc_end2:
_tile_overlayer_lowered:
.L_overlay_start_2:
0x76: {  	(tag) =	ssettag $0x2  }
0x77: {  	s0 =	rddreg [dreg:$0x0];
	s2 =	stileid.u32  }
0x78: {  	s1 =	rddreg [dreg:$0x1];
	p0 =	sne.s32 s2, $0x0  }
0x79: {  	s3 =	rddreg [dreg:$0x2];
	[bflag:$0x3] =	sbarrier.arrive $0xFFFF;
	s2 =	simm.s32 @!p0 $0x1C01  }
0x7a: {  	[timem:s3], [sflag:s2] =	dma.local @!p0 [hbm:s0], s1  }
0x7b: {  	s0 =	simm.s32 @!p0 $0x1  }
0x7c: {  	_ =	swait.ge @!p0 [sflag:s0], s1  }
0x7d: {  	s1 =	ssub.s32 @!p0 $0x0, s1;
	[sflag:s0] =	ssyncset.done @!p0 $0x0  }
0x7e: {  	[sflag:s0] =	ssyncadd.s32 @!p0 s1  }
0x7f: {  	[bflag:$0x3] =	sbarrier.arrive $0xFFFF  }
0x80: {  	_ =	shalt  }

</sc_bundles>
